<compile_context>
chip_gen: v7x
topology: tpu7x:2x2x1
jax: 0.10.2.dev20260603
libtpu: 0.0.44.dev20260713+nightly
codegen_flags: <defaults>
</compile_context>

<pallas_src>
import functools

import jax
import jax.numpy as jnp
from jax import lax
from jax.experimental import pallas as pl
from jax.experimental.pallas import tpu as pltpu
from jax.experimental.pallas import tpu_sc as plsc

_N = 10000
_E = 320000
_D = 128
_NHEADS = 4
_ALPHA = 0.2

_NC = 2
_NS = 16
_NW = _NC * _NS
_EPW = _E // _NW
_C = 80
_NCHUNK = _EPW // _C

_BN = 2000


def _tc_proj(xt, xp, pc, pp, w):

    def body(xt_ref, xp_ref, pc_ref, pp_ref, w_ref, g0_ref, g1_ref, g2_ref):
        f32 = jnp.float32

        def pack_cols(y):
            bits = lax.bitcast_convert_type(
                y.astype(jnp.bfloat16).astype(f32), jnp.int32)
            return bits[:, 64:] | lax.shift_right_logical(bits[:, :64], 16)

        bf16 = jnp.bfloat16
        a0 = jnp.concatenate(
            [jnp.dot(pc_ref[h], w_ref[h, 0:32, :], preferred_element_type=f32)
             for h in range(_NHEADS)], axis=1).astype(bf16)
        a1 = jnp.concatenate(
            [jnp.dot(pc_ref[h], w_ref[h, 32:64, :], preferred_element_type=f32)
             for h in range(_NHEADS)], axis=1).astype(bf16)
        a2 = jnp.concatenate(
            [jnp.dot(pp_ref[h], w_ref[h, 64:96, :], preferred_element_type=f32)
             for h in range(_NHEADS)], axis=1).astype(bf16)
        xt_blk = xt_ref[...].astype(bf16)
        g0_ref[...] = pack_cols(jnp.dot(xt_blk, a0, preferred_element_type=f32))
        g1_ref[...] = pack_cols(jnp.dot(xt_blk, a1, preferred_element_type=f32))
        g2_ref[...] = pack_cols(jnp.dot(xp_ref[...].astype(bf16), a2,
                                        preferred_element_type=f32))

    out = jax.ShapeDtypeStruct((_N, _D // 2), jnp.int32)
    return pl.pallas_call(
        body,
        grid=(_N // _BN,),
        in_specs=[
            pl.BlockSpec((_BN, _D), lambda i: (i, 0)),
            pl.BlockSpec((_BN, _D), lambda i: (i, 0)),
            pl.BlockSpec((_NHEADS, _D, 32), lambda i: (0, 0, 0)),
            pl.BlockSpec((_NHEADS, _D, 32), lambda i: (0, 0, 0)),
            pl.BlockSpec((_NHEADS, 96, 32), lambda i: (0, 0, 0)),
        ],
        out_specs=[
            pl.BlockSpec((_BN, _D // 2), lambda i: (i, 0)),
            pl.BlockSpec((_BN, _D // 2), lambda i: (i, 0)),
            pl.BlockSpec((_BN, _D // 2), lambda i: (i, 0)),
        ],
        out_shape=[out, out, out],
    )(xt, xp, pc, pp, w)


def _sc_gather(g0, g1, g2, idx_flat):
    mesh = plsc.VectorSubcoreMesh(core_axis_name="c", subcore_axis_name="s")

    @functools.partial(
        pl.kernel,
        out_type=jax.ShapeDtypeStruct((_E, _D), jnp.float32),
        mesh=mesh,
        compiler_params=pltpu.CompilerParams(use_tc_tiling_on_sc=False),
        scratch_types=[
            [pltpu.VMEM((_C,), jnp.int32)] * 3,
            [pltpu.VMEM((_C,), jnp.int32)] * 3,
            pltpu.VMEM((3, _C, _D // 2), jnp.int32),
            pltpu.VMEM((3, _C, _D // 2), jnp.int32),
            pltpu.VMEM((_C, _D), jnp.float32),
            pltpu.VMEM((_C, _D), jnp.float32),
            pltpu.SemaphoreType.DMA,
            pltpu.SemaphoreType.DMA,
            pltpu.SemaphoreType.DMA,
            pltpu.SemaphoreType.DMA,
            pltpu.SemaphoreType.DMA,
            pltpu.SemaphoreType.DMA,
        ],
    )
    def body(g0_hbm, g1_hbm, g2_hbm, idx_hbm, out_hbm,
             idx_a, idx_b, rows_a, rows_b, obuf_a, obuf_b,
             sem_ia, sem_ib, sem_ga, sem_gb, sem_oa, sem_ob):
        wid = lax.axis_index("s") * _NC + lax.axis_index("c")
        base = pl.multiple_of(wid * _EPW, 8)
        tables = (g0_hbm, g1_hbm, g2_hbm)

        def fire_idx(g, bufs, sem):
            for k in range(3):
                off = pl.multiple_of(k * _E + base + g * _C, 8)
                pltpu.async_copy(idx_hbm.at[pl.ds(off, _C)], bufs[k], sem)

        def drain_idx(bufs, sem):
            for k in range(3):
                pltpu.make_async_copy(
                    idx_hbm.at[pl.ds(base, _C)], bufs[k], sem).wait()

        def fire_gathers(bufs, rows, sem):
            for k in range(3):
                pltpu.async_copy(tables[k].at[bufs[k]], rows.at[k], sem)

        def drain_gathers(bufs, rows, sem):
            for k in range(3):
                pltpu.make_async_copy(tables[k].at[bufs[k]], rows.at[k], sem
                                      ).wait()

        def compute(rows, obuf):
            mask = jnp.int32(-65536)

            @plsc.parallel_loop(0, _C, unroll=4)
            def edge(e):
                for j in range(_D // 32):
                    s = pl.ds(j * 16, 16)
                    ws = [rows[k, e, s] for k in range(3)]
                    lo = hi = None
                    for w in ws:
                        l = lax.bitcast_convert_type(
                            lax.shift_left(w, 16), jnp.float32)
                        h = lax.bitcast_convert_type(w & mask, jnp.float32)
                        lo = l if lo is None else lo + l
                        hi = h if hi is None else hi + h
                    obuf[e, pl.ds(j * 16, 16)] = jnp.maximum(lo, lo * _ALPHA)
                    obuf[e, pl.ds(64 + j * 16, 16)] = jnp.maximum(hi, hi * _ALPHA)

        def fire_out(g, obuf, sem):
            off = pl.multiple_of(base + g * _C, 8)
            pltpu.async_copy(obuf, out_hbm.at[pl.ds(off, _C)], sem)

        def drain_out(obuf, sem):
            pltpu.make_async_copy(obuf, out_hbm.at[pl.ds(base, _C)], sem).wait()

        fire_idx(0, idx_a, sem_ia)
        drain_idx(idx_a, sem_ia)
        fire_gathers(idx_a, rows_a, sem_ga)
        fire_idx(1, idx_b, sem_ib)
        drain_idx(idx_b, sem_ib)
        fire_gathers(idx_b, rows_b, sem_gb)

        def pair(p, carry):
            g = p * 2
            drain_gathers(idx_a, rows_a, sem_ga)
            fire_idx(g + 2, idx_a, sem_ia)
            pl.when(p >= 1)(lambda: drain_out(obuf_a, sem_oa))
            compute(rows_a, obuf_a)
            fire_out(g, obuf_a, sem_oa)
            drain_idx(idx_a, sem_ia)
            fire_gathers(idx_a, rows_a, sem_ga)
            drain_gathers(idx_b, rows_b, sem_gb)
            pl.when(g + 3 < _NCHUNK)(lambda: fire_idx(g + 3, idx_b, sem_ib))
            pl.when(p >= 1)(lambda: drain_out(obuf_b, sem_ob))
            compute(rows_b, obuf_b)
            fire_out(g + 1, obuf_b, sem_ob)

            def _next_b():
                drain_idx(idx_b, sem_ib)
                fire_gathers(idx_b, rows_b, sem_gb)

            pl.when(g + 3 < _NCHUNK)(_next_b)
            return carry

        lax.fori_loop(0, (_NCHUNK - 1) // 2, pair, 0)

        drain_gathers(idx_a, rows_a, sem_ga)
        drain_out(obuf_a, sem_oa)
        compute(rows_a, obuf_a)
        fire_out(_NCHUNK - 1, obuf_a, sem_oa)
        drain_out(obuf_a, sem_oa)
        drain_out(obuf_b, sem_ob)

    return body(g0, g1, g2, idx_flat)


def kernel(taxPayer_feats, person_feats, item_feats, trans_adj_list,
           P_company, P_person, P_item, W_PCC):
    del item_feats, P_item
    g0, g1, g2 = _tc_proj(taxPayer_feats, person_feats, P_company, P_person, W_PCC)
    return _sc_gather(g0, g1, g2, trans_adj_list.reshape(3 * _E))

# --- scband reference (transcript-rebuilt; emitter-appended) ---
"""Pipeline reference for scband-inner-model-58815282152048 (READ-ONLY COPY).

The authoritative reference and input builder live on the scoring server;
editing this copy changes nothing except your own understanding.
"""

import jax, jax.numpy as jnp
import numpy as np

N_T = 10000
N_P = 10000
N_I = 10000
E = 320000
IN_DIM = 128
OUT_DIM = 32
NHEADS = 4
ALPHA = 0.2


def _xavier(key, shape, gain=1.414):
    fan_in, fan_out = shape[-2], shape[-1]
    limit = gain * np.sqrt(6.0 / (fan_in + fan_out))
    return jax.random.uniform(key, shape, jnp.float32, -limit, limit)


def setup_inputs(seed: int = 0):
    key = jax.random.key(seed)
    ks = jax.random.split(key, 8)
    taxPayer_feats = jax.random.normal(ks[0], (N_T, IN_DIM), dtype=jnp.float32)
    person_feats = jax.random.normal(ks[1], (N_P, IN_DIM), dtype=jnp.float32)
    item_feats = jax.random.normal(ks[2], (N_I, IN_DIM), dtype=jnp.float32)
    trans_adj_list = jax.random.randint(ks[3], (3, E), 0, N_T, dtype=jnp.int32)
    P_company = _xavier(ks[4], (NHEADS, IN_DIM, OUT_DIM))
    P_person = _xavier(ks[5], (NHEADS, IN_DIM, OUT_DIM))
    P_item = _xavier(ks[6], (NHEADS, IN_DIM, OUT_DIM))
    W_PCC = _xavier(ks[7], (NHEADS, OUT_DIM * 3, OUT_DIM))
    return {
        "taxPayer_feats": taxPayer_feats,
        "person_feats": person_feats,
        "item_feats": item_feats,
        "trans_adj_list": trans_adj_list,
        "P_company": P_company,
        "P_person": P_person,
        "P_item": P_item,
        "W_PCC": W_PCC,
    }


def reference(taxPayer_feats, person_feats, item_feats, trans_adj_list, P_company, P_person, P_item, W_PCC):
    # InnerModel layer 0, pattern 'PCC': per-head InstanceAggLayer, head outputs concatenated.
    idx_c0 = trans_adj_list[0]
    idx_c1 = trans_adj_list[1]
    idx_p = trans_adj_list[2]
    heads = []
    for h in range(NHEADS):
        f_taxPayer = jnp.matmul(taxPayer_feats, P_company[h])
        f_person = jnp.matmul(person_feats, P_person[h])
        f_item = jnp.matmul(item_feats, P_item[h])  # computed as in torch forward, unused for pattern PCC
        concat = jnp.concatenate(
            [
                jnp.take(f_taxPayer, idx_c0, axis=0),
                jnp.take(f_taxPayer, idx_c1, axis=0),
                jnp.take(f_person, idx_p, axis=0),
            ],
            axis=1,
        )
        instance = jax.nn.leaky_relu(jnp.matmul(concat, W_PCC[h]), negative_slope=ALPHA)
        heads.append(instance)
    return jnp.concatenate(heads, axis=1)

if __name__ == "__main__":
    import jax
    _d = setup_inputs()
    print(jax.jit(kernel)(*tuple(_d.values())))

</pallas_src>

<mosaic_0001>
#map = affine_map<(d0, d1) -> (0, 0)>
#map1 = affine_map<(d0, d1) -> (0)>
module attributes {stable_mosaic.version = 14 : i64} {
  func.func @body(%arg0: i32, %arg1: i32, %arg2: memref<10000x64xi32, #tpu.memory_space<hbm>>, %arg3: memref<10000x64xi32, #tpu.memory_space<hbm>>, %arg4: memref<10000x64xi32, #tpu.memory_space<hbm>>, %arg5: memref<960000xi32, #tpu.memory_space<hbm>>, %arg6: memref<320000x128xf32, #tpu.memory_space<hbm>>, %arg7: memref<80xi32, #tpu.memory_space<vmem>>, %arg8: memref<80xi32, #tpu.memory_space<vmem>>, %arg9: memref<80xi32, #tpu.memory_space<vmem>>, %arg10: memref<80xi32, #tpu.memory_space<vmem>>, %arg11: memref<80xi32, #tpu.memory_space<vmem>>, %arg12: memref<80xi32, #tpu.memory_space<vmem>>, %arg13: memref<3x80x64xi32, #tpu.memory_space<vmem>>, %arg14: memref<3x80x64xi32, #tpu.memory_space<vmem>>, %arg15: memref<80x128xf32, #tpu.memory_space<vmem>>, %arg16: memref<80x128xf32, #tpu.memory_space<vmem>>, %arg17: memref<!tpu.dma_semaphore, #tpu.memory_space<semaphore_mem>>, %arg18: memref<!tpu.dma_semaphore, #tpu.memory_space<semaphore_mem>>, %arg19: memref<!tpu.dma_semaphore, #tpu.memory_space<semaphore_mem>>, %arg20: memref<!tpu.dma_semaphore, #tpu.memory_space<semaphore_mem>>, %arg21: memref<!tpu.dma_semaphore, #tpu.memory_space<semaphore_mem>>, %arg22: memref<!tpu.dma_semaphore, #tpu.memory_space<semaphore_mem>>) attributes {dimension_semantics = [#tpu.dimension_semantics<core_parallel>, #tpu.dimension_semantics<subcore_parallel>], iteration_bounds = array<i64: 2, 16>, scalar_prefetch = 0 : i64, scratch_operands = 16 : i64, tpu.core_type = #tpu.core_type<sc_vector_subcore>, window_params = [{transform_indices = #map}, {transform_indices = #map}, {transform_indices = #map}, {transform_indices = #map1}, {transform_indices = #map}]} {
    %mul3A = arith.constant 2 : i32
    %mul3A_0 = arith.muli %arg1, %mul3A : i32
    %add3A = arith.addi %mul3A_0, %arg0 : i32
    %mul3A_1 = arith.constant 10000 : i32
    %mul3A_2 = arith.muli %add3A, %mul3A_1 : i32
    %multiple_of3A = tpu.assume_multiple %mul3A_2, 8 : i32
    %add3A_3 = arith.constant 0 : i32
    %add3A_4 = arith.addi %add3A_3, %multiple_of3A : i32
    %add3A_5 = arith.constant 0 : i32
    %add3A_6 = arith.addi %add3A_4, %add3A_5 : i32
    %multiple_of3A_7 = tpu.assume_multiple %add3A_6, 8 : i32
    %dma_start3A = tpu.memref_slice %arg5[%multiple_of3A_7] : memref<960000xi32, #tpu.memory_space<hbm>> -> memref<80xi32, #tpu.memory_space<hbm>>
    %dma_start3A_8 = tpu.memref_slice %arg5[%multiple_of3A_7] : memref<960000xi32, #tpu.memory_space<hbm>> -> memref<80xi32, #tpu.memory_space<hbm>>
    tpu.enqueue_dma source(%dma_start3A_8 : memref<80xi32, #tpu.memory_space<hbm>>) target(%arg7 : memref<80xi32, #tpu.memory_space<vmem>>) target_semaphore(%arg17 : memref<!tpu.dma_semaphore, #tpu.memory_space<semaphore_mem>>)
    %add3A_9 = arith.constant 320000 : i32
    %add3A_10 = arith.addi %add3A_9, %multiple_of3A : i32
    %add3A_11 = arith.constant 0 : i32
    %add3A_12 = arith.addi %add3A_10, %add3A_11 : i32
    %multiple_of3A_13 = tpu.assume_multiple %add3A_12, 8 : i32
    %dma_start3A_14 = tpu.memref_slice %arg5[%multiple_of3A_13] : memref<960000xi32, #tpu.memory_space<hbm>> -> memref<80xi32, #tpu.memory_space<hbm>>
    %dma_start3A_15 = tpu.memref_slice %arg5[%multiple_of3A_13] : memref<960000xi32, #tpu.memory_space<hbm>> -> memref<80xi32, #tpu.memory_space<hbm>>
    tpu.enqueue_dma source(%dma_start3A_15 : memref<80xi32, #tpu.memory_space<hbm>>) target(%arg8 : memref<80xi32, #tpu.memory_space<vmem>>) target_semaphore(%arg17 : memref<!tpu.dma_semaphore, #tpu.memory_space<semaphore_mem>>)
    %add3A_16 = arith.constant 640000 : i32
    %add3A_17 = arith.addi %add3A_16, %multiple_of3A : i32
    %add3A_18 = arith.constant 0 : i32
    %add3A_19 = arith.addi %add3A_17, %add3A_18 : i32
    %multiple_of3A_20 = tpu.assume_multiple %add3A_19, 8 : i32
    %dma_start3A_21 = tpu.memref_slice %arg5[%multiple_of3A_20] : memref<960000xi32, #tpu.memory_space<hbm>> -> memref<80xi32, #tpu.memory_space<hbm>>
    %dma_start3A_22 = tpu.memref_slice %arg5[%multiple_of3A_20] : memref<960000xi32, #tpu.memory_space<hbm>> -> memref<80xi32, #tpu.memory_space<hbm>>
    tpu.enqueue_dma source(%dma_start3A_22 : memref<80xi32, #tpu.memory_space<hbm>>) target(%arg9 : memref<80xi32, #tpu.memory_space<vmem>>) target_semaphore(%arg17 : memref<!tpu.dma_semaphore, #tpu.memory_space<semaphore_mem>>)
    %dma_wait3A = tpu.memref_slice %arg5[%multiple_of3A] : memref<960000xi32, #tpu.memory_space<hbm>> -> memref<80xi32, #tpu.memory_space<hbm>>
    %dma_wait3A_23 = tpu.memref_slice %arg5[%multiple_of3A] : memref<960000xi32, #tpu.memory_space<hbm>> -> memref<80xi32, #tpu.memory_space<hbm>>
    tpu.wait_dma2 semaphore(%arg17 : memref<!tpu.dma_semaphore, #tpu.memory_space<semaphore_mem>>) src(%dma_wait3A_23 : memref<80xi32, #tpu.memory_space<hbm>>) dst(%arg7 : memref<80xi32, #tpu.memory_space<vmem>>)
    %dma_wait3A_24 = tpu.memref_slice %arg5[%multiple_of3A] : memref<960000xi32, #tpu.memory_space<hbm>> -> memref<80xi32, #tpu.memory_space<hbm>>
    %dma_wait3A_25 = tpu.memref_slice %arg5[%multiple_of3A] : memref<960000xi32, #tpu.memory_space<hbm>> -> memref<80xi32, #tpu.memory_space<hbm>>
    tpu.wait_dma2 semaphore(%arg17 : memref<!tpu.dma_semaphore, #tpu.memory_space<semaphore_mem>>) src(%dma_wait3A_25 : memref<80xi32, #tpu.memory_space<hbm>>) dst(%arg8 : memref<80xi32, #tpu.memory_space<vmem>>)
    %dma_wait3A_26 = tpu.memref_slice %arg5[%multiple_of3A] : memref<960000xi32, #tpu.memory_space<hbm>> -> memref<80xi32, #tpu.memory_space<hbm>>
    %dma_wait3A_27 = tpu.memref_slice %arg5[%multiple_of3A] : memref<960000xi32, #tpu.memory_space<hbm>> -> memref<80xi32, #tpu.memory_space<hbm>>
    tpu.wait_dma2 semaphore(%arg17 : memref<!tpu.dma_semaphore, #tpu.memory_space<semaphore_mem>>) src(%dma_wait3A_27 : memref<80xi32, #tpu.memory_space<hbm>>) dst(%arg9 : memref<80xi32, #tpu.memory_space<vmem>>)
    %dma_start3A_28 = arith.constant 0 : i32
    %dma_start3A_29 = arith.constant 0 : i32
    %dma_start3A_30 = arith.constant 0 : i32
    %dma_start3A_31 = tpu.memref_slice %arg13[%dma_start3A_28, %dma_start3A_29, %dma_start3A_30] : memref<3x80x64xi32, #tpu.memory_space<vmem>> -> memref<1x80x64xi32, #tpu.memory_space<vmem>>
    %dma_start3A_32 = tpu.memref_squeeze %dma_start3A_31 : memref<1x80x64xi32, #tpu.memory_space<vmem>> -> memref<80x64xi32, #tpu.memory_space<vmem>>
    %dma_start3A_33 = arith.constant 0 : i32
    %dma_start3A_34 = arith.constant 0 : i32
    %dma_start3A_35 = tpu.memref_slice %arg2[%dma_start3A_33, %dma_start3A_34] : memref<10000x64xi32, #tpu.memory_space<hbm>> -> memref<10000x64xi32, #tpu.memory_space<hbm>>
    tpu.enqueue_indirect_dma source(%dma_start3A_35 : memref<10000x64xi32, #tpu.memory_space<hbm>>) target(%dma_start3A_32 : memref<80x64xi32, #tpu.memory_space<vmem>>) offsets(%arg7 : memref<80xi32, #tpu.memory_space<vmem>>) semaphore(%arg19 : memref<!tpu.dma_semaphore, #tpu.memory_space<semaphore_mem>>)
    %dma_start3A_36 = arith.constant 1 : i32
    %dma_start3A_37 = arith.constant 0 : i32
    %dma_start3A_38 = arith.constant 0 : i32
    %dma_start3A_39 = tpu.memref_slice %arg13[%dma_start3A_36, %dma_start3A_37, %dma_start3A_38] : memref<3x80x64xi32, #tpu.memory_space<vmem>> -> memref<1x80x64xi32, #tpu.memory_space<vmem>>
    %dma_start3A_40 = tpu.memref_squeeze %dma_start3A_39 : memref<1x80x64xi32, #tpu.memory_space<vmem>> -> memref<80x64xi32, #tpu.memory_space<vmem>>
    %dma_start3A_41 = arith.constant 0 : i32
    %dma_start3A_42 = arith.constant 0 : i32
    %dma_start3A_43 = tpu.memref_slice %arg3[%dma_start3A_41, %dma_start3A_42] : memref<10000x64xi32, #tpu.memory_space<hbm>> -> memref<10000x64xi32, #tpu.memory_space<hbm>>
    tpu.enqueue_indirect_dma source(%dma_start3A_43 : memref<10000x64xi32, #tpu.memory_space<hbm>>) target(%dma_start3A_40 : memref<80x64xi32, #tpu.memory_space<vmem>>) offsets(%arg8 : memref<80xi32, #tpu.memory_space<vmem>>) semaphore(%arg19 : memref<!tpu.dma_semaphore, #tpu.memory_space<semaphore_mem>>)
    %dma_start3A_44 = arith.constant 2 : i32
    %dma_start3A_45 = arith.constant 0 : i32
    %dma_start3A_46 = arith.constant 0 : i32
    %dma_start3A_47 = tpu.memref_slice %arg13[%dma_start3A_44, %dma_start3A_45, %dma_start3A_46] : memref<3x80x64xi32, #tpu.memory_space<vmem>> -> memref<1x80x64xi32, #tpu.memory_space<vmem>>
    %dma_start3A_48 = tpu.memref_squeeze %dma_start3A_47 : memref<1x80x64xi32, #tpu.memory_space<vmem>> -> memref<80x64xi32, #tpu.memory_space<vmem>>
    %dma_start3A_49 = arith.constant 0 : i32
    %dma_start3A_50 = arith.constant 0 : i32
    %dma_start3A_51 = tpu.memref_slice %arg4[%dma_start3A_49, %dma_start3A_50] : memref<10000x64xi32, #tpu.memory_space<hbm>> -> memref<10000x64xi32, #tpu.memory_space<hbm>>
    tpu.enqueue_indirect_dma source(%dma_start3A_51 : memref<10000x64xi32, #tpu.memory_space<hbm>>) target(%dma_start3A_48 : memref<80x64xi32, #tpu.memory_space<vmem>>) offsets(%arg9 : memref<80xi32, #tpu.memory_space<vmem>>) semaphore(%arg19 : memref<!tpu.dma_semaphore, #tpu.memory_space<semaphore_mem>>)
    %add3A_52 = arith.constant 0 : i32
    %add3A_53 = arith.addi %add3A_52, %multiple_of3A : i32
    %add3A_54 = arith.constant 80 : i32
    %add3A_55 = arith.addi %add3A_53, %add3A_54 : i32
    %multiple_of3A_56 = tpu.assume_multiple %add3A_55, 8 : i32
    %dma_start3A_57 = tpu.memref_slice %arg5[%multiple_of3A_56] : memref<960000xi32, #tpu.memory_space<hbm>> -> memref<80xi32, #tpu.memory_space<hbm>>
    %dma_start3A_58 = tpu.memref_slice %arg5[%multiple_of3A_56] : memref<960000xi32, #tpu.memory_space<hbm>> -> memref<80xi32, #tpu.memory_space<hbm>>
    tpu.enqueue_dma source(%dma_start3A_58 : memref<80xi32, #tpu.memory_space<hbm>>) target(%arg10 : memref<80xi32, #tpu.memory_space<vmem>>) target_semaphore(%arg18 : memref<!tpu.dma_semaphore, #tpu.memory_space<semaphore_mem>>)
    %add3A_59 = arith.constant 320000 : i32
    %add3A_60 = arith.addi %add3A_59, %multiple_of3A : i32
    %add3A_61 = arith.constant 80 : i32
    %add3A_62 = arith.addi %add3A_60, %add3A_61 : i32
    %multiple_of3A_63 = tpu.assume_multiple %add3A_62, 8 : i32
    %dma_start3A_64 = tpu.memref_slice %arg5[%multiple_of3A_63] : memref<960000xi32, #tpu.memory_space<hbm>> -> memref<80xi32, #tpu.memory_space<hbm>>
    %dma_start3A_65 = tpu.memref_slice %arg5[%multiple_of3A_63] : memref<960000xi32, #tpu.memory_space<hbm>> -> memref<80xi32, #tpu.memory_space<hbm>>
    tpu.enqueue_dma source(%dma_start3A_65 : memref<80xi32, #tpu.memory_space<hbm>>) target(%arg11 : memref<80xi32, #tpu.memory_space<vmem>>) target_semaphore(%arg18 : memref<!tpu.dma_semaphore, #tpu.memory_space<semaphore_mem>>)
    %add3A_66 = arith.constant 640000 : i32
    %add3A_67 = arith.addi %add3A_66, %multiple_of3A : i32
    %add3A_68 = arith.constant 80 : i32
    %add3A_69 = arith.addi %add3A_67, %add3A_68 : i32
    %multiple_of3A_70 = tpu.assume_multiple %add3A_69, 8 : i32
    %dma_start3A_71 = tpu.memref_slice %arg5[%multiple_of3A_70] : memref<960000xi32, #tpu.memory_space<hbm>> -> memref<80xi32, #tpu.memory_space<hbm>>
    %dma_start3A_72 = tpu.memref_slice %arg5[%multiple_of3A_70] : memref<960000xi32, #tpu.memory_space<hbm>> -> memref<80xi32, #tpu.memory_space<hbm>>
    tpu.enqueue_dma source(%dma_start3A_72 : memref<80xi32, #tpu.memory_space<hbm>>) target(%arg12 : memref<80xi32, #tpu.memory_space<vmem>>) target_semaphore(%arg18 : memref<!tpu.dma_semaphore, #tpu.memory_space<semaphore_mem>>)
    %dma_wait3A_73 = tpu.memref_slice %arg5[%multiple_of3A] : memref<960000xi32, #tpu.memory_space<hbm>> -> memref<80xi32, #tpu.memory_space<hbm>>
    %dma_wait3A_74 = tpu.memref_slice %arg5[%multiple_of3A] : memref<960000xi32, #tpu.memory_space<hbm>> -> memref<80xi32, #tpu.memory_space<hbm>>
    tpu.wait_dma2 semaphore(%arg18 : memref<!tpu.dma_semaphore, #tpu.memory_space<semaphore_mem>>) src(%dma_wait3A_74 : memref<80xi32, #tpu.memory_space<hbm>>) dst(%arg10 : memref<80xi32, #tpu.memory_space<vmem>>)
    %dma_wait3A_75 = tpu.memref_slice %arg5[%multiple_of3A] : memref<960000xi32, #tpu.memory_space<hbm>> -> memref<80xi32, #tpu.memory_space<hbm>>
    %dma_wait3A_76 = tpu.memref_slice %arg5[%multiple_of3A] : memref<960000xi32, #tpu.memory_space<hbm>> -> memref<80xi32, #tpu.memory_space<hbm>>
    tpu.wait_dma2 semaphore(%arg18 : memref<!tpu.dma_semaphore, #tpu.memory_space<semaphore_mem>>) src(%dma_wait3A_76 : memref<80xi32, #tpu.memory_space<hbm>>) dst(%arg11 : memref<80xi32, #tpu.memory_space<vmem>>)
    %dma_wait3A_77 = tpu.memref_slice %arg5[%multiple_of3A] : memref<960000xi32, #tpu.memory_space<hbm>> -> memref<80xi32, #tpu.memory_space<hbm>>
    %dma_wait3A_78 = tpu.memref_slice %arg5[%multiple_of3A] : memref<960000xi32, #tpu.memory_space<hbm>> -> memref<80xi32, #tpu.memory_space<hbm>>
    tpu.wait_dma2 semaphore(%arg18 : memref<!tpu.dma_semaphore, #tpu.memory_space<semaphore_mem>>) src(%dma_wait3A_78 : memref<80xi32, #tpu.memory_space<hbm>>) dst(%arg12 : memref<80xi32, #tpu.memory_space<vmem>>)
    %dma_start3A_79 = arith.constant 0 : i32
    %dma_start3A_80 = arith.constant 0 : i32
    %dma_start3A_81 = arith.constant 0 : i32
    %dma_start3A_82 = tpu.memref_slice %arg14[%dma_start3A_79, %dma_start3A_80, %dma_start3A_81] : memref<3x80x64xi32, #tpu.memory_space<vmem>> -> memref<1x80x64xi32, #tpu.memory_space<vmem>>
    %dma_start3A_83 = tpu.memref_squeeze %dma_start3A_82 : memref<1x80x64xi32, #tpu.memory_space<vmem>> -> memref<80x64xi32, #tpu.memory_space<vmem>>
    %dma_start3A_84 = arith.constant 0 : i32
    %dma_start3A_85 = arith.constant 0 : i32
    %dma_start3A_86 = tpu.memref_slice %arg2[%dma_start3A_84, %dma_start3A_85] : memref<10000x64xi32, #tpu.memory_space<hbm>> -> memref<10000x64xi32, #tpu.memory_space<hbm>>
    tpu.enqueue_indirect_dma source(%dma_start3A_86 : memref<10000x64xi32, #tpu.memory_space<hbm>>) target(%dma_start3A_83 : memref<80x64xi32, #tpu.memory_space<vmem>>) offsets(%arg10 : memref<80xi32, #tpu.memory_space<vmem>>) semaphore(%arg20 : memref<!tpu.dma_semaphore, #tpu.memory_space<semaphore_mem>>)
    %dma_start3A_87 = arith.constant 1 : i32
    %dma_start3A_88 = arith.constant 0 : i32
    %dma_start3A_89 = arith.constant 0 : i32
    %dma_start3A_90 = tpu.memref_slice %arg14[%dma_start3A_87, %dma_start3A_88, %dma_start3A_89] : memref<3x80x64xi32, #tpu.memory_space<vmem>> -> memref<1x80x64xi32, #tpu.memory_space<vmem>>
    %dma_start3A_91 = tpu.memref_squeeze %dma_start3A_90 : memref<1x80x64xi32, #tpu.memory_space<vmem>> -> memref<80x64xi32, #tpu.memory_space<vmem>>
    %dma_start3A_92 = arith.constant 0 : i32
    %dma_start3A_93 = arith.constant 0 : i32
    %dma_start3A_94 = tpu.memref_slice %arg3[%dma_start3A_92, %dma_start3A_93] : memref<10000x64xi32, #tpu.memory_space<hbm>> -> memref<10000x64xi32, #tpu.memory_space<hbm>>
    tpu.enqueue_indirect_dma source(%dma_start3A_94 : memref<10000x64xi32, #tpu.memory_space<hbm>>) target(%dma_start3A_91 : memref<80x64xi32, #tpu.memory_space<vmem>>) offsets(%arg11 : memref<80xi32, #tpu.memory_space<vmem>>) semaphore(%arg20 : memref<!tpu.dma_semaphore, #tpu.memory_space<semaphore_mem>>)
    %dma_start3A_95 = arith.constant 2 : i32
    %dma_start3A_96 = arith.constant 0 : i32
    %dma_start3A_97 = arith.constant 0 : i32
    %dma_start3A_98 = tpu.memref_slice %arg14[%dma_start3A_95, %dma_start3A_96, %dma_start3A_97] : memref<3x80x64xi32, #tpu.memory_space<vmem>> -> memref<1x80x64xi32, #tpu.memory_space<vmem>>
    %dma_start3A_99 = tpu.memref_squeeze %dma_start3A_98 : memref<1x80x64xi32, #tpu.memory_space<vmem>> -> memref<80x64xi32, #tpu.memory_space<vmem>>
    %dma_start3A_100 = arith.constant 0 : i32
    %dma_start3A_101 = arith.constant 0 : i32
    %dma_start3A_102 = tpu.memref_slice %arg4[%dma_start3A_100, %dma_start3A_101] : memref<10000x64xi32, #tpu.memory_space<hbm>> -> memref<10000x64xi32, #tpu.memory_space<hbm>>
    tpu.enqueue_indirect_dma source(%dma_start3A_102 : memref<10000x64xi32, #tpu.memory_space<hbm>>) target(%dma_start3A_99 : memref<80x64xi32, #tpu.memory_space<vmem>>) offsets(%arg12 : memref<80xi32, #tpu.memory_space<vmem>>) semaphore(%arg20 : memref<!tpu.dma_semaphore, #tpu.memory_space<semaphore_mem>>)
    %scan3A = arith.constant 0 : i32
    %scan3A_103 = arith.constant 0 : i32
    %scan3A_104 = arith.constant 62 : i32
    %scan3A_105 = arith.addi %scan3A_103, %scan3A_104 : i32
    %scan3A_106 = arith.constant 1 : i32
    scf.for %scan3A_154 = %scan3A_103 to %scan3A_105 step %scan3A_106  : i32 {
      %mul3A_155 = arith.constant 2 : i32
      %mul3A_156 = arith.muli %scan3A_154, %mul3A_155 : i32
      %dma_wait3A_157 = arith.constant 0 : i32
      %dma_wait3A_158 = arith.constant 0 : i32
      %dma_wait3A_159 = arith.constant 0 : i32
      %dma_wait3A_160 = tpu.memref_slice %arg13[%dma_wait3A_157, %dma_wait3A_158, %dma_wait3A_159] : memref<3x80x64xi32, #tpu.memory_space<vmem>> -> memref<1x80x64xi32, #tpu.memory_space<vmem>>
      %dma_wait3A_161 = tpu.memref_squeeze %dma_wait3A_160 : memref<1x80x64xi32, #tpu.memory_space<vmem>> -> memref<80x64xi32, #tpu.memory_space<vmem>>
      %dma_wait3A_162 = arith.constant 0 : i32
      %dma_wait3A_163 = arith.constant 0 : i32
      %dma_wait3A_164 = tpu.memref_slice %arg2[%dma_wait3A_162, %dma_wait3A_163] : memref<10000x64xi32, #tpu.memory_space<hbm>> -> memref<10000x64xi32, #tpu.memory_space<hbm>>
      tpu.wait_indirect_dma semaphore(%arg19 : memref<!tpu.dma_semaphore, #tpu.memory_space<semaphore_mem>>) src(%dma_wait3A_164 : memref<10000x64xi32, #tpu.memory_space<hbm>>) dst(%dma_wait3A_161 : memref<80x64xi32, #tpu.memory_space<vmem>>)
      %dma_wait3A_165 = arith.constant 1 : i32
      %dma_wait3A_166 = arith.constant 0 : i32
      %dma_wait3A_167 = arith.constant 0 : i32
      %dma_wait3A_168 = tpu.memref_slice %arg13[%dma_wait3A_165, %dma_wait3A_166, %dma_wait3A_167] : memref<3x80x64xi32, #tpu.memory_space<vmem>> -> memref<1x80x64xi32, #tpu.memory_space<vmem>>
      %dma_wait3A_169 = tpu.memref_squeeze %dma_wait3A_168 : memref<1x80x64xi32, #tpu.memory_space<vmem>> -> memref<80x64xi32, #tpu.memory_space<vmem>>
      %dma_wait3A_170 = arith.constant 0 : i32
      %dma_wait3A_171 = arith.constant 0 : i32
      %dma_wait3A_172 = tpu.memref_slice %arg3[%dma_wait3A_170, %dma_wait3A_171] : memref<10000x64xi32, #tpu.memory_space<hbm>> -> memref<10000x64xi32, #tpu.memory_space<hbm>>
      tpu.wait_indirect_dma semaphore(%arg19 : memref<!tpu.dma_semaphore, #tpu.memory_space<semaphore_mem>>) src(%dma_wait3A_172 : memref<10000x64xi32, #tpu.memory_space<hbm>>) dst(%dma_wait3A_169 : memref<80x64xi32, #tpu.memory_space<vmem>>)
      %dma_wait3A_173 = arith.constant 2 : i32
      %dma_wait3A_174 = arith.constant 0 : i32
      %dma_wait3A_175 = arith.constant 0 : i32
      %dma_wait3A_176 = tpu.memref_slice %arg13[%dma_wait3A_173, %dma_wait3A_174, %dma_wait3A_175] : memref<3x80x64xi32, #tpu.memory_space<vmem>> -> memref<1x80x64xi32, #tpu.memory_space<vmem>>
      %dma_wait3A_177 = tpu.memref_squeeze %dma_wait3A_176 : memref<1x80x64xi32, #tpu.memory_space<vmem>> -> memref<80x64xi32, #tpu.memory_space<vmem>>
      %dma_wait3A_178 = arith.constant 0 : i32
      %dma_wait3A_179 = arith.constant 0 : i32
      %dma_wait3A_180 = tpu.memref_slice %arg4[%dma_wait3A_178, %dma_wait3A_179] : memref<10000x64xi32, #tpu.memory_space<hbm>> -> memref<10000x64xi32, #tpu.memory_space<hbm>>
      tpu.wait_indirect_dma semaphore(%arg19 : memref<!tpu.dma_semaphore, #tpu.memory_space<semaphore_mem>>) src(%dma_wait3A_180 : memref<10000x64xi32, #tpu.memory_space<hbm>>) dst(%dma_wait3A_177 : memref<80x64xi32, #tpu.memory_space<vmem>>)
      %add3A_181 = arith.constant 2 : i32
      %add3A_182 = arith.addi %mul3A_156, %add3A_181 : i32
      %add3A_183 = arith.constant 0 : i32
      %add3A_184 = arith.addi %add3A_183, %multiple_of3A : i32
      %mul3A_185 = arith.constant 80 : i32
      %mul3A_186 = arith.muli %add3A_182, %mul3A_185 : i32
      %add3A_187 = arith.addi %add3A_184, %mul3A_186 : i32
      %multiple_of3A_188 = tpu.assume_multiple %add3A_187, 8 : i32
      %dma_start3A_189 = tpu.memref_slice %arg5[%multiple_of3A_188] : memref<960000xi32, #tpu.memory_space<hbm>> -> memref<80xi32, #tpu.memory_space<hbm>>
      %dma_start3A_190 = tpu.memref_slice %arg5[%multiple_of3A_188] : memref<960000xi32, #tpu.memory_space<hbm>> -> memref<80xi32, #tpu.memory_space<hbm>>
      tpu.enqueue_dma source(%dma_start3A_190 : memref<80xi32, #tpu.memory_space<hbm>>) target(%arg7 : memref<80xi32, #tpu.memory_space<vmem>>) target_semaphore(%arg17 : memref<!tpu.dma_semaphore, #tpu.memory_space<semaphore_mem>>)
      %add3A_191 = arith.constant 320000 : i32
      %add3A_192 = arith.addi %add3A_191, %multiple_of3A : i32
      %mul3A_193 = arith.constant 80 : i32
      %mul3A_194 = arith.muli %add3A_182, %mul3A_193 : i32
      %add3A_195 = arith.addi %add3A_192, %mul3A_194 : i32
      %multiple_of3A_196 = tpu.assume_multiple %add3A_195, 8 : i32
      %dma_start3A_197 = tpu.memref_slice %arg5[%multiple_of3A_196] : memref<960000xi32, #tpu.memory_space<hbm>> -> memref<80xi32, #tpu.memory_space<hbm>>
      %dma_start3A_198 = tpu.memref_slice %arg5[%multiple_of3A_196] : memref<960000xi32, #tpu.memory_space<hbm>> -> memref<80xi32, #tpu.memory_space<hbm>>
      tpu.enqueue_dma source(%dma_start3A_198 : memref<80xi32, #tpu.memory_space<hbm>>) target(%arg8 : memref<80xi32, #tpu.memory_space<vmem>>) target_semaphore(%arg17 : memref<!tpu.dma_semaphore, #tpu.memory_space<semaphore_mem>>)
      %add3A_199 = arith.constant 640000 : i32
      %add3A_200 = arith.addi %add3A_199, %multiple_of3A : i32
      %mul3A_201 = arith.constant 80 : i32
      %mul3A_202 = arith.muli %add3A_182, %mul3A_201 : i32
      %add3A_203 = arith.addi %add3A_200, %mul3A_202 : i32
      %multiple_of3A_204 = tpu.assume_multiple %add3A_203, 8 : i32
      %dma_start3A_205 = tpu.memref_slice %arg5[%multiple_of3A_204] : memref<960000xi32, #tpu.memory_space<hbm>> -> memref<80xi32, #tpu.memory_space<hbm>>
      %dma_start3A_206 = tpu.memref_slice %arg5[%multiple_of3A_204] : memref<960000xi32, #tpu.memory_space<hbm>> -> memref<80xi32, #tpu.memory_space<hbm>>
      tpu.enqueue_dma source(%dma_start3A_206 : memref<80xi32, #tpu.memory_space<hbm>>) target(%arg9 : memref<80xi32, #tpu.memory_space<vmem>>) target_semaphore(%arg17 : memref<!tpu.dma_semaphore, #tpu.memory_space<semaphore_mem>>)
      %ge3A = arith.constant 1 : i32
      %ge3A_207 = arith.cmpi sge, %scan3A_154, %ge3A : i32
      %convert_element_type3A = arith.extui %ge3A_207 : i1 to i32
      %cond3A = arith.constant 0 : i32
      %cond3A_208 = arith.cmpi ne, %convert_element_type3A, %cond3A : i32
      scf.if %cond3A_208 {
        %dma_wait3A_307 = arith.constant 0 : i32
        %dma_wait3A_308 = tpu.memref_slice %arg6[%multiple_of3A, %dma_wait3A_307] : memref<320000x128xf32, #tpu.memory_space<hbm>> -> memref<80x128xf32, #tpu.memory_space<hbm>>
        %dma_wait3A_309 = arith.constant 0 : i32
        %dma_wait3A_310 = tpu.memref_slice %arg6[%multiple_of3A, %dma_wait3A_309] : memref<320000x128xf32, #tpu.memory_space<hbm>> -> memref<80x128xf32, #tpu.memory_space<hbm>>
        tpu.wait_dma2 semaphore(%arg21 : memref<!tpu.dma_semaphore, #tpu.memory_space<semaphore_mem>>) src(%arg15 : memref<80x128xf32, #tpu.memory_space<vmem>>) dst(%dma_wait3A_310 : memref<80x128xf32, #tpu.memory_space<hbm>>)
      } else {
      }
      %parallel_loop3A_209 = arith.constant 0 : i32
      %parallel_loop3A_210 = arith.constant 80 : i32
      %parallel_loop3A_211 = arith.constant 1 : i32
      %parallel_loop3A_212 = arith.constant -65536 : i32
      scf.for %parallel_loop3A_307 = %parallel_loop3A_209 to %parallel_loop3A_210 step %parallel_loop3A_211  : i32 {
        %parallel_loop3A_308 = arith.constant 0 : i32
        %parallel_loop3A_309 = arith.index_cast %parallel_loop3A_308 : i32 to index
        %parallel_loop3A_310 = arith.index_cast %parallel_loop3A_307 : i32 to index
        %parallel_loop3A_311 = arith.constant 0 : index
        %parallel_loop3A_312 = tpu.vector_load %arg13[%parallel_loop3A_309, %parallel_loop3A_310, %parallel_loop3A_311] {strides = array<i32>} : memref<3x80x64xi32, #tpu.memory_space<vmem>>, vector<1x1x16xi32>,
        %parallel_loop3A_313 = vector.shape_cast %parallel_loop3A_312 : vector<1x1x16xi32> to vector<16xi32>
        %parallel_loop3A_314 = arith.constant 1 : i32
        %parallel_loop3A_315 = arith.index_cast %parallel_loop3A_314 : i32 to index
        %parallel_loop3A_316 = arith.index_cast %parallel_loop3A_307 : i32 to index
        %parallel_loop3A_317 = arith.constant 0 : index
        %parallel_loop3A_318 = tpu.vector_load %arg13[%parallel_loop3A_315, %parallel_loop3A_316, %parallel_loop3A_317] {strides = array<i32>} : memref<3x80x64xi32, #tpu.memory_space<vmem>>, vector<1x1x16xi32>,
        %parallel_loop3A_319 = vector.shape_cast %parallel_loop3A_318 : vector<1x1x16xi32> to vector<16xi32>
        %parallel_loop3A_320 = arith.constant 2 : i32
        %parallel_loop3A_321 = arith.index_cast %parallel_loop3A_320 : i32 to index
        %parallel_loop3A_322 = arith.index_cast %parallel_loop3A_307 : i32 to index
        %parallel_loop3A_323 = arith.constant 0 : index
        %parallel_loop3A_324 = tpu.vector_load %arg13[%parallel_loop3A_321, %parallel_loop3A_322, %parallel_loop3A_323] {strides = array<i32>} : memref<3x80x64xi32, #tpu.memory_space<vmem>>, vector<1x1x16xi32>,
        %parallel_loop3A_325 = vector.shape_cast %parallel_loop3A_324 : vector<1x1x16xi32> to vector<16xi32>
        %parallel_loop3A_326 = arith.constant 16 : i32
        %parallel_loop3A_327 = vector.broadcast %parallel_loop3A_326 : i32 to vector<16xi32>
        %parallel_loop3A_328 = arith.shli %parallel_loop3A_313, %parallel_loop3A_327 : vector<16xi32>
        %parallel_loop3A_329 = tpu.bitcast %parallel_loop3A_328 : vector<16xi32> -> vector<16xf32>
        %parallel_loop3A_330 = vector.broadcast %parallel_loop3A_212 : i32 to vector<16xi32>
        %parallel_loop3A_331 = arith.andi %parallel_loop3A_313, %parallel_loop3A_330 : vector<16xi32>
        %parallel_loop3A_332 = tpu.bitcast %parallel_loop3A_331 : vector<16xi32> -> vector<16xf32>
        %parallel_loop3A_333 = arith.constant 16 : i32
        %parallel_loop3A_334 = vector.broadcast %parallel_loop3A_333 : i32 to vector<16xi32>
        %parallel_loop3A_335 = arith.shli %parallel_loop3A_319, %parallel_loop3A_334 : vector<16xi32>
        %parallel_loop3A_336 = tpu.bitcast %parallel_loop3A_335 : vector<16xi32> -> vector<16xf32>
        %parallel_loop3A_337 = vector.broadcast %parallel_loop3A_212 : i32 to vector<16xi32>
        %parallel_loop3A_338 = arith.andi %parallel_loop3A_319, %parallel_loop3A_337 : vector<16xi32>
        %parallel_loop3A_339 = tpu.bitcast %parallel_loop3A_338 : vector<16xi32> -> vector<16xf32>
        %parallel_loop3A_340 = arith.addf %parallel_loop3A_329, %parallel_loop3A_336 : vector<16xf32>
        %parallel_loop3A_341 = arith.addf %parallel_loop3A_332, %parallel_loop3A_339 : vector<16xf32>
        %parallel_loop3A_342 = arith.constant 16 : i32
        %parallel_loop3A_343 = vector.broadcast %parallel_loop3A_342 : i32 to vector<16xi32>
        %parallel_loop3A_344 = arith.shli %parallel_loop3A_325, %parallel_loop3A_343 : vector<16xi32>
        %parallel_loop3A_345 = tpu.bitcast %parallel_loop3A_344 : vector<16xi32> -> vector<16xf32>
        %parallel_loop3A_346 = vector.broadcast %parallel_loop3A_212 : i32 to vector<16xi32>
        %parallel_loop3A_347 = arith.andi %parallel_loop3A_325, %parallel_loop3A_346 : vector<16xi32>
        %parallel_loop3A_348 = tpu.bitcast %parallel_loop3A_347 : vector<16xi32> -> vector<16xf32>
        %parallel_loop3A_349 = arith.addf %parallel_loop3A_340, %parallel_loop3A_345 : vector<16xf32>
        %parallel_loop3A_350 = arith.addf %parallel_loop3A_341, %parallel_loop3A_348 : vector<16xf32>
        %parallel_loop3A_351 = arith.constant 2.000000e-01 : f32
        %parallel_loop3A_352 = vector.broadcast %parallel_loop3A_351 : f32 to vector<16xf32>
        %parallel_loop3A_353 = arith.mulf %parallel_loop3A_349, %parallel_loop3A_352 : vector<16xf32>
        %parallel_loop3A_354 = arith.maximumf %parallel_loop3A_349, %parallel_loop3A_353 : vector<16xf32>
        %parallel_loop3A_355 = arith.index_cast %parallel_loop3A_307 : i32 to index
        %parallel_loop3A_356 = arith.constant 0 : index
        %parallel_loop3A_357 = tpu.vector_load %arg15[%parallel_loop3A_355, %parallel_loop3A_356] {strides = array<i32>} : memref<80x128xf32, #tpu.memory_space<vmem>>, vector<1x16xf32>,
        %parallel_loop3A_358 = vector.shape_cast %parallel_loop3A_357 : vector<1x16xf32> to vector<16xf32>
        %parallel_loop3A_359 = vector.shape_cast %parallel_loop3A_354 : vector<16xf32> to vector<1x16xf32>
        tpu.vector_store %arg15[%parallel_loop3A_355, %parallel_loop3A_356], %parallel_loop3A_359 {strides = array<i32>} : memref<80x128xf32, #tpu.memory_space<vmem>>, vector<1x16xf32>,
        %parallel_loop3A_360 = arith.constant 2.000000e-01 : f32
        %parallel_loop3A_361 = vector.broadcast %parallel_loop3A_360 : f32 to vector<16xf32>
        %parallel_loop3A_362 = arith.mulf %parallel_loop3A_350, %parallel_loop3A_361 : vector<16xf32>
        %parallel_loop3A_363 = arith.maximumf %parallel_loop3A_350, %parallel_loop3A_362 : vector<16xf32>
        %parallel_loop3A_364 = arith.index_cast %parallel_loop3A_307 : i32 to index
        %parallel_loop3A_365 = arith.constant 64 : index
        %parallel_loop3A_366 = tpu.vector_load %arg15[%parallel_loop3A_364, %parallel_loop3A_365] {strides = array<i32>} : memref<80x128xf32, #tpu.memory_space<vmem>>, vector<1x16xf32>,
        %parallel_loop3A_367 = vector.shape_cast %parallel_loop3A_366 : vector<1x16xf32> to vector<16xf32>
        %parallel_loop3A_368 = vector.shape_cast %parallel_loop3A_363 : vector<16xf32> to vector<1x16xf32>
        tpu.vector_store %arg15[%parallel_loop3A_364, %parallel_loop3A_365], %parallel_loop3A_368 {strides = array<i32>} : memref<80x128xf32, #tpu.memory_space<vmem>>, vector<1x16xf32>,
        %parallel_loop3A_369 = arith.constant 0 : i32
        %parallel_loop3A_370 = arith.index_cast %parallel_loop3A_369 : i32 to index
        %parallel_loop3A_371 = arith.index_cast %parallel_loop3A_307 : i32 to index
        %parallel_loop3A_372 = arith.constant 16 : index
        %parallel_loop3A_373 = tpu.vector_load %arg13[%parallel_loop3A_370, %parallel_loop3A_371, %parallel_loop3A_372] {strides = array<i32>} : memref<3x80x64xi32, #tpu.memory_space<vmem>>, vector<1x1x16xi32>,
        %parallel_loop3A_374 = vector.shape_cast %parallel_loop3A_373 : vector<1x1x16xi32> to vector<16xi32>
        %parallel_loop3A_375 = arith.constant 1 : i32
        %parallel_loop3A_376 = arith.index_cast %parallel_loop3A_375 : i32 to index
        %parallel_loop3A_377 = arith.index_cast %parallel_loop3A_307 : i32 to index
        %parallel_loop3A_378 = arith.constant 16 : index
        %parallel_loop3A_379 = tpu.vector_load %arg13[%parallel_loop3A_376, %parallel_loop3A_377, %parallel_loop3A_378] {strides = array<i32>} : memref<3x80x64xi32, #tpu.memory_space<vmem>>, vector<1x1x16xi32>,
        %parallel_loop3A_380 = vector.shape_cast %parallel_loop3A_379 : vector<1x1x16xi32> to vector<16xi32>
        %parallel_loop3A_381 = arith.constant 2 : i32
        %parallel_loop3A_382 = arith.index_cast %parallel_loop3A_381 : i32 to index
        %parallel_loop3A_383 = arith.index_cast %parallel_loop3A_307 : i32 to index
        %parallel_loop3A_384 = arith.constant 16 : index
        %parallel_loop3A_385 = tpu.vector_load %arg13[%parallel_loop3A_382, %parallel_loop3A_383, %parallel_loop3A_384] {strides = array<i32>} : memref<3x80x64xi32, #tpu.memory_space<vmem>>, vector<1x1x16xi32>,
        %parallel_loop3A_386 = vector.shape_cast %parallel_loop3A_385 : vector<1x1x16xi32> to vector<16xi32>
        %parallel_loop3A_387 = arith.constant 16 : i32
        %parallel_loop3A_388 = vector.broadcast %parallel_loop3A_387 : i32 to vector<16xi32>
        %parallel_loop3A_389 = arith.shli %parallel_loop3A_374, %parallel_loop3A_388 : vector<16xi32>
        %parallel_loop3A_390 = tpu.bitcast %parallel_loop3A_389 : vector<16xi32> -> vector<16xf32>
        %parallel_loop3A_391 = vector.broadcast %parallel_loop3A_212 : i32 to vector<16xi32>
        %parallel_loop3A_392 = arith.andi %parallel_loop3A_374, %parallel_loop3A_391 : vector<16xi32>
        %parallel_loop3A_393 = tpu.bitcast %parallel_loop3A_392 : vector<16xi32> -> vector<16xf32>
        %parallel_loop3A_394 = arith.constant 16 : i32
        %parallel_loop3A_395 = vector.broadcast %parallel_loop3A_394 : i32 to vector<16xi32>
        %parallel_loop3A_396 = arith.shli %parallel_loop3A_380, %parallel_loop3A_395 : vector<16xi32>
        %parallel_loop3A_397 = tpu.bitcast %parallel_loop3A_396 : vector<16xi32> -> vector<16xf32>
        %parallel_loop3A_398 = vector.broadcast %parallel_loop3A_212 : i32 to vector<16xi32>
        %parallel_loop3A_399 = arith.andi %parallel_loop3A_380, %parallel_loop3A_398 : vector<16xi32>
        %parallel_loop3A_400 = tpu.bitcast %parallel_loop3A_399 : vector<16xi32> -> vector<16xf32>
        %parallel_loop3A_401 = arith.addf %parallel_loop3A_390, %parallel_loop3A_397 : vector<16xf32>
        %parallel_loop3A_402 = arith.addf %parallel_loop3A_393, %parallel_loop3A_400 : vector<16xf32>
        %parallel_loop3A_403 = arith.constant 16 : i32
        %parallel_loop3A_404 = vector.broadcast %parallel_loop3A_403 : i32 to vector<16xi32>
        %parallel_loop3A_405 = arith.shli %parallel_loop3A_386, %parallel_loop3A_404 : vector<16xi32>
        %parallel_loop3A_406 = tpu.bitcast %parallel_loop3A_405 : vector<16xi32> -> vector<16xf32>
        %parallel_loop3A_407 = vector.broadcast %parallel_loop3A_212 : i32 to vector<16xi32>
        %parallel_loop3A_408 = arith.andi %parallel_loop3A_386, %parallel_loop3A_407 : vector<16xi32>
        %parallel_loop3A_409 = tpu.bitcast %parallel_loop3A_408 : vector<16xi32> -> vector<16xf32>
        %parallel_loop3A_410 = arith.addf %parallel_loop3A_401, %parallel_loop3A_406 : vector<16xf32>
        %parallel_loop3A_411 = arith.addf %parallel_loop3A_402, %parallel_loop3A_409 : vector<16xf32>
        %parallel_loop3A_412 = arith.constant 2.000000e-01 : f32
        %parallel_loop3A_413 = vector.broadcast %parallel_loop3A_412 : f32 to vector<16xf32>
        %parallel_loop3A_414 = arith.mulf %parallel_loop3A_410, %parallel_loop3A_413 : vector<16xf32>
        %parallel_loop3A_415 = arith.maximumf %parallel_loop3A_410, %parallel_loop3A_414 : vector<16xf32>
        %parallel_loop3A_416 = arith.index_cast %parallel_loop3A_307 : i32 to index
        %parallel_loop3A_417 = arith.constant 16 : index
        %parallel_loop3A_418 = tpu.vector_load %arg15[%parallel_loop3A_416, %parallel_loop3A_417] {strides = array<i32>} : memref<80x128xf32, #tpu.memory_space<vmem>>, vector<1x16xf32>,
        %parallel_loop3A_419 = vector.shape_cast %parallel_loop3A_418 : vector<1x16xf32> to vector<16xf32>
        %parallel_loop3A_420 = vector.shape_cast %parallel_loop3A_415 : vector<16xf32> to vector<1x16xf32>
        tpu.vector_store %arg15[%parallel_loop3A_416, %parallel_loop3A_417], %parallel_loop3A_420 {strides = array<i32>} : memref<80x128xf32, #tpu.memory_space<vmem>>, vector<1x16xf32>,
        %parallel_loop3A_421 = arith.constant 2.000000e-01 : f32
        %parallel_loop3A_422 = vector.broadcast %parallel_loop3A_421 : f32 to vector<16xf32>
        %parallel_loop3A_423 = arith.mulf %parallel_loop3A_411, %parallel_loop3A_422 : vector<16xf32>
        %parallel_loop3A_424 = arith.maximumf %parallel_loop3A_411, %parallel_loop3A_423 : vector<16xf32>
        %parallel_loop3A_425 = arith.index_cast %parallel_loop3A_307 : i32 to index
        %parallel_loop3A_426 = arith.constant 80 : index
        %parallel_loop3A_427 = tpu.vector_load %arg15[%parallel_loop3A_425, %parallel_loop3A_426] {strides = array<i32>} : memref<80x128xf32, #tpu.memory_space<vmem>>, vector<1x16xf32>,
        %parallel_loop3A_428 = vector.shape_cast %parallel_loop3A_427 : vector<1x16xf32> to vector<16xf32>
        %parallel_loop3A_429 = vector.shape_cast %parallel_loop3A_424 : vector<16xf32> to vector<1x16xf32>
        tpu.vector_store %arg15[%parallel_loop3A_425, %parallel_loop3A_426], %parallel_loop3A_429 {strides = array<i32>} : memref<80x128xf32, #tpu.memory_space<vmem>>, vector<1x16xf32>,
        %parallel_loop3A_430 = arith.constant 0 : i32
        %parallel_loop3A_431 = arith.index_cast %parallel_loop3A_430 : i32 to index
        %parallel_loop3A_432 = arith.index_cast %parallel_loop3A_307 : i32 to index
        %parallel_loop3A_433 = arith.constant 32 : index
        %parallel_loop3A_434 = tpu.vector_load %arg13[%parallel_loop3A_431, %parallel_loop3A_432, %parallel_loop3A_433] {strides = array<i32>} : memref<3x80x64xi32, #tpu.memory_space<vmem>>, vector<1x1x16xi32>,
        %parallel_loop3A_435 = vector.shape_cast %parallel_loop3A_434 : vector<1x1x16xi32> to vector<16xi32>
        %parallel_loop3A_436 = arith.constant 1 : i32
        %parallel_loop3A_437 = arith.index_cast %parallel_loop3A_436 : i32 to index
        %parallel_loop3A_438 = arith.index_cast %parallel_loop3A_307 : i32 to index
        %parallel_loop3A_439 = arith.constant 32 : index
        %parallel_loop3A_440 = tpu.vector_load %arg13[%parallel_loop3A_437, %parallel_loop3A_438, %parallel_loop3A_439] {strides = array<i32>} : memref<3x80x64xi32, #tpu.memory_space<vmem>>, vector<1x1x16xi32>,
        %parallel_loop3A_441 = vector.shape_cast %parallel_loop3A_440 : vector<1x1x16xi32> to vector<16xi32>
        %parallel_loop3A_442 = arith.constant 2 : i32
        %parallel_loop3A_443 = arith.index_cast %parallel_loop3A_442 : i32 to index
        %parallel_loop3A_444 = arith.index_cast %parallel_loop3A_307 : i32 to index
        %parallel_loop3A_445 = arith.constant 32 : index
        %parallel_loop3A_446 = tpu.vector_load %arg13[%parallel_loop3A_443, %parallel_loop3A_444, %parallel_loop3A_445] {strides = array<i32>} : memref<3x80x64xi32, #tpu.memory_space<vmem>>, vector<1x1x16xi32>,
        %parallel_loop3A_447 = vector.shape_cast %parallel_loop3A_446 : vector<1x1x16xi32> to vector<16xi32>
        %parallel_loop3A_448 = arith.constant 16 : i32
        %parallel_loop3A_449 = vector.broadcast %parallel_loop3A_448 : i32 to vector<16xi32>
        %parallel_loop3A_450 = arith.shli %parallel_loop3A_435, %parallel_loop3A_449 : vector<16xi32>
        %parallel_loop3A_451 = tpu.bitcast %parallel_loop3A_450 : vector<16xi32> -> vector<16xf32>
        %parallel_loop3A_452 = vector.broadcast %parallel_loop3A_212 : i32 to vector<16xi32>
        %parallel_loop3A_453 = arith.andi %parallel_loop3A_435, %parallel_loop3A_452 : vector<16xi32>
        %parallel_loop3A_454 = tpu.bitcast %parallel_loop3A_453 : vector<16xi32> -> vector<16xf32>
        %parallel_loop3A_455 = arith.constant 16 : i32
        %parallel_loop3A_456 = vector.broadcast %parallel_loop3A_455 : i32 to vector<16xi32>
        %parallel_loop3A_457 = arith.shli %parallel_loop3A_441, %parallel_loop3A_456 : vector<16xi32>
        %parallel_loop3A_458 = tpu.bitcast %parallel_loop3A_457 : vector<16xi32> -> vector<16xf32>
        %parallel_loop3A_459 = vector.broadcast %parallel_loop3A_212 : i32 to vector<16xi32>
        %parallel_loop3A_460 = arith.andi %parallel_loop3A_441, %parallel_loop3A_459 : vector<16xi32>
        %parallel_loop3A_461 = tpu.bitcast %parallel_loop3A_460 : vector<16xi32> -> vector<16xf32>
        %parallel_loop3A_462 = arith.addf %parallel_loop3A_451, %parallel_loop3A_458 : vector<16xf32>
        %parallel_loop3A_463 = arith.addf %parallel_loop3A_454, %parallel_loop3A_461 : vector<16xf32>
        %parallel_loop3A_464 = arith.constant 16 : i32
        %parallel_loop3A_465 = vector.broadcast %parallel_loop3A_464 : i32 to vector<16xi32>
        %parallel_loop3A_466 = arith.shli %parallel_loop3A_447, %parallel_loop3A_465 : vector<16xi32>
        %parallel_loop3A_467 = tpu.bitcast %parallel_loop3A_466 : vector<16xi32> -> vector<16xf32>
        %parallel_loop3A_468 = vector.broadcast %parallel_loop3A_212 : i32 to vector<16xi32>
        %parallel_loop3A_469 = arith.andi %parallel_loop3A_447, %parallel_loop3A_468 : vector<16xi32>
        %parallel_loop3A_470 = tpu.bitcast %parallel_loop3A_469 : vector<16xi32> -> vector<16xf32>
        %parallel_loop3A_471 = arith.addf %parallel_loop3A_462, %parallel_loop3A_467 : vector<16xf32>
        %parallel_loop3A_472 = arith.addf %parallel_loop3A_463, %parallel_loop3A_470 : vector<16xf32>
        %parallel_loop3A_473 = arith.constant 2.000000e-01 : f32
        %parallel_loop3A_474 = vector.broadcast %parallel_loop3A_473 : f32 to vector<16xf32>
        %parallel_loop3A_475 = arith.mulf %parallel_loop3A_471, %parallel_loop3A_474 : vector<16xf32>
        %parallel_loop3A_476 = arith.maximumf %parallel_loop3A_471, %parallel_loop3A_475 : vector<16xf32>
        %parallel_loop3A_477 = arith.index_cast %parallel_loop3A_307 : i32 to index
        %parallel_loop3A_478 = arith.constant 32 : index
        %parallel_loop3A_479 = tpu.vector_load %arg15[%parallel_loop3A_477, %parallel_loop3A_478] {strides = array<i32>} : memref<80x128xf32, #tpu.memory_space<vmem>>, vector<1x16xf32>,
        %parallel_loop3A_480 = vector.shape_cast %parallel_loop3A_479 : vector<1x16xf32> to vector<16xf32>
        %parallel_loop3A_481 = vector.shape_cast %parallel_loop3A_476 : vector<16xf32> to vector<1x16xf32>
        tpu.vector_store %arg15[%parallel_loop3A_477, %parallel_loop3A_478], %parallel_loop3A_481 {strides = array<i32>} : memref<80x128xf32, #tpu.memory_space<vmem>>, vector<1x16xf32>,
        %parallel_loop3A_482 = arith.constant 2.000000e-01 : f32
        %parallel_loop3A_483 = vector.broadcast %parallel_loop3A_482 : f32 to vector<16xf32>
        %parallel_loop3A_484 = arith.mulf %parallel_loop3A_472, %parallel_loop3A_483 : vector<16xf32>
        %parallel_loop3A_485 = arith.maximumf %parallel_loop3A_472, %parallel_loop3A_484 : vector<16xf32>
        %parallel_loop3A_486 = arith.index_cast %parallel_loop3A_307 : i32 to index
        %parallel_loop3A_487 = arith.constant 96 : index
        %parallel_loop3A_488 = tpu.vector_load %arg15[%parallel_loop3A_486, %parallel_loop3A_487] {strides = array<i32>} : memref<80x128xf32, #tpu.memory_space<vmem>>, vector<1x16xf32>,
        %parallel_loop3A_489 = vector.shape_cast %parallel_loop3A_488 : vector<1x16xf32> to vector<16xf32>
        %parallel_loop3A_490 = vector.shape_cast %parallel_loop3A_485 : vector<16xf32> to vector<1x16xf32>
        tpu.vector_store %arg15[%parallel_loop3A_486, %parallel_loop3A_487], %parallel_loop3A_490 {strides = array<i32>} : memref<80x128xf32, #tpu.memory_space<vmem>>, vector<1x16xf32>,
        %parallel_loop3A_491 = arith.constant 0 : i32
        %parallel_loop3A_492 = arith.index_cast %parallel_loop3A_491 : i32 to index
        %parallel_loop3A_493 = arith.index_cast %parallel_loop3A_307 : i32 to index
        %parallel_loop3A_494 = arith.constant 48 : index
        %parallel_loop3A_495 = tpu.vector_load %arg13[%parallel_loop3A_492, %parallel_loop3A_493, %parallel_loop3A_494] {strides = array<i32>} : memref<3x80x64xi32, #tpu.memory_space<vmem>>, vector<1x1x16xi32>,
        %parallel_loop3A_496 = vector.shape_cast %parallel_loop3A_495 : vector<1x1x16xi32> to vector<16xi32>
        %parallel_loop3A_497 = arith.constant 1 : i32
        %parallel_loop3A_498 = arith.index_cast %parallel_loop3A_497 : i32 to index
        %parallel_loop3A_499 = arith.index_cast %parallel_loop3A_307 : i32 to index
        %parallel_loop3A_500 = arith.constant 48 : index
        %parallel_loop3A_501 = tpu.vector_load %arg13[%parallel_loop3A_498, %parallel_loop3A_499, %parallel_loop3A_500] {strides = array<i32>} : memref<3x80x64xi32, #tpu.memory_space<vmem>>, vector<1x1x16xi32>,
        %parallel_loop3A_502 = vector.shape_cast %parallel_loop3A_501 : vector<1x1x16xi32> to vector<16xi32>
        %parallel_loop3A_503 = arith.constant 2 : i32
        %parallel_loop3A_504 = arith.index_cast %parallel_loop3A_503 : i32 to index
        %parallel_loop3A_505 = arith.index_cast %parallel_loop3A_307 : i32 to index
        %parallel_loop3A_506 = arith.constant 48 : index
        %parallel_loop3A_507 = tpu.vector_load %arg13[%parallel_loop3A_504, %parallel_loop3A_505, %parallel_loop3A_506] {strides = array<i32>} : memref<3x80x64xi32, #tpu.memory_space<vmem>>, vector<1x1x16xi32>,
        %parallel_loop3A_508 = vector.shape_cast %parallel_loop3A_507 : vector<1x1x16xi32> to vector<16xi32>
        %parallel_loop3A_509 = arith.constant 16 : i32
        %parallel_loop3A_510 = vector.broadcast %parallel_loop3A_509 : i32 to vector<16xi32>
        %parallel_loop3A_511 = arith.shli %parallel_loop3A_496, %parallel_loop3A_510 : vector<16xi32>
        %parallel_loop3A_512 = tpu.bitcast %parallel_loop3A_511 : vector<16xi32> -> vector<16xf32>
        %parallel_loop3A_513 = vector.broadcast %parallel_loop3A_212 : i32 to vector<16xi32>
        %parallel_loop3A_514 = arith.andi %parallel_loop3A_496, %parallel_loop3A_513 : vector<16xi32>
        %parallel_loop3A_515 = tpu.bitcast %parallel_loop3A_514 : vector<16xi32> -> vector<16xf32>
        %parallel_loop3A_516 = arith.constant 16 : i32
        %parallel_loop3A_517 = vector.broadcast %parallel_loop3A_516 : i32 to vector<16xi32>
        %parallel_loop3A_518 = arith.shli %parallel_loop3A_502, %parallel_loop3A_517 : vector<16xi32>
        %parallel_loop3A_519 = tpu.bitcast %parallel_loop3A_518 : vector<16xi32> -> vector<16xf32>
        %parallel_loop3A_520 = vector.broadcast %parallel_loop3A_212 : i32 to vector<16xi32>
        %parallel_loop3A_521 = arith.andi %parallel_loop3A_502, %parallel_loop3A_520 : vector<16xi32>
        %parallel_loop3A_522 = tpu.bitcast %parallel_loop3A_521 : vector<16xi32> -> vector<16xf32>
        %parallel_loop3A_523 = arith.addf %parallel_loop3A_512, %parallel_loop3A_519 : vector<16xf32>
        %parallel_loop3A_524 = arith.addf %parallel_loop3A_515, %parallel_loop3A_522 : vector<16xf32>
        %parallel_loop3A_525 = arith.constant 16 : i32
        %parallel_loop3A_526 = vector.broadcast %parallel_loop3A_525 : i32 to vector<16xi32>
        %parallel_loop3A_527 = arith.shli %parallel_loop3A_508, %parallel_loop3A_526 : vector<16xi32>
        %parallel_loop3A_528 = tpu.bitcast %parallel_loop3A_527 : vector<16xi32> -> vector<16xf32>
        %parallel_loop3A_529 = vector.broadcast %parallel_loop3A_212 : i32 to vector<16xi32>
        %parallel_loop3A_530 = arith.andi %parallel_loop3A_508, %parallel_loop3A_529 : vector<16xi32>
        %parallel_loop3A_531 = tpu.bitcast %parallel_loop3A_530 : vector<16xi32> -> vector<16xf32>
        %parallel_loop3A_532 = arith.addf %parallel_loop3A_523, %parallel_loop3A_528 : vector<16xf32>
        %parallel_loop3A_533 = arith.addf %parallel_loop3A_524, %parallel_loop3A_531 : vector<16xf32>
        %parallel_loop3A_534 = arith.constant 2.000000e-01 : f32
        %parallel_loop3A_535 = vector.broadcast %parallel_loop3A_534 : f32 to vector<16xf32>
        %parallel_loop3A_536 = arith.mulf %parallel_loop3A_532, %parallel_loop3A_535 : vector<16xf32>
        %parallel_loop3A_537 = arith.maximumf %parallel_loop3A_532, %parallel_loop3A_536 : vector<16xf32>
        %parallel_loop3A_538 = arith.index_cast %parallel_loop3A_307 : i32 to index
        %parallel_loop3A_539 = arith.constant 48 : index
        %parallel_loop3A_540 = tpu.vector_load %arg15[%parallel_loop3A_538, %parallel_loop3A_539] {strides = array<i32>} : memref<80x128xf32, #tpu.memory_space<vmem>>, vector<1x16xf32>,
        %parallel_loop3A_541 = vector.shape_cast %parallel_loop3A_540 : vector<1x16xf32> to vector<16xf32>
        %parallel_loop3A_542 = vector.shape_cast %parallel_loop3A_537 : vector<16xf32> to vector<1x16xf32>
        tpu.vector_store %arg15[%parallel_loop3A_538, %parallel_loop3A_539], %parallel_loop3A_542 {strides = array<i32>} : memref<80x128xf32, #tpu.memory_space<vmem>>, vector<1x16xf32>,
        %parallel_loop3A_543 = arith.constant 2.000000e-01 : f32
        %parallel_loop3A_544 = vector.broadcast %parallel_loop3A_543 : f32 to vector<16xf32>
        %parallel_loop3A_545 = arith.mulf %parallel_loop3A_533, %parallel_loop3A_544 : vector<16xf32>
        %parallel_loop3A_546 = arith.maximumf %parallel_loop3A_533, %parallel_loop3A_545 : vector<16xf32>
        %parallel_loop3A_547 = arith.index_cast %parallel_loop3A_307 : i32 to index
        %parallel_loop3A_548 = arith.constant 112 : index
        %parallel_loop3A_549 = tpu.vector_load %arg15[%parallel_loop3A_547, %parallel_loop3A_548] {strides = array<i32>} : memref<80x128xf32, #tpu.memory_space<vmem>>, vector<1x16xf32>,
        %parallel_loop3A_550 = vector.shape_cast %parallel_loop3A_549 : vector<1x16xf32> to vector<16xf32>
        %parallel_loop3A_551 = vector.shape_cast %parallel_loop3A_546 : vector<16xf32> to vector<1x16xf32>
        tpu.vector_store %arg15[%parallel_loop3A_547, %parallel_loop3A_548], %parallel_loop3A_551 {strides = array<i32>} : memref<80x128xf32, #tpu.memory_space<vmem>>, vector<1x16xf32>,
      } {sc.loop_unroll_factor = 4 : i64, sc.parallel_access}
      %mul3A_213 = arith.constant 80 : i32
      %mul3A_214 = arith.muli %mul3A_156, %mul3A_213 : i32
      %add3A_215 = arith.addi %multiple_of3A, %mul3A_214 : i32
      %multiple_of3A_216 = tpu.assume_multiple %add3A_215, 8 : i32
      %dma_start3A_217 = arith.constant 0 : i32
      %dma_start3A_218 = tpu.memref_slice %arg6[%multiple_of3A_216, %dma_start3A_217] : memref<320000x128xf32, #tpu.memory_space<hbm>> -> memref<80x128xf32, #tpu.memory_space<hbm>>
      %dma_start3A_219 = arith.constant 0 : i32
      %dma_start3A_220 = tpu.memref_slice %arg6[%multiple_of3A_216, %dma_start3A_219] : memref<320000x128xf32, #tpu.memory_space<hbm>> -> memref<80x128xf32, #tpu.memory_space<hbm>>
      tpu.enqueue_dma source(%arg15 : memref<80x128xf32, #tpu.memory_space<vmem>>) target(%dma_start3A_220 : memref<80x128xf32, #tpu.memory_space<hbm>>) target_semaphore(%arg21 : memref<!tpu.dma_semaphore, #tpu.memory_space<semaphore_mem>>)
      %dma_wait3A_221 = tpu.memref_slice %arg5[%multiple_of3A] : memref<960000xi32, #tpu.memory_space<hbm>> -> memref<80xi32, #tpu.memory_space<hbm>>
      %dma_wait3A_222 = tpu.memref_slice %arg5[%multiple_of3A] : memref<960000xi32, #tpu.memory_space<hbm>> -> memref<80xi32, #tpu.memory_space<hbm>>
      tpu.wait_dma2 semaphore(%arg17 : memref<!tpu.dma_semaphore, #tpu.memory_space<semaphore_mem>>) src(%dma_wait3A_222 : memref<80xi32, #tpu.memory_space<hbm>>) dst(%arg7 : memref<80xi32, #tpu.memory_space<vmem>>)
      %dma_wait3A_223 = tpu.memref_slice %arg5[%multiple_of3A] : memref<960000xi32, #tpu.memory_space<hbm>> -> memref<80xi32, #tpu.memory_space<hbm>>
      %dma_wait3A_224 = tpu.memref_slice %arg5[%multiple_of3A] : memref<960000xi32, #tpu.memory_space<hbm>> -> memref<80xi32, #tpu.memory_space<hbm>>
      tpu.wait_dma2 semaphore(%arg17 : memref<!tpu.dma_semaphore, #tpu.memory_space<semaphore_mem>>) src(%dma_wait3A_224 : memref<80xi32, #tpu.memory_space<hbm>>) dst(%arg8 : memref<80xi32, #tpu.memory_space<vmem>>)
      %dma_wait3A_225 = tpu.memref_slice %arg5[%multiple_of3A] : memref<960000xi32, #tpu.memory_space<hbm>> -> memref<80xi32, #tpu.memory_space<hbm>>
      %dma_wait3A_226 = tpu.memref_slice %arg5[%multiple_of3A] : memref<960000xi32, #tpu.memory_space<hbm>> -> memref<80xi32, #tpu.memory_space<hbm>>
      tpu.wait_dma2 semaphore(%arg17 : memref<!tpu.dma_semaphore, #tpu.memory_space<semaphore_mem>>) src(%dma_wait3A_226 : memref<80xi32, #tpu.memory_space<hbm>>) dst(%arg9 : memref<80xi32, #tpu.memory_space<vmem>>)
      %dma_start3A_227 = arith.constant 0 : i32
      %dma_start3A_228 = arith.constant 0 : i32
      %dma_start3A_229 = arith.constant 0 : i32
      %dma_start3A_230 = tpu.memref_slice %arg13[%dma_start3A_227, %dma_start3A_228, %dma_start3A_229] : memref<3x80x64xi32, #tpu.memory_space<vmem>> -> memref<1x80x64xi32, #tpu.memory_space<vmem>>
      %dma_start3A_231 = tpu.memref_squeeze %dma_start3A_230 : memref<1x80x64xi32, #tpu.memory_space<vmem>> -> memref<80x64xi32, #tpu.memory_space<vmem>>
      %dma_start3A_232 = arith.constant 0 : i32
      %dma_start3A_233 = arith.constant 0 : i32
      %dma_start3A_234 = tpu.memref_slice %arg2[%dma_start3A_232, %dma_start3A_233] : memref<10000x64xi32, #tpu.memory_space<hbm>> -> memref<10000x64xi32, #tpu.memory_space<hbm>>
      tpu.enqueue_indirect_dma source(%dma_start3A_234 : memref<10000x64xi32, #tpu.memory_space<hbm>>) target(%dma_start3A_231 : memref<80x64xi32, #tpu.memory_space<vmem>>) offsets(%arg7 : memref<80xi32, #tpu.memory_space<vmem>>) semaphore(%arg19 : memref<!tpu.dma_semaphore, #tpu.memory_space<semaphore_mem>>)
      %dma_start3A_235 = arith.constant 1 : i32
      %dma_start3A_236 = arith.constant 0 : i32
      %dma_start3A_237 = arith.constant 0 : i32
      %dma_start3A_238 = tpu.memref_slice %arg13[%dma_start3A_235, %dma_start3A_236, %dma_start3A_237] : memref<3x80x64xi32, #tpu.memory_space<vmem>> -> memref<1x80x64xi32, #tpu.memory_space<vmem>>
      %dma_start3A_239 = tpu.memref_squeeze %dma_start3A_238 : memref<1x80x64xi32, #tpu.memory_space<vmem>> -> memref<80x64xi32, #tpu.memory_space<vmem>>
      %dma_start3A_240 = arith.constant 0 : i32
      %dma_start3A_241 = arith.constant 0 : i32
      %dma_start3A_242 = tpu.memref_slice %arg3[%dma_start3A_240, %dma_start3A_241] : memref<10000x64xi32, #tpu.memory_space<hbm>> -> memref<10000x64xi32, #tpu.memory_space<hbm>>
      tpu.enqueue_indirect_dma source(%dma_start3A_242 : memref<10000x64xi32, #tpu.memory_space<hbm>>) target(%dma_start3A_239 : memref<80x64xi32, #tpu.memory_space<vmem>>) offsets(%arg8 : memref<80xi32, #tpu.memory_space<vmem>>) semaphore(%arg19 : memref<!tpu.dma_semaphore, #tpu.memory_space<semaphore_mem>>)
      %dma_start3A_243 = arith.constant 2 : i32
      %dma_start3A_244 = arith.constant 0 : i32
      %dma_start3A_245 = arith.constant 0 : i32
      %dma_start3A_246 = tpu.memref_slice %arg13[%dma_start3A_243, %dma_start3A_244, %dma_start3A_245] : memref<3x80x64xi32, #tpu.memory_space<vmem>> -> memref<1x80x64xi32, #tpu.memory_space<vmem>>
      %dma_start3A_247 = tpu.memref_squeeze %dma_start3A_246 : memref<1x80x64xi32, #tpu.memory_space<vmem>> -> memref<80x64xi32, #tpu.memory_space<vmem>>
      %dma_start3A_248 = arith.constant 0 : i32
      %dma_start3A_249 = arith.constant 0 : i32
      %dma_start3A_250 = tpu.memref_slice %arg4[%dma_start3A_248, %dma_start3A_249] : memref<10000x64xi32, #tpu.memory_space<hbm>> -> memref<10000x64xi32, #tpu.memory_space<hbm>>
      tpu.enqueue_indirect_dma source(%dma_start3A_250 : memref<10000x64xi32, #tpu.memory_space<hbm>>) target(%dma_start3A_247 : memref<80x64xi32, #tpu.memory_space<vmem>>) offsets(%arg9 : memref<80xi32, #tpu.memory_space<vmem>>) semaphore(%arg19 : memref<!tpu.dma_semaphore, #tpu.memory_space<semaphore_mem>>)
      %dma_wait3A_251 = arith.constant 0 : i32
      %dma_wait3A_252 = arith.constant 0 : i32
      %dma_wait3A_253 = arith.constant 0 : i32
      %dma_wait3A_254 = tpu.memref_slice %arg14[%dma_wait3A_251, %dma_wait3A_252, %dma_wait3A_253] : memref<3x80x64xi32, #tpu.memory_space<vmem>> -> memref<1x80x64xi32, #tpu.memory_space<vmem>>
      %dma_wait3A_255 = tpu.memref_squeeze %dma_wait3A_254 : memref<1x80x64xi32, #tpu.memory_space<vmem>> -> memref<80x64xi32, #tpu.memory_space<vmem>>
      %dma_wait3A_256 = arith.constant 0 : i32
      %dma_wait3A_257 = arith.constant 0 : i32
      %dma_wait3A_258 = tpu.memref_slice %arg2[%dma_wait3A_256, %dma_wait3A_257] : memref<10000x64xi32, #tpu.memory_space<hbm>> -> memref<10000x64xi32, #tpu.memory_space<hbm>>
      tpu.wait_indirect_dma semaphore(%arg20 : memref<!tpu.dma_semaphore, #tpu.memory_space<semaphore_mem>>) src(%dma_wait3A_258 : memref<10000x64xi32, #tpu.memory_space<hbm>>) dst(%dma_wait3A_255 : memref<80x64xi32, #tpu.memory_space<vmem>>)
      %dma_wait3A_259 = arith.constant 1 : i32
      %dma_wait3A_260 = arith.constant 0 : i32
      %dma_wait3A_261 = arith.constant 0 : i32
      %dma_wait3A_262 = tpu.memref_slice %arg14[%dma_wait3A_259, %dma_wait3A_260, %dma_wait3A_261] : memref<3x80x64xi32, #tpu.memory_space<vmem>> -> memref<1x80x64xi32, #tpu.memory_space<vmem>>
      %dma_wait3A_263 = tpu.memref_squeeze %dma_wait3A_262 : memref<1x80x64xi32, #tpu.memory_space<vmem>> -> memref<80x64xi32, #tpu.memory_space<vmem>>
      %dma_wait3A_264 = arith.constant 0 : i32
      %dma_wait3A_265 = arith.constant 0 : i32
      %dma_wait3A_266 = tpu.memref_slice %arg3[%dma_wait3A_264, %dma_wait3A_265] : memref<10000x64xi32, #tpu.memory_space<hbm>> -> memref<10000x64xi32, #tpu.memory_space<hbm>>
      tpu.wait_indirect_dma semaphore(%arg20 : memref<!tpu.dma_semaphore, #tpu.memory_space<semaphore_mem>>) src(%dma_wait3A_266 : memref<10000x64xi32, #tpu.memory_space<hbm>>) dst(%dma_wait3A_263 : memref<80x64xi32, #tpu.memory_space<vmem>>)
      %dma_wait3A_267 = arith.constant 2 : i32
      %dma_wait3A_268 = arith.constant 0 : i32
      %dma_wait3A_269 = arith.constant 0 : i32
      %dma_wait3A_270 = tpu.memref_slice %arg14[%dma_wait3A_267, %dma_wait3A_268, %dma_wait3A_269] : memref<3x80x64xi32, #tpu.memory_space<vmem>> -> memref<1x80x64xi32, #tpu.memory_space<vmem>>
      %dma_wait3A_271 = tpu.memref_squeeze %dma_wait3A_270 : memref<1x80x64xi32, #tpu.memory_space<vmem>> -> memref<80x64xi32, #tpu.memory_space<vmem>>
      %dma_wait3A_272 = arith.constant 0 : i32
      %dma_wait3A_273 = arith.constant 0 : i32
      %dma_wait3A_274 = tpu.memref_slice %arg4[%dma_wait3A_272, %dma_wait3A_273] : memref<10000x64xi32, #tpu.memory_space<hbm>> -> memref<10000x64xi32, #tpu.memory_space<hbm>>
      tpu.wait_indirect_dma semaphore(%arg20 : memref<!tpu.dma_semaphore, #tpu.memory_space<semaphore_mem>>) src(%dma_wait3A_274 : memref<10000x64xi32, #tpu.memory_space<hbm>>) dst(%dma_wait3A_271 : memref<80x64xi32, #tpu.memory_space<vmem>>)
      %add3A_275 = arith.constant 3 : i32
      %add3A_276 = arith.addi %mul3A_156, %add3A_275 : i32
      %lt3A = arith.constant 125 : i32
      %lt3A_277 = arith.cmpi slt, %add3A_276, %lt3A : i32
      %convert_element_type3A_278 = arith.extui %lt3A_277 : i1 to i32
      %cond3A_279 = arith.constant 0 : i32
      %cond3A_280 = arith.cmpi ne, %convert_element_type3A_278, %cond3A_279 : i32
      scf.if %cond3A_280 {
        %add3A_307 = arith.constant 3 : i32
        %add3A_308 = arith.addi %mul3A_156, %add3A_307 : i32
        %add3A_309 = arith.constant 0 : i32
        %add3A_310 = arith.addi %add3A_309, %multiple_of3A : i32
        %mul3A_311 = arith.constant 80 : i32
        %mul3A_312 = arith.muli %add3A_308, %mul3A_311 : i32
        %add3A_313 = arith.addi %add3A_310, %mul3A_312 : i32
        %multiple_of3A_314 = tpu.assume_multiple %add3A_313, 8 : i32
        %dma_start3A_315 = tpu.memref_slice %arg5[%multiple_of3A_314] : memref<960000xi32, #tpu.memory_space<hbm>> -> memref<80xi32, #tpu.memory_space<hbm>>
        %dma_start3A_316 = tpu.memref_slice %arg5[%multiple_of3A_314] : memref<960000xi32, #tpu.memory_space<hbm>> -> memref<80xi32, #tpu.memory_space<hbm>>
        tpu.enqueue_dma source(%dma_start3A_316 : memref<80xi32, #tpu.memory_space<hbm>>) target(%arg10 : memref<80xi32, #tpu.memory_space<vmem>>) target_semaphore(%arg18 : memref<!tpu.dma_semaphore, #tpu.memory_space<semaphore_mem>>)
        %add3A_317 = arith.constant 320000 : i32
        %add3A_318 = arith.addi %add3A_317, %multiple_of3A : i32
        %mul3A_319 = arith.constant 80 : i32
        %mul3A_320 = arith.muli %add3A_308, %mul3A_319 : i32
        %add3A_321 = arith.addi %add3A_318, %mul3A_320 : i32
        %multiple_of3A_322 = tpu.assume_multiple %add3A_321, 8 : i32
        %dma_start3A_323 = tpu.memref_slice %arg5[%multiple_of3A_322] : memref<960000xi32, #tpu.memory_space<hbm>> -> memref<80xi32, #tpu.memory_space<hbm>>
        %dma_start3A_324 = tpu.memref_slice %arg5[%multiple_of3A_322] : memref<960000xi32, #tpu.memory_space<hbm>> -> memref<80xi32, #tpu.memory_space<hbm>>
        tpu.enqueue_dma source(%dma_start3A_324 : memref<80xi32, #tpu.memory_space<hbm>>) target(%arg11 : memref<80xi32, #tpu.memory_space<vmem>>) target_semaphore(%arg18 : memref<!tpu.dma_semaphore, #tpu.memory_space<semaphore_mem>>)
        %add3A_325 = arith.constant 640000 : i32
        %add3A_326 = arith.addi %add3A_325, %multiple_of3A : i32
        %mul3A_327 = arith.constant 80 : i32
        %mul3A_328 = arith.muli %add3A_308, %mul3A_327 : i32
        %add3A_329 = arith.addi %add3A_326, %mul3A_328 : i32
        %multiple_of3A_330 = tpu.assume_multiple %add3A_329, 8 : i32
        %dma_start3A_331 = tpu.memref_slice %arg5[%multiple_of3A_330] : memref<960000xi32, #tpu.memory_space<hbm>> -> memref<80xi32, #tpu.memory_space<hbm>>
        %dma_start3A_332 = tpu.memref_slice %arg5[%multiple_of3A_330] : memref<960000xi32, #tpu.memory_space<hbm>> -> memref<80xi32, #tpu.memory_space<hbm>>
        tpu.enqueue_dma source(%dma_start3A_332 : memref<80xi32, #tpu.memory_space<hbm>>) target(%arg12 : memref<80xi32, #tpu.memory_space<vmem>>) target_semaphore(%arg18 : memref<!tpu.dma_semaphore, #tpu.memory_space<semaphore_mem>>)
      } else {
      }
      %ge3A_281 = arith.constant 1 : i32
      %ge3A_282 = arith.cmpi sge, %scan3A_154, %ge3A_281 : i32
      %convert_element_type3A_283 = arith.extui %ge3A_282 : i1 to i32
      %cond3A_284 = arith.constant 0 : i32
      %cond3A_285 = arith.cmpi ne, %convert_element_type3A_283, %cond3A_284 : i32
      scf.if %cond3A_285 {
        %dma_wait3A_307 = arith.constant 0 : i32
        %dma_wait3A_308 = tpu.memref_slice %arg6[%multiple_of3A, %dma_wait3A_307] : memref<320000x128xf32, #tpu.memory_space<hbm>> -> memref<80x128xf32, #tpu.memory_space<hbm>>
        %dma_wait3A_309 = arith.constant 0 : i32
        %dma_wait3A_310 = tpu.memref_slice %arg6[%multiple_of3A, %dma_wait3A_309] : memref<320000x128xf32, #tpu.memory_space<hbm>> -> memref<80x128xf32, #tpu.memory_space<hbm>>
        tpu.wait_dma2 semaphore(%arg22 : memref<!tpu.dma_semaphore, #tpu.memory_space<semaphore_mem>>) src(%arg16 : memref<80x128xf32, #tpu.memory_space<vmem>>) dst(%dma_wait3A_310 : memref<80x128xf32, #tpu.memory_space<hbm>>)
      } else {
      }
      %parallel_loop3A_286 = arith.constant 0 : i32
      %parallel_loop3A_287 = arith.constant 80 : i32
      %parallel_loop3A_288 = arith.constant 1 : i32
      %parallel_loop3A_289 = arith.constant -65536 : i32
      scf.for %parallel_loop3A_307 = %parallel_loop3A_286 to %parallel_loop3A_287 step %parallel_loop3A_288  : i32 {
        %parallel_loop3A_308 = arith.constant 0 : i32
        %parallel_loop3A_309 = arith.index_cast %parallel_loop3A_308 : i32 to index
        %parallel_loop3A_310 = arith.index_cast %parallel_loop3A_307 : i32 to index
        %parallel_loop3A_311 = arith.constant 0 : index
        %parallel_loop3A_312 = tpu.vector_load %arg14[%parallel_loop3A_309, %parallel_loop3A_310, %parallel_loop3A_311] {strides = array<i32>} : memref<3x80x64xi32, #tpu.memory_space<vmem>>, vector<1x1x16xi32>,
        %parallel_loop3A_313 = vector.shape_cast %parallel_loop3A_312 : vector<1x1x16xi32> to vector<16xi32>
        %parallel_loop3A_314 = arith.constant 1 : i32
        %parallel_loop3A_315 = arith.index_cast %parallel_loop3A_314 : i32 to index
        %parallel_loop3A_316 = arith.index_cast %parallel_loop3A_307 : i32 to index
        %parallel_loop3A_317 = arith.constant 0 : index
        %parallel_loop3A_318 = tpu.vector_load %arg14[%parallel_loop3A_315, %parallel_loop3A_316, %parallel_loop3A_317] {strides = array<i32>} : memref<3x80x64xi32, #tpu.memory_space<vmem>>, vector<1x1x16xi32>,
        %parallel_loop3A_319 = vector.shape_cast %parallel_loop3A_318 : vector<1x1x16xi32> to vector<16xi32>
        %parallel_loop3A_320 = arith.constant 2 : i32
        %parallel_loop3A_321 = arith.index_cast %parallel_loop3A_320 : i32 to index
        %parallel_loop3A_322 = arith.index_cast %parallel_loop3A_307 : i32 to index
        %parallel_loop3A_323 = arith.constant 0 : index
        %parallel_loop3A_324 = tpu.vector_load %arg14[%parallel_loop3A_321, %parallel_loop3A_322, %parallel_loop3A_323] {strides = array<i32>} : memref<3x80x64xi32, #tpu.memory_space<vmem>>, vector<1x1x16xi32>,
        %parallel_loop3A_325 = vector.shape_cast %parallel_loop3A_324 : vector<1x1x16xi32> to vector<16xi32>
        %parallel_loop3A_326 = arith.constant 16 : i32
        %parallel_loop3A_327 = vector.broadcast %parallel_loop3A_326 : i32 to vector<16xi32>
        %parallel_loop3A_328 = arith.shli %parallel_loop3A_313, %parallel_loop3A_327 : vector<16xi32>
        %parallel_loop3A_329 = tpu.bitcast %parallel_loop3A_328 : vector<16xi32> -> vector<16xf32>
        %parallel_loop3A_330 = vector.broadcast %parallel_loop3A_289 : i32 to vector<16xi32>
        %parallel_loop3A_331 = arith.andi %parallel_loop3A_313, %parallel_loop3A_330 : vector<16xi32>
        %parallel_loop3A_332 = tpu.bitcast %parallel_loop3A_331 : vector<16xi32> -> vector<16xf32>
        %parallel_loop3A_333 = arith.constant 16 : i32
        %parallel_loop3A_334 = vector.broadcast %parallel_loop3A_333 : i32 to vector<16xi32>
        %parallel_loop3A_335 = arith.shli %parallel_loop3A_319, %parallel_loop3A_334 : vector<16xi32>
        %parallel_loop3A_336 = tpu.bitcast %parallel_loop3A_335 : vector<16xi32> -> vector<16xf32>
        %parallel_loop3A_337 = vector.broadcast %parallel_loop3A_289 : i32 to vector<16xi32>
        %parallel_loop3A_338 = arith.andi %parallel_loop3A_319, %parallel_loop3A_337 : vector<16xi32>
        %parallel_loop3A_339 = tpu.bitcast %parallel_loop3A_338 : vector<16xi32> -> vector<16xf32>
        %parallel_loop3A_340 = arith.addf %parallel_loop3A_329, %parallel_loop3A_336 : vector<16xf32>
        %parallel_loop3A_341 = arith.addf %parallel_loop3A_332, %parallel_loop3A_339 : vector<16xf32>
        %parallel_loop3A_342 = arith.constant 16 : i32
        %parallel_loop3A_343 = vector.broadcast %parallel_loop3A_342 : i32 to vector<16xi32>
        %parallel_loop3A_344 = arith.shli %parallel_loop3A_325, %parallel_loop3A_343 : vector<16xi32>
        %parallel_loop3A_345 = tpu.bitcast %parallel_loop3A_344 : vector<16xi32> -> vector<16xf32>
        %parallel_loop3A_346 = vector.broadcast %parallel_loop3A_289 : i32 to vector<16xi32>
        %parallel_loop3A_347 = arith.andi %parallel_loop3A_325, %parallel_loop3A_346 : vector<16xi32>
        %parallel_loop3A_348 = tpu.bitcast %parallel_loop3A_347 : vector<16xi32> -> vector<16xf32>
        %parallel_loop3A_349 = arith.addf %parallel_loop3A_340, %parallel_loop3A_345 : vector<16xf32>
        %parallel_loop3A_350 = arith.addf %parallel_loop3A_341, %parallel_loop3A_348 : vector<16xf32>
        %parallel_loop3A_351 = arith.constant 2.000000e-01 : f32
        %parallel_loop3A_352 = vector.broadcast %parallel_loop3A_351 : f32 to vector<16xf32>
        %parallel_loop3A_353 = arith.mulf %parallel_loop3A_349, %parallel_loop3A_352 : vector<16xf32>
        %parallel_loop3A_354 = arith.maximumf %parallel_loop3A_349, %parallel_loop3A_353 : vector<16xf32>
        %parallel_loop3A_355 = arith.index_cast %parallel_loop3A_307 : i32 to index
        %parallel_loop3A_356 = arith.constant 0 : index
        %parallel_loop3A_357 = tpu.vector_load %arg16[%parallel_loop3A_355, %parallel_loop3A_356] {strides = array<i32>} : memref<80x128xf32, #tpu.memory_space<vmem>>, vector<1x16xf32>,
        %parallel_loop3A_358 = vector.shape_cast %parallel_loop3A_357 : vector<1x16xf32> to vector<16xf32>
        %parallel_loop3A_359 = vector.shape_cast %parallel_loop3A_354 : vector<16xf32> to vector<1x16xf32>
        tpu.vector_store %arg16[%parallel_loop3A_355, %parallel_loop3A_356], %parallel_loop3A_359 {strides = array<i32>} : memref<80x128xf32, #tpu.memory_space<vmem>>, vector<1x16xf32>,
        %parallel_loop3A_360 = arith.constant 2.000000e-01 : f32
        %parallel_loop3A_361 = vector.broadcast %parallel_loop3A_360 : f32 to vector<16xf32>
        %parallel_loop3A_362 = arith.mulf %parallel_loop3A_350, %parallel_loop3A_361 : vector<16xf32>
        %parallel_loop3A_363 = arith.maximumf %parallel_loop3A_350, %parallel_loop3A_362 : vector<16xf32>
        %parallel_loop3A_364 = arith.index_cast %parallel_loop3A_307 : i32 to index
        %parallel_loop3A_365 = arith.constant 64 : index
        %parallel_loop3A_366 = tpu.vector_load %arg16[%parallel_loop3A_364, %parallel_loop3A_365] {strides = array<i32>} : memref<80x128xf32, #tpu.memory_space<vmem>>, vector<1x16xf32>,
        %parallel_loop3A_367 = vector.shape_cast %parallel_loop3A_366 : vector<1x16xf32> to vector<16xf32>
        %parallel_loop3A_368 = vector.shape_cast %parallel_loop3A_363 : vector<16xf32> to vector<1x16xf32>
        tpu.vector_store %arg16[%parallel_loop3A_364, %parallel_loop3A_365], %parallel_loop3A_368 {strides = array<i32>} : memref<80x128xf32, #tpu.memory_space<vmem>>, vector<1x16xf32>,
        %parallel_loop3A_369 = arith.constant 0 : i32
        %parallel_loop3A_370 = arith.index_cast %parallel_loop3A_369 : i32 to index
        %parallel_loop3A_371 = arith.index_cast %parallel_loop3A_307 : i32 to index
        %parallel_loop3A_372 = arith.constant 16 : index
        %parallel_loop3A_373 = tpu.vector_load %arg14[%parallel_loop3A_370, %parallel_loop3A_371, %parallel_loop3A_372] {strides = array<i32>} : memref<3x80x64xi32, #tpu.memory_space<vmem>>, vector<1x1x16xi32>,
        %parallel_loop3A_374 = vector.shape_cast %parallel_loop3A_373 : vector<1x1x16xi32> to vector<16xi32>
        %parallel_loop3A_375 = arith.constant 1 : i32
        %parallel_loop3A_376 = arith.index_cast %parallel_loop3A_375 : i32 to index
        %parallel_loop3A_377 = arith.index_cast %parallel_loop3A_307 : i32 to index
        %parallel_loop3A_378 = arith.constant 16 : index
        %parallel_loop3A_379 = tpu.vector_load %arg14[%parallel_loop3A_376, %parallel_loop3A_377, %parallel_loop3A_378] {strides = array<i32>} : memref<3x80x64xi32, #tpu.memory_space<vmem>>, vector<1x1x16xi32>,
        %parallel_loop3A_380 = vector.shape_cast %parallel_loop3A_379 : vector<1x1x16xi32> to vector<16xi32>
        %parallel_loop3A_381 = arith.constant 2 : i32
        %parallel_loop3A_382 = arith.index_cast %parallel_loop3A_381 : i32 to index
        %parallel_loop3A_383 = arith.index_cast %parallel_loop3A_307 : i32 to index
        %parallel_loop3A_384 = arith.constant 16 : index
        %parallel_loop3A_385 = tpu.vector_load %arg14[%parallel_loop3A_382, %parallel_loop3A_383, %parallel_loop3A_384] {strides = array<i32>} : memref<3x80x64xi32, #tpu.memory_space<vmem>>, vector<1x1x16xi32>,
        %parallel_loop3A_386 = vector.shape_cast %parallel_loop3A_385 : vector<1x1x16xi32> to vector<16xi32>
        %parallel_loop3A_387 = arith.constant 16 : i32
        %parallel_loop3A_388 = vector.broadcast %parallel_loop3A_387 : i32 to vector<16xi32>
        %parallel_loop3A_389 = arith.shli %parallel_loop3A_374, %parallel_loop3A_388 : vector<16xi32>
        %parallel_loop3A_390 = tpu.bitcast %parallel_loop3A_389 : vector<16xi32> -> vector<16xf32>
        %parallel_loop3A_391 = vector.broadcast %parallel_loop3A_289 : i32 to vector<16xi32>
        %parallel_loop3A_392 = arith.andi %parallel_loop3A_374, %parallel_loop3A_391 : vector<16xi32>
        %parallel_loop3A_393 = tpu.bitcast %parallel_loop3A_392 : vector<16xi32> -> vector<16xf32>
        %parallel_loop3A_394 = arith.constant 16 : i32
        %parallel_loop3A_395 = vector.broadcast %parallel_loop3A_394 : i32 to vector<16xi32>
        %parallel_loop3A_396 = arith.shli %parallel_loop3A_380, %parallel_loop3A_395 : vector<16xi32>
        %parallel_loop3A_397 = tpu.bitcast %parallel_loop3A_396 : vector<16xi32> -> vector<16xf32>
        %parallel_loop3A_398 = vector.broadcast %parallel_loop3A_289 : i32 to vector<16xi32>
        %parallel_loop3A_399 = arith.andi %parallel_loop3A_380, %parallel_loop3A_398 : vector<16xi32>
        %parallel_loop3A_400 = tpu.bitcast %parallel_loop3A_399 : vector<16xi32> -> vector<16xf32>
        %parallel_loop3A_401 = arith.addf %parallel_loop3A_390, %parallel_loop3A_397 : vector<16xf32>
        %parallel_loop3A_402 = arith.addf %parallel_loop3A_393, %parallel_loop3A_400 : vector<16xf32>
        %parallel_loop3A_403 = arith.constant 16 : i32
        %parallel_loop3A_404 = vector.broadcast %parallel_loop3A_403 : i32 to vector<16xi32>
        %parallel_loop3A_405 = arith.shli %parallel_loop3A_386, %parallel_loop3A_404 : vector<16xi32>
        %parallel_loop3A_406 = tpu.bitcast %parallel_loop3A_405 : vector<16xi32> -> vector<16xf32>
        %parallel_loop3A_407 = vector.broadcast %parallel_loop3A_289 : i32 to vector<16xi32>
        %parallel_loop3A_408 = arith.andi %parallel_loop3A_386, %parallel_loop3A_407 : vector<16xi32>
        %parallel_loop3A_409 = tpu.bitcast %parallel_loop3A_408 : vector<16xi32> -> vector<16xf32>
        %parallel_loop3A_410 = arith.addf %parallel_loop3A_401, %parallel_loop3A_406 : vector<16xf32>
        %parallel_loop3A_411 = arith.addf %parallel_loop3A_402, %parallel_loop3A_409 : vector<16xf32>
        %parallel_loop3A_412 = arith.constant 2.000000e-01 : f32
        %parallel_loop3A_413 = vector.broadcast %parallel_loop3A_412 : f32 to vector<16xf32>
        %parallel_loop3A_414 = arith.mulf %parallel_loop3A_410, %parallel_loop3A_413 : vector<16xf32>
        %parallel_loop3A_415 = arith.maximumf %parallel_loop3A_410, %parallel_loop3A_414 : vector<16xf32>
        %parallel_loop3A_416 = arith.index_cast %parallel_loop3A_307 : i32 to index
        %parallel_loop3A_417 = arith.constant 16 : index
        %parallel_loop3A_418 = tpu.vector_load %arg16[%parallel_loop3A_416, %parallel_loop3A_417] {strides = array<i32>} : memref<80x128xf32, #tpu.memory_space<vmem>>, vector<1x16xf32>,
        %parallel_loop3A_419 = vector.shape_cast %parallel_loop3A_418 : vector<1x16xf32> to vector<16xf32>
        %parallel_loop3A_420 = vector.shape_cast %parallel_loop3A_415 : vector<16xf32> to vector<1x16xf32>
        tpu.vector_store %arg16[%parallel_loop3A_416, %parallel_loop3A_417], %parallel_loop3A_420 {strides = array<i32>} : memref<80x128xf32, #tpu.memory_space<vmem>>, vector<1x16xf32>,
        %parallel_loop3A_421 = arith.constant 2.000000e-01 : f32
        %parallel_loop3A_422 = vector.broadcast %parallel_loop3A_421 : f32 to vector<16xf32>
        %parallel_loop3A_423 = arith.mulf %parallel_loop3A_411, %parallel_loop3A_422 : vector<16xf32>
        %parallel_loop3A_424 = arith.maximumf %parallel_loop3A_411, %parallel_loop3A_423 : vector<16xf32>
        %parallel_loop3A_425 = arith.index_cast %parallel_loop3A_307 : i32 to index
        %parallel_loop3A_426 = arith.constant 80 : index
        %parallel_loop3A_427 = tpu.vector_load %arg16[%parallel_loop3A_425, %parallel_loop3A_426] {strides = array<i32>} : memref<80x128xf32, #tpu.memory_space<vmem>>, vector<1x16xf32>,
        %parallel_loop3A_428 = vector.shape_cast %parallel_loop3A_427 : vector<1x16xf32> to vector<16xf32>
        %parallel_loop3A_429 = vector.shape_cast %parallel_loop3A_424 : vector<16xf32> to vector<1x16xf32>
        tpu.vector_store %arg16[%parallel_loop3A_425, %parallel_loop3A_426], %parallel_loop3A_429 {strides = array<i32>} : memref<80x128xf32, #tpu.memory_space<vmem>>, vector<1x16xf32>,
        %parallel_loop3A_430 = arith.constant 0 : i32
        %parallel_loop3A_431 = arith.index_cast %parallel_loop3A_430 : i32 to index
        %parallel_loop3A_432 = arith.index_cast %parallel_loop3A_307 : i32 to index
        %parallel_loop3A_433 = arith.constant 32 : index
        %parallel_loop3A_434 = tpu.vector_load %arg14[%parallel_loop3A_431, %parallel_loop3A_432, %parallel_loop3A_433] {strides = array<i32>} : memref<3x80x64xi32, #tpu.memory_space<vmem>>, vector<1x1x16xi32>,
        %parallel_loop3A_435 = vector.shape_cast %parallel_loop3A_434 : vector<1x1x16xi32> to vector<16xi32>
        %parallel_loop3A_436 = arith.constant 1 : i32
        %parallel_loop3A_437 = arith.index_cast %parallel_loop3A_436 : i32 to index
        %parallel_loop3A_438 = arith.index_cast %parallel_loop3A_307 : i32 to index
        %parallel_loop3A_439 = arith.constant 32 : index
        %parallel_loop3A_440 = tpu.vector_load %arg14[%parallel_loop3A_437, %parallel_loop3A_438, %parallel_loop3A_439] {strides = array<i32>} : memref<3x80x64xi32, #tpu.memory_space<vmem>>, vector<1x1x16xi32>,
        %parallel_loop3A_441 = vector.shape_cast %parallel_loop3A_440 : vector<1x1x16xi32> to vector<16xi32>
        %parallel_loop3A_442 = arith.constant 2 : i32
        %parallel_loop3A_443 = arith.index_cast %parallel_loop3A_442 : i32 to index
        %parallel_loop3A_444 = arith.index_cast %parallel_loop3A_307 : i32 to index
        %parallel_loop3A_445 = arith.constant 32 : index
        %parallel_loop3A_446 = tpu.vector_load %arg14[%parallel_loop3A_443, %parallel_loop3A_444, %parallel_loop3A_445] {strides = array<i32>} : memref<3x80x64xi32, #tpu.memory_space<vmem>>, vector<1x1x16xi32>,
        %parallel_loop3A_447 = vector.shape_cast %parallel_loop3A_446 : vector<1x1x16xi32> to vector<16xi32>
        %parallel_loop3A_448 = arith.constant 16 : i32
        %parallel_loop3A_449 = vector.broadcast %parallel_loop3A_448 : i32 to vector<16xi32>
        %parallel_loop3A_450 = arith.shli %parallel_loop3A_435, %parallel_loop3A_449 : vector<16xi32>
        %parallel_loop3A_451 = tpu.bitcast %parallel_loop3A_450 : vector<16xi32> -> vector<16xf32>
        %parallel_loop3A_452 = vector.broadcast %parallel_loop3A_289 : i32 to vector<16xi32>
        %parallel_loop3A_453 = arith.andi %parallel_loop3A_435, %parallel_loop3A_452 : vector<16xi32>
        %parallel_loop3A_454 = tpu.bitcast %parallel_loop3A_453 : vector<16xi32> -> vector<16xf32>
        %parallel_loop3A_455 = arith.constant 16 : i32
        %parallel_loop3A_456 = vector.broadcast %parallel_loop3A_455 : i32 to vector<16xi32>
        %parallel_loop3A_457 = arith.shli %parallel_loop3A_441, %parallel_loop3A_456 : vector<16xi32>
        %parallel_loop3A_458 = tpu.bitcast %parallel_loop3A_457 : vector<16xi32> -> vector<16xf32>
        %parallel_loop3A_459 = vector.broadcast %parallel_loop3A_289 : i32 to vector<16xi32>
        %parallel_loop3A_460 = arith.andi %parallel_loop3A_441, %parallel_loop3A_459 : vector<16xi32>
        %parallel_loop3A_461 = tpu.bitcast %parallel_loop3A_460 : vector<16xi32> -> vector<16xf32>
        %parallel_loop3A_462 = arith.addf %parallel_loop3A_451, %parallel_loop3A_458 : vector<16xf32>
        %parallel_loop3A_463 = arith.addf %parallel_loop3A_454, %parallel_loop3A_461 : vector<16xf32>
        %parallel_loop3A_464 = arith.constant 16 : i32
        %parallel_loop3A_465 = vector.broadcast %parallel_loop3A_464 : i32 to vector<16xi32>
        %parallel_loop3A_466 = arith.shli %parallel_loop3A_447, %parallel_loop3A_465 : vector<16xi32>
        %parallel_loop3A_467 = tpu.bitcast %parallel_loop3A_466 : vector<16xi32> -> vector<16xf32>
        %parallel_loop3A_468 = vector.broadcast %parallel_loop3A_289 : i32 to vector<16xi32>
        %parallel_loop3A_469 = arith.andi %parallel_loop3A_447, %parallel_loop3A_468 : vector<16xi32>
        %parallel_loop3A_470 = tpu.bitcast %parallel_loop3A_469 : vector<16xi32> -> vector<16xf32>
        %parallel_loop3A_471 = arith.addf %parallel_loop3A_462, %parallel_loop3A_467 : vector<16xf32>
        %parallel_loop3A_472 = arith.addf %parallel_loop3A_463, %parallel_loop3A_470 : vector<16xf32>
        %parallel_loop3A_473 = arith.constant 2.000000e-01 : f32
        %parallel_loop3A_474 = vector.broadcast %parallel_loop3A_473 : f32 to vector<16xf32>
        %parallel_loop3A_475 = arith.mulf %parallel_loop3A_471, %parallel_loop3A_474 : vector<16xf32>
        %parallel_loop3A_476 = arith.maximumf %parallel_loop3A_471, %parallel_loop3A_475 : vector<16xf32>
        %parallel_loop3A_477 = arith.index_cast %parallel_loop3A_307 : i32 to index
        %parallel_loop3A_478 = arith.constant 32 : index
        %parallel_loop3A_479 = tpu.vector_load %arg16[%parallel_loop3A_477, %parallel_loop3A_478] {strides = array<i32>} : memref<80x128xf32, #tpu.memory_space<vmem>>, vector<1x16xf32>,
        %parallel_loop3A_480 = vector.shape_cast %parallel_loop3A_479 : vector<1x16xf32> to vector<16xf32>
        %parallel_loop3A_481 = vector.shape_cast %parallel_loop3A_476 : vector<16xf32> to vector<1x16xf32>
        tpu.vector_store %arg16[%parallel_loop3A_477, %parallel_loop3A_478], %parallel_loop3A_481 {strides = array<i32>} : memref<80x128xf32, #tpu.memory_space<vmem>>, vector<1x16xf32>,
        %parallel_loop3A_482 = arith.constant 2.000000e-01 : f32
        %parallel_loop3A_483 = vector.broadcast %parallel_loop3A_482 : f32 to vector<16xf32>
        %parallel_loop3A_484 = arith.mulf %parallel_loop3A_472, %parallel_loop3A_483 : vector<16xf32>
        %parallel_loop3A_485 = arith.maximumf %parallel_loop3A_472, %parallel_loop3A_484 : vector<16xf32>
        %parallel_loop3A_486 = arith.index_cast %parallel_loop3A_307 : i32 to index
        %parallel_loop3A_487 = arith.constant 96 : index
        %parallel_loop3A_488 = tpu.vector_load %arg16[%parallel_loop3A_486, %parallel_loop3A_487] {strides = array<i32>} : memref<80x128xf32, #tpu.memory_space<vmem>>, vector<1x16xf32>,
        %parallel_loop3A_489 = vector.shape_cast %parallel_loop3A_488 : vector<1x16xf32> to vector<16xf32>
        %parallel_loop3A_490 = vector.shape_cast %parallel_loop3A_485 : vector<16xf32> to vector<1x16xf32>
        tpu.vector_store %arg16[%parallel_loop3A_486, %parallel_loop3A_487], %parallel_loop3A_490 {strides = array<i32>} : memref<80x128xf32, #tpu.memory_space<vmem>>, vector<1x16xf32>,
        %parallel_loop3A_491 = arith.constant 0 : i32
        %parallel_loop3A_492 = arith.index_cast %parallel_loop3A_491 : i32 to index
        %parallel_loop3A_493 = arith.index_cast %parallel_loop3A_307 : i32 to index
        %parallel_loop3A_494 = arith.constant 48 : index
        %parallel_loop3A_495 = tpu.vector_load %arg14[%parallel_loop3A_492, %parallel_loop3A_493, %parallel_loop3A_494] {strides = array<i32>} : memref<3x80x64xi32, #tpu.memory_space<vmem>>, vector<1x1x16xi32>,
        %parallel_loop3A_496 = vector.shape_cast %parallel_loop3A_495 : vector<1x1x16xi32> to vector<16xi32>
        %parallel_loop3A_497 = arith.constant 1 : i32
        %parallel_loop3A_498 = arith.index_cast %parallel_loop3A_497 : i32 to index
        %parallel_loop3A_499 = arith.index_cast %parallel_loop3A_307 : i32 to index
        %parallel_loop3A_500 = arith.constant 48 : index
        %parallel_loop3A_501 = tpu.vector_load %arg14[%parallel_loop3A_498, %parallel_loop3A_499, %parallel_loop3A_500] {strides = array<i32>} : memref<3x80x64xi32, #tpu.memory_space<vmem>>, vector<1x1x16xi32>,
        %parallel_loop3A_502 = vector.shape_cast %parallel_loop3A_501 : vector<1x1x16xi32> to vector<16xi32>
        %parallel_loop3A_503 = arith.constant 2 : i32
        %parallel_loop3A_504 = arith.index_cast %parallel_loop3A_503 : i32 to index
        %parallel_loop3A_505 = arith.index_cast %parallel_loop3A_307 : i32 to index
        %parallel_loop3A_506 = arith.constant 48 : index
        %parallel_loop3A_507 = tpu.vector_load %arg14[%parallel_loop3A_504, %parallel_loop3A_505, %parallel_loop3A_506] {strides = array<i32>} : memref<3x80x64xi32, #tpu.memory_space<vmem>>, vector<1x1x16xi32>,
        %parallel_loop3A_508 = vector.shape_cast %parallel_loop3A_507 : vector<1x1x16xi32> to vector<16xi32>
        %parallel_loop3A_509 = arith.constant 16 : i32
        %parallel_loop3A_510 = vector.broadcast %parallel_loop3A_509 : i32 to vector<16xi32>
        %parallel_loop3A_511 = arith.shli %parallel_loop3A_496, %parallel_loop3A_510 : vector<16xi32>
        %parallel_loop3A_512 = tpu.bitcast %parallel_loop3A_511 : vector<16xi32> -> vector<16xf32>
        %parallel_loop3A_513 = vector.broadcast %parallel_loop3A_289 : i32 to vector<16xi32>
        %parallel_loop3A_514 = arith.andi %parallel_loop3A_496, %parallel_loop3A_513 : vector<16xi32>
        %parallel_loop3A_515 = tpu.bitcast %parallel_loop3A_514 : vector<16xi32> -> vector<16xf32>
        %parallel_loop3A_516 = arith.constant 16 : i32
        %parallel_loop3A_517 = vector.broadcast %parallel_loop3A_516 : i32 to vector<16xi32>
        %parallel_loop3A_518 = arith.shli %parallel_loop3A_502, %parallel_loop3A_517 : vector<16xi32>
        %parallel_loop3A_519 = tpu.bitcast %parallel_loop3A_518 : vector<16xi32> -> vector<16xf32>
        %parallel_loop3A_520 = vector.broadcast %parallel_loop3A_289 : i32 to vector<16xi32>
        %parallel_loop3A_521 = arith.andi %parallel_loop3A_502, %parallel_loop3A_520 : vector<16xi32>
        %parallel_loop3A_522 = tpu.bitcast %parallel_loop3A_521 : vector<16xi32> -> vector<16xf32>
        %parallel_loop3A_523 = arith.addf %parallel_loop3A_512, %parallel_loop3A_519 : vector<16xf32>
        %parallel_loop3A_524 = arith.addf %parallel_loop3A_515, %parallel_loop3A_522 : vector<16xf32>
        %parallel_loop3A_525 = arith.constant 16 : i32
        %parallel_loop3A_526 = vector.broadcast %parallel_loop3A_525 : i32 to vector<16xi32>
        %parallel_loop3A_527 = arith.shli %parallel_loop3A_508, %parallel_loop3A_526 : vector<16xi32>
        %parallel_loop3A_528 = tpu.bitcast %parallel_loop3A_527 : vector<16xi32> -> vector<16xf32>
        %parallel_loop3A_529 = vector.broadcast %parallel_loop3A_289 : i32 to vector<16xi32>
        %parallel_loop3A_530 = arith.andi %parallel_loop3A_508, %parallel_loop3A_529 : vector<16xi32>
        %parallel_loop3A_531 = tpu.bitcast %parallel_loop3A_530 : vector<16xi32> -> vector<16xf32>
        %parallel_loop3A_532 = arith.addf %parallel_loop3A_523, %parallel_loop3A_528 : vector<16xf32>
        %parallel_loop3A_533 = arith.addf %parallel_loop3A_524, %parallel_loop3A_531 : vector<16xf32>
        %parallel_loop3A_534 = arith.constant 2.000000e-01 : f32
        %parallel_loop3A_535 = vector.broadcast %parallel_loop3A_534 : f32 to vector<16xf32>
        %parallel_loop3A_536 = arith.mulf %parallel_loop3A_532, %parallel_loop3A_535 : vector<16xf32>
        %parallel_loop3A_537 = arith.maximumf %parallel_loop3A_532, %parallel_loop3A_536 : vector<16xf32>
        %parallel_loop3A_538 = arith.index_cast %parallel_loop3A_307 : i32 to index
        %parallel_loop3A_539 = arith.constant 48 : index
        %parallel_loop3A_540 = tpu.vector_load %arg16[%parallel_loop3A_538, %parallel_loop3A_539] {strides = array<i32>} : memref<80x128xf32, #tpu.memory_space<vmem>>, vector<1x16xf32>,
        %parallel_loop3A_541 = vector.shape_cast %parallel_loop3A_540 : vector<1x16xf32> to vector<16xf32>
        %parallel_loop3A_542 = vector.shape_cast %parallel_loop3A_537 : vector<16xf32> to vector<1x16xf32>
        tpu.vector_store %arg16[%parallel_loop3A_538, %parallel_loop3A_539], %parallel_loop3A_542 {strides = array<i32>} : memref<80x128xf32, #tpu.memory_space<vmem>>, vector<1x16xf32>,
        %parallel_loop3A_543 = arith.constant 2.000000e-01 : f32
        %parallel_loop3A_544 = vector.broadcast %parallel_loop3A_543 : f32 to vector<16xf32>
        %parallel_loop3A_545 = arith.mulf %parallel_loop3A_533, %parallel_loop3A_544 : vector<16xf32>
        %parallel_loop3A_546 = arith.maximumf %parallel_loop3A_533, %parallel_loop3A_545 : vector<16xf32>
        %parallel_loop3A_547 = arith.index_cast %parallel_loop3A_307 : i32 to index
        %parallel_loop3A_548 = arith.constant 112 : index
        %parallel_loop3A_549 = tpu.vector_load %arg16[%parallel_loop3A_547, %parallel_loop3A_548] {strides = array<i32>} : memref<80x128xf32, #tpu.memory_space<vmem>>, vector<1x16xf32>,
        %parallel_loop3A_550 = vector.shape_cast %parallel_loop3A_549 : vector<1x16xf32> to vector<16xf32>
        %parallel_loop3A_551 = vector.shape_cast %parallel_loop3A_546 : vector<16xf32> to vector<1x16xf32>
        tpu.vector_store %arg16[%parallel_loop3A_547, %parallel_loop3A_548], %parallel_loop3A_551 {strides = array<i32>} : memref<80x128xf32, #tpu.memory_space<vmem>>, vector<1x16xf32>,
      } {sc.loop_unroll_factor = 4 : i64, sc.parallel_access}
      %add3A_290 = arith.constant 1 : i32
      %add3A_291 = arith.addi %mul3A_156, %add3A_290 : i32
      %mul3A_292 = arith.constant 80 : i32
      %mul3A_293 = arith.muli %add3A_291, %mul3A_292 : i32
      %add3A_294 = arith.addi %multiple_of3A, %mul3A_293 : i32
      %multiple_of3A_295 = tpu.assume_multiple %add3A_294, 8 : i32
      %dma_start3A_296 = arith.constant 0 : i32
      %dma_start3A_297 = tpu.memref_slice %arg6[%multiple_of3A_295, %dma_start3A_296] : memref<320000x128xf32, #tpu.memory_space<hbm>> -> memref<80x128xf32, #tpu.memory_space<hbm>>
      %dma_start3A_298 = arith.constant 0 : i32
      %dma_start3A_299 = tpu.memref_slice %arg6[%multiple_of3A_295, %dma_start3A_298] : memref<320000x128xf32, #tpu.memory_space<hbm>> -> memref<80x128xf32, #tpu.memory_space<hbm>>
      tpu.enqueue_dma source(%arg16 : memref<80x128xf32, #tpu.memory_space<vmem>>) target(%dma_start3A_299 : memref<80x128xf32, #tpu.memory_space<hbm>>) target_semaphore(%arg22 : memref<!tpu.dma_semaphore, #tpu.memory_space<semaphore_mem>>)
      %add3A_300 = arith.constant 3 : i32
      %add3A_301 = arith.addi %mul3A_156, %add3A_300 : i32
      %lt3A_302 = arith.constant 125 : i32
      %lt3A_303 = arith.cmpi slt, %add3A_301, %lt3A_302 : i32
      %convert_element_type3A_304 = arith.extui %lt3A_303 : i1 to i32
      %cond3A_305 = arith.constant 0 : i32
      %cond3A_306 = arith.cmpi ne, %convert_element_type3A_304, %cond3A_305 : i32
      scf.if %cond3A_306 {
        %dma_wait3A_307 = tpu.memref_slice %arg5[%multiple_of3A] : memref<960000xi32, #tpu.memory_space<hbm>> -> memref<80xi32, #tpu.memory_space<hbm>>
        %dma_wait3A_308 = tpu.memref_slice %arg5[%multiple_of3A] : memref<960000xi32, #tpu.memory_space<hbm>> -> memref<80xi32, #tpu.memory_space<hbm>>
        tpu.wait_dma2 semaphore(%arg18 : memref<!tpu.dma_semaphore, #tpu.memory_space<semaphore_mem>>) src(%dma_wait3A_308 : memref<80xi32, #tpu.memory_space<hbm>>) dst(%arg10 : memref<80xi32, #tpu.memory_space<vmem>>)
        %dma_wait3A_309 = tpu.memref_slice %arg5[%multiple_of3A] : memref<960000xi32, #tpu.memory_space<hbm>> -> memref<80xi32, #tpu.memory_space<hbm>>
        %dma_wait3A_310 = tpu.memref_slice %arg5[%multiple_of3A] : memref<960000xi32, #tpu.memory_space<hbm>> -> memref<80xi32, #tpu.memory_space<hbm>>
        tpu.wait_dma2 semaphore(%arg18 : memref<!tpu.dma_semaphore, #tpu.memory_space<semaphore_mem>>) src(%dma_wait3A_310 : memref<80xi32, #tpu.memory_space<hbm>>) dst(%arg11 : memref<80xi32, #tpu.memory_space<vmem>>)
        %dma_wait3A_311 = tpu.memref_slice %arg5[%multiple_of3A] : memref<960000xi32, #tpu.memory_space<hbm>> -> memref<80xi32, #tpu.memory_space<hbm>>
        %dma_wait3A_312 = tpu.memref_slice %arg5[%multiple_of3A] : memref<960000xi32, #tpu.memory_space<hbm>> -> memref<80xi32, #tpu.memory_space<hbm>>
        tpu.wait_dma2 semaphore(%arg18 : memref<!tpu.dma_semaphore, #tpu.memory_space<semaphore_mem>>) src(%dma_wait3A_312 : memref<80xi32, #tpu.memory_space<hbm>>) dst(%arg12 : memref<80xi32, #tpu.memory_space<vmem>>)
        %dma_start3A_313 = arith.constant 0 : i32
        %dma_start3A_314 = arith.constant 0 : i32
        %dma_start3A_315 = arith.constant 0 : i32
        %dma_start3A_316 = tpu.memref_slice %arg14[%dma_start3A_313, %dma_start3A_314, %dma_start3A_315] : memref<3x80x64xi32, #tpu.memory_space<vmem>> -> memref<1x80x64xi32, #tpu.memory_space<vmem>>
        %dma_start3A_317 = tpu.memref_squeeze %dma_start3A_316 : memref<1x80x64xi32, #tpu.memory_space<vmem>> -> memref<80x64xi32, #tpu.memory_space<vmem>>
        %dma_start3A_318 = arith.constant 0 : i32
        %dma_start3A_319 = arith.constant 0 : i32
        %dma_start3A_320 = tpu.memref_slice %arg2[%dma_start3A_318, %dma_start3A_319] : memref<10000x64xi32, #tpu.memory_space<hbm>> -> memref<10000x64xi32, #tpu.memory_space<hbm>>
        tpu.enqueue_indirect_dma source(%dma_start3A_320 : memref<10000x64xi32, #tpu.memory_space<hbm>>) target(%dma_start3A_317 : memref<80x64xi32, #tpu.memory_space<vmem>>) offsets(%arg10 : memref<80xi32, #tpu.memory_space<vmem>>) semaphore(%arg20 : memref<!tpu.dma_semaphore, #tpu.memory_space<semaphore_mem>>)
        %dma_start3A_321 = arith.constant 1 : i32
        %dma_start3A_322 = arith.constant 0 : i32
        %dma_start3A_323 = arith.constant 0 : i32
        %dma_start3A_324 = tpu.memref_slice %arg14[%dma_start3A_321, %dma_start3A_322, %dma_start3A_323] : memref<3x80x64xi32, #tpu.memory_space<vmem>> -> memref<1x80x64xi32, #tpu.memory_space<vmem>>
        %dma_start3A_325 = tpu.memref_squeeze %dma_start3A_324 : memref<1x80x64xi32, #tpu.memory_space<vmem>> -> memref<80x64xi32, #tpu.memory_space<vmem>>
        %dma_start3A_326 = arith.constant 0 : i32
        %dma_start3A_327 = arith.constant 0 : i32
        %dma_start3A_328 = tpu.memref_slice %arg3[%dma_start3A_326, %dma_start3A_327] : memref<10000x64xi32, #tpu.memory_space<hbm>> -> memref<10000x64xi32, #tpu.memory_space<hbm>>
        tpu.enqueue_indirect_dma source(%dma_start3A_328 : memref<10000x64xi32, #tpu.memory_space<hbm>>) target(%dma_start3A_325 : memref<80x64xi32, #tpu.memory_space<vmem>>) offsets(%arg11 : memref<80xi32, #tpu.memory_space<vmem>>) semaphore(%arg20 : memref<!tpu.dma_semaphore, #tpu.memory_space<semaphore_mem>>)
        %dma_start3A_329 = arith.constant 2 : i32
        %dma_start3A_330 = arith.constant 0 : i32
        %dma_start3A_331 = arith.constant 0 : i32
        %dma_start3A_332 = tpu.memref_slice %arg14[%dma_start3A_329, %dma_start3A_330, %dma_start3A_331] : memref<3x80x64xi32, #tpu.memory_space<vmem>> -> memref<1x80x64xi32, #tpu.memory_space<vmem>>
        %dma_start3A_333 = tpu.memref_squeeze %dma_start3A_332 : memref<1x80x64xi32, #tpu.memory_space<vmem>> -> memref<80x64xi32, #tpu.memory_space<vmem>>
        %dma_start3A_334 = arith.constant 0 : i32
        %dma_start3A_335 = arith.constant 0 : i32
        %dma_start3A_336 = tpu.memref_slice %arg4[%dma_start3A_334, %dma_start3A_335] : memref<10000x64xi32, #tpu.memory_space<hbm>> -> memref<10000x64xi32, #tpu.memory_space<hbm>>
        tpu.enqueue_indirect_dma source(%dma_start3A_336 : memref<10000x64xi32, #tpu.memory_space<hbm>>) target(%dma_start3A_333 : memref<80x64xi32, #tpu.memory_space<vmem>>) offsets(%arg12 : memref<80xi32, #tpu.memory_space<vmem>>) semaphore(%arg20 : memref<!tpu.dma_semaphore, #tpu.memory_space<semaphore_mem>>)
      } else {
      }
    }
    %scan3A_107 = arith.constant 62 : i32
    %dma_wait3A_108 = arith.constant 0 : i32
    %dma_wait3A_109 = arith.constant 0 : i32
    %dma_wait3A_110 = arith.constant 0 : i32
    %dma_wait3A_111 = tpu.memref_slice %arg13[%dma_wait3A_108, %dma_wait3A_109, %dma_wait3A_110] : memref<3x80x64xi32, #tpu.memory_space<vmem>> -> memref<1x80x64xi32, #tpu.memory_space<vmem>>
    %dma_wait3A_112 = tpu.memref_squeeze %dma_wait3A_111 : memref<1x80x64xi32, #tpu.memory_space<vmem>> -> memref<80x64xi32, #tpu.memory_space<vmem>>
    %dma_wait3A_113 = arith.constant 0 : i32
    %dma_wait3A_114 = arith.constant 0 : i32
    %dma_wait3A_115 = tpu.memref_slice %arg2[%dma_wait3A_113, %dma_wait3A_114] : memref<10000x64xi32, #tpu.memory_space<hbm>> -> memref<10000x64xi32, #tpu.memory_space<hbm>>
    tpu.wait_indirect_dma semaphore(%arg19 : memref<!tpu.dma_semaphore, #tpu.memory_space<semaphore_mem>>) src(%dma_wait3A_115 : memref<10000x64xi32, #tpu.memory_space<hbm>>) dst(%dma_wait3A_112 : memref<80x64xi32, #tpu.memory_space<vmem>>)
    %dma_wait3A_116 = arith.constant 1 : i32
    %dma_wait3A_117 = arith.constant 0 : i32
    %dma_wait3A_118 = arith.constant 0 : i32
    %dma_wait3A_119 = tpu.memref_slice %arg13[%dma_wait3A_116, %dma_wait3A_117, %dma_wait3A_118] : memref<3x80x64xi32, #tpu.memory_space<vmem>> -> memref<1x80x64xi32, #tpu.memory_space<vmem>>
    %dma_wait3A_120 = tpu.memref_squeeze %dma_wait3A_119 : memref<1x80x64xi32, #tpu.memory_space<vmem>> -> memref<80x64xi32, #tpu.memory_space<vmem>>
    %dma_wait3A_121 = arith.constant 0 : i32
    %dma_wait3A_122 = arith.constant 0 : i32
    %dma_wait3A_123 = tpu.memref_slice %arg3[%dma_wait3A_121, %dma_wait3A_122] : memref<10000x64xi32, #tpu.memory_space<hbm>> -> memref<10000x64xi32, #tpu.memory_space<hbm>>
    tpu.wait_indirect_dma semaphore(%arg19 : memref<!tpu.dma_semaphore, #tpu.memory_space<semaphore_mem>>) src(%dma_wait3A_123 : memref<10000x64xi32, #tpu.memory_space<hbm>>) dst(%dma_wait3A_120 : memref<80x64xi32, #tpu.memory_space<vmem>>)
    %dma_wait3A_124 = arith.constant 2 : i32
    %dma_wait3A_125 = arith.constant 0 : i32
    %dma_wait3A_126 = arith.constant 0 : i32
    %dma_wait3A_127 = tpu.memref_slice %arg13[%dma_wait3A_124, %dma_wait3A_125, %dma_wait3A_126] : memref<3x80x64xi32, #tpu.memory_space<vmem>> -> memref<1x80x64xi32, #tpu.memory_space<vmem>>
    %dma_wait3A_128 = tpu.memref_squeeze %dma_wait3A_127 : memref<1x80x64xi32, #tpu.memory_space<vmem>> -> memref<80x64xi32, #tpu.memory_space<vmem>>
    %dma_wait3A_129 = arith.constant 0 : i32
    %dma_wait3A_130 = arith.constant 0 : i32
    %dma_wait3A_131 = tpu.memref_slice %arg4[%dma_wait3A_129, %dma_wait3A_130] : memref<10000x64xi32, #tpu.memory_space<hbm>> -> memref<10000x64xi32, #tpu.memory_space<hbm>>
    tpu.wait_indirect_dma semaphore(%arg19 : memref<!tpu.dma_semaphore, #tpu.memory_space<semaphore_mem>>) src(%dma_wait3A_131 : memref<10000x64xi32, #tpu.memory_space<hbm>>) dst(%dma_wait3A_128 : memref<80x64xi32, #tpu.memory_space<vmem>>)
    %dma_wait3A_132 = arith.constant 0 : i32
    %dma_wait3A_133 = tpu.memref_slice %arg6[%multiple_of3A, %dma_wait3A_132] : memref<320000x128xf32, #tpu.memory_space<hbm>> -> memref<80x128xf32, #tpu.memory_space<hbm>>
    %dma_wait3A_134 = arith.constant 0 : i32
    %dma_wait3A_135 = tpu.memref_slice %arg6[%multiple_of3A, %dma_wait3A_134] : memref<320000x128xf32, #tpu.memory_space<hbm>> -> memref<80x128xf32, #tpu.memory_space<hbm>>
    tpu.wait_dma2 semaphore(%arg21 : memref<!tpu.dma_semaphore, #tpu.memory_space<semaphore_mem>>) src(%arg15 : memref<80x128xf32, #tpu.memory_space<vmem>>) dst(%dma_wait3A_135 : memref<80x128xf32, #tpu.memory_space<hbm>>)
    %parallel_loop3A = arith.constant 0 : i32
    %parallel_loop3A_136 = arith.constant 80 : i32
    %parallel_loop3A_137 = arith.constant 1 : i32
    %parallel_loop3A_138 = arith.constant -65536 : i32
    scf.for %parallel_loop3A_154 = %parallel_loop3A to %parallel_loop3A_136 step %parallel_loop3A_137  : i32 {
      %parallel_loop3A_155 = arith.constant 0 : i32
      %parallel_loop3A_156 = arith.index_cast %parallel_loop3A_155 : i32 to index
      %parallel_loop3A_157 = arith.index_cast %parallel_loop3A_154 : i32 to index
      %parallel_loop3A_158 = arith.constant 0 : index
      %parallel_loop3A_159 = tpu.vector_load %arg13[%parallel_loop3A_156, %parallel_loop3A_157, %parallel_loop3A_158] {strides = array<i32>} : memref<3x80x64xi32, #tpu.memory_space<vmem>>, vector<1x1x16xi32>,
      %parallel_loop3A_160 = vector.shape_cast %parallel_loop3A_159 : vector<1x1x16xi32> to vector<16xi32>
      %parallel_loop3A_161 = arith.constant 1 : i32
      %parallel_loop3A_162 = arith.index_cast %parallel_loop3A_161 : i32 to index
      %parallel_loop3A_163 = arith.index_cast %parallel_loop3A_154 : i32 to index
      %parallel_loop3A_164 = arith.constant 0 : index
      %parallel_loop3A_165 = tpu.vector_load %arg13[%parallel_loop3A_162, %parallel_loop3A_163, %parallel_loop3A_164] {strides = array<i32>} : memref<3x80x64xi32, #tpu.memory_space<vmem>>, vector<1x1x16xi32>,
      %parallel_loop3A_166 = vector.shape_cast %parallel_loop3A_165 : vector<1x1x16xi32> to vector<16xi32>
      %parallel_loop3A_167 = arith.constant 2 : i32
      %parallel_loop3A_168 = arith.index_cast %parallel_loop3A_167 : i32 to index
      %parallel_loop3A_169 = arith.index_cast %parallel_loop3A_154 : i32 to index
      %parallel_loop3A_170 = arith.constant 0 : index
      %parallel_loop3A_171 = tpu.vector_load %arg13[%parallel_loop3A_168, %parallel_loop3A_169, %parallel_loop3A_170] {strides = array<i32>} : memref<3x80x64xi32, #tpu.memory_space<vmem>>, vector<1x1x16xi32>,
      %parallel_loop3A_172 = vector.shape_cast %parallel_loop3A_171 : vector<1x1x16xi32> to vector<16xi32>
      %parallel_loop3A_173 = arith.constant 16 : i32
      %parallel_loop3A_174 = vector.broadcast %parallel_loop3A_173 : i32 to vector<16xi32>
      %parallel_loop3A_175 = arith.shli %parallel_loop3A_160, %parallel_loop3A_174 : vector<16xi32>
      %parallel_loop3A_176 = tpu.bitcast %parallel_loop3A_175 : vector<16xi32> -> vector<16xf32>
      %parallel_loop3A_177 = vector.broadcast %parallel_loop3A_138 : i32 to vector<16xi32>
      %parallel_loop3A_178 = arith.andi %parallel_loop3A_160, %parallel_loop3A_177 : vector<16xi32>
      %parallel_loop3A_179 = tpu.bitcast %parallel_loop3A_178 : vector<16xi32> -> vector<16xf32>
      %parallel_loop3A_180 = arith.constant 16 : i32
      %parallel_loop3A_181 = vector.broadcast %parallel_loop3A_180 : i32 to vector<16xi32>
      %parallel_loop3A_182 = arith.shli %parallel_loop3A_166, %parallel_loop3A_181 : vector<16xi32>
      %parallel_loop3A_183 = tpu.bitcast %parallel_loop3A_182 : vector<16xi32> -> vector<16xf32>
      %parallel_loop3A_184 = vector.broadcast %parallel_loop3A_138 : i32 to vector<16xi32>
      %parallel_loop3A_185 = arith.andi %parallel_loop3A_166, %parallel_loop3A_184 : vector<16xi32>
      %parallel_loop3A_186 = tpu.bitcast %parallel_loop3A_185 : vector<16xi32> -> vector<16xf32>
      %parallel_loop3A_187 = arith.addf %parallel_loop3A_176, %parallel_loop3A_183 : vector<16xf32>
      %parallel_loop3A_188 = arith.addf %parallel_loop3A_179, %parallel_loop3A_186 : vector<16xf32>
      %parallel_loop3A_189 = arith.constant 16 : i32
      %parallel_loop3A_190 = vector.broadcast %parallel_loop3A_189 : i32 to vector<16xi32>
      %parallel_loop3A_191 = arith.shli %parallel_loop3A_172, %parallel_loop3A_190 : vector<16xi32>
      %parallel_loop3A_192 = tpu.bitcast %parallel_loop3A_191 : vector<16xi32> -> vector<16xf32>
      %parallel_loop3A_193 = vector.broadcast %parallel_loop3A_138 : i32 to vector<16xi32>
      %parallel_loop3A_194 = arith.andi %parallel_loop3A_172, %parallel_loop3A_193 : vector<16xi32>
      %parallel_loop3A_195 = tpu.bitcast %parallel_loop3A_194 : vector<16xi32> -> vector<16xf32>
      %parallel_loop3A_196 = arith.addf %parallel_loop3A_187, %parallel_loop3A_192 : vector<16xf32>
      %parallel_loop3A_197 = arith.addf %parallel_loop3A_188, %parallel_loop3A_195 : vector<16xf32>
      %parallel_loop3A_198 = arith.constant 2.000000e-01 : f32
      %parallel_loop3A_199 = vector.broadcast %parallel_loop3A_198 : f32 to vector<16xf32>
      %parallel_loop3A_200 = arith.mulf %parallel_loop3A_196, %parallel_loop3A_199 : vector<16xf32>
      %parallel_loop3A_201 = arith.maximumf %parallel_loop3A_196, %parallel_loop3A_200 : vector<16xf32>
      %parallel_loop3A_202 = arith.index_cast %parallel_loop3A_154 : i32 to index
      %parallel_loop3A_203 = arith.constant 0 : index
      %parallel_loop3A_204 = tpu.vector_load %arg15[%parallel_loop3A_202, %parallel_loop3A_203] {strides = array<i32>} : memref<80x128xf32, #tpu.memory_space<vmem>>, vector<1x16xf32>,
      %parallel_loop3A_205 = vector.shape_cast %parallel_loop3A_204 : vector<1x16xf32> to vector<16xf32>
      %parallel_loop3A_206 = vector.shape_cast %parallel_loop3A_201 : vector<16xf32> to vector<1x16xf32>
      tpu.vector_store %arg15[%parallel_loop3A_202, %parallel_loop3A_203], %parallel_loop3A_206 {strides = array<i32>} : memref<80x128xf32, #tpu.memory_space<vmem>>, vector<1x16xf32>,
      %parallel_loop3A_207 = arith.constant 2.000000e-01 : f32
      %parallel_loop3A_208 = vector.broadcast %parallel_loop3A_207 : f32 to vector<16xf32>
      %parallel_loop3A_209 = arith.mulf %parallel_loop3A_197, %parallel_loop3A_208 : vector<16xf32>
      %parallel_loop3A_210 = arith.maximumf %parallel_loop3A_197, %parallel_loop3A_209 : vector<16xf32>
      %parallel_loop3A_211 = arith.index_cast %parallel_loop3A_154 : i32 to index
      %parallel_loop3A_212 = arith.constant 64 : index
      %parallel_loop3A_213 = tpu.vector_load %arg15[%parallel_loop3A_211, %parallel_loop3A_212] {strides = array<i32>} : memref<80x128xf32, #tpu.memory_space<vmem>>, vector<1x16xf32>,
      %parallel_loop3A_214 = vector.shape_cast %parallel_loop3A_213 : vector<1x16xf32> to vector<16xf32>
      %parallel_loop3A_215 = vector.shape_cast %parallel_loop3A_210 : vector<16xf32> to vector<1x16xf32>
      tpu.vector_store %arg15[%parallel_loop3A_211, %parallel_loop3A_212], %parallel_loop3A_215 {strides = array<i32>} : memref<80x128xf32, #tpu.memory_space<vmem>>, vector<1x16xf32>,
      %parallel_loop3A_216 = arith.constant 0 : i32
      %parallel_loop3A_217 = arith.index_cast %parallel_loop3A_216 : i32 to index
      %parallel_loop3A_218 = arith.index_cast %parallel_loop3A_154 : i32 to index
      %parallel_loop3A_219 = arith.constant 16 : index
      %parallel_loop3A_220 = tpu.vector_load %arg13[%parallel_loop3A_217, %parallel_loop3A_218, %parallel_loop3A_219] {strides = array<i32>} : memref<3x80x64xi32, #tpu.memory_space<vmem>>, vector<1x1x16xi32>,
      %parallel_loop3A_221 = vector.shape_cast %parallel_loop3A_220 : vector<1x1x16xi32> to vector<16xi32>
      %parallel_loop3A_222 = arith.constant 1 : i32
      %parallel_loop3A_223 = arith.index_cast %parallel_loop3A_222 : i32 to index
      %parallel_loop3A_224 = arith.index_cast %parallel_loop3A_154 : i32 to index
      %parallel_loop3A_225 = arith.constant 16 : index
      %parallel_loop3A_226 = tpu.vector_load %arg13[%parallel_loop3A_223, %parallel_loop3A_224, %parallel_loop3A_225] {strides = array<i32>} : memref<3x80x64xi32, #tpu.memory_space<vmem>>, vector<1x1x16xi32>,
      %parallel_loop3A_227 = vector.shape_cast %parallel_loop3A_226 : vector<1x1x16xi32> to vector<16xi32>
      %parallel_loop3A_228 = arith.constant 2 : i32
      %parallel_loop3A_229 = arith.index_cast %parallel_loop3A_228 : i32 to index
      %parallel_loop3A_230 = arith.index_cast %parallel_loop3A_154 : i32 to index
      %parallel_loop3A_231 = arith.constant 16 : index
      %parallel_loop3A_232 = tpu.vector_load %arg13[%parallel_loop3A_229, %parallel_loop3A_230, %parallel_loop3A_231] {strides = array<i32>} : memref<3x80x64xi32, #tpu.memory_space<vmem>>, vector<1x1x16xi32>,
      %parallel_loop3A_233 = vector.shape_cast %parallel_loop3A_232 : vector<1x1x16xi32> to vector<16xi32>
      %parallel_loop3A_234 = arith.constant 16 : i32
      %parallel_loop3A_235 = vector.broadcast %parallel_loop3A_234 : i32 to vector<16xi32>
      %parallel_loop3A_236 = arith.shli %parallel_loop3A_221, %parallel_loop3A_235 : vector<16xi32>
      %parallel_loop3A_237 = tpu.bitcast %parallel_loop3A_236 : vector<16xi32> -> vector<16xf32>
      %parallel_loop3A_238 = vector.broadcast %parallel_loop3A_138 : i32 to vector<16xi32>
      %parallel_loop3A_239 = arith.andi %parallel_loop3A_221, %parallel_loop3A_238 : vector<16xi32>
      %parallel_loop3A_240 = tpu.bitcast %parallel_loop3A_239 : vector<16xi32> -> vector<16xf32>
      %parallel_loop3A_241 = arith.constant 16 : i32
      %parallel_loop3A_242 = vector.broadcast %parallel_loop3A_241 : i32 to vector<16xi32>
      %parallel_loop3A_243 = arith.shli %parallel_loop3A_227, %parallel_loop3A_242 : vector<16xi32>
      %parallel_loop3A_244 = tpu.bitcast %parallel_loop3A_243 : vector<16xi32> -> vector<16xf32>
      %parallel_loop3A_245 = vector.broadcast %parallel_loop3A_138 : i32 to vector<16xi32>
      %parallel_loop3A_246 = arith.andi %parallel_loop3A_227, %parallel_loop3A_245 : vector<16xi32>
      %parallel_loop3A_247 = tpu.bitcast %parallel_loop3A_246 : vector<16xi32> -> vector<16xf32>
      %parallel_loop3A_248 = arith.addf %parallel_loop3A_237, %parallel_loop3A_244 : vector<16xf32>
      %parallel_loop3A_249 = arith.addf %parallel_loop3A_240, %parallel_loop3A_247 : vector<16xf32>
      %parallel_loop3A_250 = arith.constant 16 : i32
      %parallel_loop3A_251 = vector.broadcast %parallel_loop3A_250 : i32 to vector<16xi32>
      %parallel_loop3A_252 = arith.shli %parallel_loop3A_233, %parallel_loop3A_251 : vector<16xi32>
      %parallel_loop3A_253 = tpu.bitcast %parallel_loop3A_252 : vector<16xi32> -> vector<16xf32>
      %parallel_loop3A_254 = vector.broadcast %parallel_loop3A_138 : i32 to vector<16xi32>
      %parallel_loop3A_255 = arith.andi %parallel_loop3A_233, %parallel_loop3A_254 : vector<16xi32>
      %parallel_loop3A_256 = tpu.bitcast %parallel_loop3A_255 : vector<16xi32> -> vector<16xf32>
      %parallel_loop3A_257 = arith.addf %parallel_loop3A_248, %parallel_loop3A_253 : vector<16xf32>
      %parallel_loop3A_258 = arith.addf %parallel_loop3A_249, %parallel_loop3A_256 : vector<16xf32>
      %parallel_loop3A_259 = arith.constant 2.000000e-01 : f32
      %parallel_loop3A_260 = vector.broadcast %parallel_loop3A_259 : f32 to vector<16xf32>
      %parallel_loop3A_261 = arith.mulf %parallel_loop3A_257, %parallel_loop3A_260 : vector<16xf32>
      %parallel_loop3A_262 = arith.maximumf %parallel_loop3A_257, %parallel_loop3A_261 : vector<16xf32>
      %parallel_loop3A_263 = arith.index_cast %parallel_loop3A_154 : i32 to index
      %parallel_loop3A_264 = arith.constant 16 : index
      %parallel_loop3A_265 = tpu.vector_load %arg15[%parallel_loop3A_263, %parallel_loop3A_264] {strides = array<i32>} : memref<80x128xf32, #tpu.memory_space<vmem>>, vector<1x16xf32>,
      %parallel_loop3A_266 = vector.shape_cast %parallel_loop3A_265 : vector<1x16xf32> to vector<16xf32>
      %parallel_loop3A_267 = vector.shape_cast %parallel_loop3A_262 : vector<16xf32> to vector<1x16xf32>
      tpu.vector_store %arg15[%parallel_loop3A_263, %parallel_loop3A_264], %parallel_loop3A_267 {strides = array<i32>} : memref<80x128xf32, #tpu.memory_space<vmem>>, vector<1x16xf32>,
      %parallel_loop3A_268 = arith.constant 2.000000e-01 : f32
      %parallel_loop3A_269 = vector.broadcast %parallel_loop3A_268 : f32 to vector<16xf32>
      %parallel_loop3A_270 = arith.mulf %parallel_loop3A_258, %parallel_loop3A_269 : vector<16xf32>
      %parallel_loop3A_271 = arith.maximumf %parallel_loop3A_258, %parallel_loop3A_270 : vector<16xf32>
      %parallel_loop3A_272 = arith.index_cast %parallel_loop3A_154 : i32 to index
      %parallel_loop3A_273 = arith.constant 80 : index
      %parallel_loop3A_274 = tpu.vector_load %arg15[%parallel_loop3A_272, %parallel_loop3A_273] {strides = array<i32>} : memref<80x128xf32, #tpu.memory_space<vmem>>, vector<1x16xf32>,
      %parallel_loop3A_275 = vector.shape_cast %parallel_loop3A_274 : vector<1x16xf32> to vector<16xf32>
      %parallel_loop3A_276 = vector.shape_cast %parallel_loop3A_271 : vector<16xf32> to vector<1x16xf32>
      tpu.vector_store %arg15[%parallel_loop3A_272, %parallel_loop3A_273], %parallel_loop3A_276 {strides = array<i32>} : memref<80x128xf32, #tpu.memory_space<vmem>>, vector<1x16xf32>,
      %parallel_loop3A_277 = arith.constant 0 : i32
      %parallel_loop3A_278 = arith.index_cast %parallel_loop3A_277 : i32 to index
      %parallel_loop3A_279 = arith.index_cast %parallel_loop3A_154 : i32 to index
      %parallel_loop3A_280 = arith.constant 32 : index
      %parallel_loop3A_281 = tpu.vector_load %arg13[%parallel_loop3A_278, %parallel_loop3A_279, %parallel_loop3A_280] {strides = array<i32>} : memref<3x80x64xi32, #tpu.memory_space<vmem>>, vector<1x1x16xi32>,
      %parallel_loop3A_282 = vector.shape_cast %parallel_loop3A_281 : vector<1x1x16xi32> to vector<16xi32>
      %parallel_loop3A_283 = arith.constant 1 : i32
      %parallel_loop3A_284 = arith.index_cast %parallel_loop3A_283 : i32 to index
      %parallel_loop3A_285 = arith.index_cast %parallel_loop3A_154 : i32 to index
      %parallel_loop3A_286 = arith.constant 32 : index
      %parallel_loop3A_287 = tpu.vector_load %arg13[%parallel_loop3A_284, %parallel_loop3A_285, %parallel_loop3A_286] {strides = array<i32>} : memref<3x80x64xi32, #tpu.memory_space<vmem>>, vector<1x1x16xi32>,
      %parallel_loop3A_288 = vector.shape_cast %parallel_loop3A_287 : vector<1x1x16xi32> to vector<16xi32>
      %parallel_loop3A_289 = arith.constant 2 : i32
      %parallel_loop3A_290 = arith.index_cast %parallel_loop3A_289 : i32 to index
      %parallel_loop3A_291 = arith.index_cast %parallel_loop3A_154 : i32 to index
      %parallel_loop3A_292 = arith.constant 32 : index
      %parallel_loop3A_293 = tpu.vector_load %arg13[%parallel_loop3A_290, %parallel_loop3A_291, %parallel_loop3A_292] {strides = array<i32>} : memref<3x80x64xi32, #tpu.memory_space<vmem>>, vector<1x1x16xi32>,
      %parallel_loop3A_294 = vector.shape_cast %parallel_loop3A_293 : vector<1x1x16xi32> to vector<16xi32>
      %parallel_loop3A_295 = arith.constant 16 : i32
      %parallel_loop3A_296 = vector.broadcast %parallel_loop3A_295 : i32 to vector<16xi32>
      %parallel_loop3A_297 = arith.shli %parallel_loop3A_282, %parallel_loop3A_296 : vector<16xi32>
      %parallel_loop3A_298 = tpu.bitcast %parallel_loop3A_297 : vector<16xi32> -> vector<16xf32>
      %parallel_loop3A_299 = vector.broadcast %parallel_loop3A_138 : i32 to vector<16xi32>
      %parallel_loop3A_300 = arith.andi %parallel_loop3A_282, %parallel_loop3A_299 : vector<16xi32>
      %parallel_loop3A_301 = tpu.bitcast %parallel_loop3A_300 : vector<16xi32> -> vector<16xf32>
      %parallel_loop3A_302 = arith.constant 16 : i32
      %parallel_loop3A_303 = vector.broadcast %parallel_loop3A_302 : i32 to vector<16xi32>
      %parallel_loop3A_304 = arith.shli %parallel_loop3A_288, %parallel_loop3A_303 : vector<16xi32>
      %parallel_loop3A_305 = tpu.bitcast %parallel_loop3A_304 : vector<16xi32> -> vector<16xf32>
      %parallel_loop3A_306 = vector.broadcast %parallel_loop3A_138 : i32 to vector<16xi32>
      %parallel_loop3A_307 = arith.andi %parallel_loop3A_288, %parallel_loop3A_306 : vector<16xi32>
      %parallel_loop3A_308 = tpu.bitcast %parallel_loop3A_307 : vector<16xi32> -> vector<16xf32>
      %parallel_loop3A_309 = arith.addf %parallel_loop3A_298, %parallel_loop3A_305 : vector<16xf32>
      %parallel_loop3A_310 = arith.addf %parallel_loop3A_301, %parallel_loop3A_308 : vector<16xf32>
      %parallel_loop3A_311 = arith.constant 16 : i32
      %parallel_loop3A_312 = vector.broadcast %parallel_loop3A_311 : i32 to vector<16xi32>
      %parallel_loop3A_313 = arith.shli %parallel_loop3A_294, %parallel_loop3A_312 : vector<16xi32>
      %parallel_loop3A_314 = tpu.bitcast %parallel_loop3A_313 : vector<16xi32> -> vector<16xf32>
      %parallel_loop3A_315 = vector.broadcast %parallel_loop3A_138 : i32 to vector<16xi32>
      %parallel_loop3A_316 = arith.andi %parallel_loop3A_294, %parallel_loop3A_315 : vector<16xi32>
      %parallel_loop3A_317 = tpu.bitcast %parallel_loop3A_316 : vector<16xi32> -> vector<16xf32>
      %parallel_loop3A_318 = arith.addf %parallel_loop3A_309, %parallel_loop3A_314 : vector<16xf32>
      %parallel_loop3A_319 = arith.addf %parallel_loop3A_310, %parallel_loop3A_317 : vector<16xf32>
      %parallel_loop3A_320 = arith.constant 2.000000e-01 : f32
      %parallel_loop3A_321 = vector.broadcast %parallel_loop3A_320 : f32 to vector<16xf32>
      %parallel_loop3A_322 = arith.mulf %parallel_loop3A_318, %parallel_loop3A_321 : vector<16xf32>
      %parallel_loop3A_323 = arith.maximumf %parallel_loop3A_318, %parallel_loop3A_322 : vector<16xf32>
      %parallel_loop3A_324 = arith.index_cast %parallel_loop3A_154 : i32 to index
      %parallel_loop3A_325 = arith.constant 32 : index
      %parallel_loop3A_326 = tpu.vector_load %arg15[%parallel_loop3A_324, %parallel_loop3A_325] {strides = array<i32>} : memref<80x128xf32, #tpu.memory_space<vmem>>, vector<1x16xf32>,
      %parallel_loop3A_327 = vector.shape_cast %parallel_loop3A_326 : vector<1x16xf32> to vector<16xf32>
      %parallel_loop3A_328 = vector.shape_cast %parallel_loop3A_323 : vector<16xf32> to vector<1x16xf32>
      tpu.vector_store %arg15[%parallel_loop3A_324, %parallel_loop3A_325], %parallel_loop3A_328 {strides = array<i32>} : memref<80x128xf32, #tpu.memory_space<vmem>>, vector<1x16xf32>,
      %parallel_loop3A_329 = arith.constant 2.000000e-01 : f32
      %parallel_loop3A_330 = vector.broadcast %parallel_loop3A_329 : f32 to vector<16xf32>
      %parallel_loop3A_331 = arith.mulf %parallel_loop3A_319, %parallel_loop3A_330 : vector<16xf32>
      %parallel_loop3A_332 = arith.maximumf %parallel_loop3A_319, %parallel_loop3A_331 : vector<16xf32>
      %parallel_loop3A_333 = arith.index_cast %parallel_loop3A_154 : i32 to index
      %parallel_loop3A_334 = arith.constant 96 : index
      %parallel_loop3A_335 = tpu.vector_load %arg15[%parallel_loop3A_333, %parallel_loop3A_334] {strides = array<i32>} : memref<80x128xf32, #tpu.memory_space<vmem>>, vector<1x16xf32>,
      %parallel_loop3A_336 = vector.shape_cast %parallel_loop3A_335 : vector<1x16xf32> to vector<16xf32>
      %parallel_loop3A_337 = vector.shape_cast %parallel_loop3A_332 : vector<16xf32> to vector<1x16xf32>
      tpu.vector_store %arg15[%parallel_loop3A_333, %parallel_loop3A_334], %parallel_loop3A_337 {strides = array<i32>} : memref<80x128xf32, #tpu.memory_space<vmem>>, vector<1x16xf32>,
      %parallel_loop3A_338 = arith.constant 0 : i32
      %parallel_loop3A_339 = arith.index_cast %parallel_loop3A_338 : i32 to index
      %parallel_loop3A_340 = arith.index_cast %parallel_loop3A_154 : i32 to index
      %parallel_loop3A_341 = arith.constant 48 : index
      %parallel_loop3A_342 = tpu.vector_load %arg13[%parallel_loop3A_339, %parallel_loop3A_340, %parallel_loop3A_341] {strides = array<i32>} : memref<3x80x64xi32, #tpu.memory_space<vmem>>, vector<1x1x16xi32>,
      %parallel_loop3A_343 = vector.shape_cast %parallel_loop3A_342 : vector<1x1x16xi32> to vector<16xi32>
      %parallel_loop3A_344 = arith.constant 1 : i32
      %parallel_loop3A_345 = arith.index_cast %parallel_loop3A_344 : i32 to index
      %parallel_loop3A_346 = arith.index_cast %parallel_loop3A_154 : i32 to index
      %parallel_loop3A_347 = arith.constant 48 : index
      %parallel_loop3A_348 = tpu.vector_load %arg13[%parallel_loop3A_345, %parallel_loop3A_346, %parallel_loop3A_347] {strides = array<i32>} : memref<3x80x64xi32, #tpu.memory_space<vmem>>, vector<1x1x16xi32>,
      %parallel_loop3A_349 = vector.shape_cast %parallel_loop3A_348 : vector<1x1x16xi32> to vector<16xi32>
      %parallel_loop3A_350 = arith.constant 2 : i32
      %parallel_loop3A_351 = arith.index_cast %parallel_loop3A_350 : i32 to index
      %parallel_loop3A_352 = arith.index_cast %parallel_loop3A_154 : i32 to index
      %parallel_loop3A_353 = arith.constant 48 : index
      %parallel_loop3A_354 = tpu.vector_load %arg13[%parallel_loop3A_351, %parallel_loop3A_352, %parallel_loop3A_353] {strides = array<i32>} : memref<3x80x64xi32, #tpu.memory_space<vmem>>, vector<1x1x16xi32>,
      %parallel_loop3A_355 = vector.shape_cast %parallel_loop3A_354 : vector<1x1x16xi32> to vector<16xi32>
      %parallel_loop3A_356 = arith.constant 16 : i32
      %parallel_loop3A_357 = vector.broadcast %parallel_loop3A_356 : i32 to vector<16xi32>
      %parallel_loop3A_358 = arith.shli %parallel_loop3A_343, %parallel_loop3A_357 : vector<16xi32>
      %parallel_loop3A_359 = tpu.bitcast %parallel_loop3A_358 : vector<16xi32> -> vector<16xf32>
      %parallel_loop3A_360 = vector.broadcast %parallel_loop3A_138 : i32 to vector<16xi32>
      %parallel_loop3A_361 = arith.andi %parallel_loop3A_343, %parallel_loop3A_360 : vector<16xi32>
      %parallel_loop3A_362 = tpu.bitcast %parallel_loop3A_361 : vector<16xi32> -> vector<16xf32>
      %parallel_loop3A_363 = arith.constant 16 : i32
      %parallel_loop3A_364 = vector.broadcast %parallel_loop3A_363 : i32 to vector<16xi32>
      %parallel_loop3A_365 = arith.shli %parallel_loop3A_349, %parallel_loop3A_364 : vector<16xi32>
      %parallel_loop3A_366 = tpu.bitcast %parallel_loop3A_365 : vector<16xi32> -> vector<16xf32>
      %parallel_loop3A_367 = vector.broadcast %parallel_loop3A_138 : i32 to vector<16xi32>
      %parallel_loop3A_368 = arith.andi %parallel_loop3A_349, %parallel_loop3A_367 : vector<16xi32>
      %parallel_loop3A_369 = tpu.bitcast %parallel_loop3A_368 : vector<16xi32> -> vector<16xf32>
      %parallel_loop3A_370 = arith.addf %parallel_loop3A_359, %parallel_loop3A_366 : vector<16xf32>
      %parallel_loop3A_371 = arith.addf %parallel_loop3A_362, %parallel_loop3A_369 : vector<16xf32>
      %parallel_loop3A_372 = arith.constant 16 : i32
      %parallel_loop3A_373 = vector.broadcast %parallel_loop3A_372 : i32 to vector<16xi32>
      %parallel_loop3A_374 = arith.shli %parallel_loop3A_355, %parallel_loop3A_373 : vector<16xi32>
      %parallel_loop3A_375 = tpu.bitcast %parallel_loop3A_374 : vector<16xi32> -> vector<16xf32>
      %parallel_loop3A_376 = vector.broadcast %parallel_loop3A_138 : i32 to vector<16xi32>
      %parallel_loop3A_377 = arith.andi %parallel_loop3A_355, %parallel_loop3A_376 : vector<16xi32>
      %parallel_loop3A_378 = tpu.bitcast %parallel_loop3A_377 : vector<16xi32> -> vector<16xf32>
      %parallel_loop3A_379 = arith.addf %parallel_loop3A_370, %parallel_loop3A_375 : vector<16xf32>
      %parallel_loop3A_380 = arith.addf %parallel_loop3A_371, %parallel_loop3A_378 : vector<16xf32>
      %parallel_loop3A_381 = arith.constant 2.000000e-01 : f32
      %parallel_loop3A_382 = vector.broadcast %parallel_loop3A_381 : f32 to vector<16xf32>
      %parallel_loop3A_383 = arith.mulf %parallel_loop3A_379, %parallel_loop3A_382 : vector<16xf32>
      %parallel_loop3A_384 = arith.maximumf %parallel_loop3A_379, %parallel_loop3A_383 : vector<16xf32>
      %parallel_loop3A_385 = arith.index_cast %parallel_loop3A_154 : i32 to index
      %parallel_loop3A_386 = arith.constant 48 : index
      %parallel_loop3A_387 = tpu.vector_load %arg15[%parallel_loop3A_385, %parallel_loop3A_386] {strides = array<i32>} : memref<80x128xf32, #tpu.memory_space<vmem>>, vector<1x16xf32>,
      %parallel_loop3A_388 = vector.shape_cast %parallel_loop3A_387 : vector<1x16xf32> to vector<16xf32>
      %parallel_loop3A_389 = vector.shape_cast %parallel_loop3A_384 : vector<16xf32> to vector<1x16xf32>
      tpu.vector_store %arg15[%parallel_loop3A_385, %parallel_loop3A_386], %parallel_loop3A_389 {strides = array<i32>} : memref<80x128xf32, #tpu.memory_space<vmem>>, vector<1x16xf32>,
      %parallel_loop3A_390 = arith.constant 2.000000e-01 : f32
      %parallel_loop3A_391 = vector.broadcast %parallel_loop3A_390 : f32 to vector<16xf32>
      %parallel_loop3A_392 = arith.mulf %parallel_loop3A_380, %parallel_loop3A_391 : vector<16xf32>
      %parallel_loop3A_393 = arith.maximumf %parallel_loop3A_380, %parallel_loop3A_392 : vector<16xf32>
      %parallel_loop3A_394 = arith.index_cast %parallel_loop3A_154 : i32 to index
      %parallel_loop3A_395 = arith.constant 112 : index
      %parallel_loop3A_396 = tpu.vector_load %arg15[%parallel_loop3A_394, %parallel_loop3A_395] {strides = array<i32>} : memref<80x128xf32, #tpu.memory_space<vmem>>, vector<1x16xf32>,
      %parallel_loop3A_397 = vector.shape_cast %parallel_loop3A_396 : vector<1x16xf32> to vector<16xf32>
      %parallel_loop3A_398 = vector.shape_cast %parallel_loop3A_393 : vector<16xf32> to vector<1x16xf32>
      tpu.vector_store %arg15[%parallel_loop3A_394, %parallel_loop3A_395], %parallel_loop3A_398 {strides = array<i32>} : memref<80x128xf32, #tpu.memory_space<vmem>>, vector<1x16xf32>,
    } {sc.loop_unroll_factor = 4 : i64, sc.parallel_access}
    %add3A_139 = arith.constant 9920 : i32
    %add3A_140 = arith.addi %multiple_of3A, %add3A_139 : i32
    %multiple_of3A_141 = tpu.assume_multiple %add3A_140, 8 : i32
    %dma_start3A_142 = arith.constant 0 : i32
    %dma_start3A_143 = tpu.memref_slice %arg6[%multiple_of3A_141, %dma_start3A_142] : memref<320000x128xf32, #tpu.memory_space<hbm>> -> memref<80x128xf32, #tpu.memory_space<hbm>>
    %dma_start3A_144 = arith.constant 0 : i32
    %dma_start3A_145 = tpu.memref_slice %arg6[%multiple_of3A_141, %dma_start3A_144] : memref<320000x128xf32, #tpu.memory_space<hbm>> -> memref<80x128xf32, #tpu.memory_space<hbm>>
    tpu.enqueue_dma source(%arg15 : memref<80x128xf32, #tpu.memory_space<vmem>>) target(%dma_start3A_145 : memref<80x128xf32, #tpu.memory_space<hbm>>) target_semaphore(%arg21 : memref<!tpu.dma_semaphore, #tpu.memory_space<semaphore_mem>>)
    %dma_wait3A_146 = arith.constant 0 : i32
    %dma_wait3A_147 = tpu.memref_slice %arg6[%multiple_of3A, %dma_wait3A_146] : memref<320000x128xf32, #tpu.memory_space<hbm>> -> memref<80x128xf32, #tpu.memory_space<hbm>>
    %dma_wait3A_148 = arith.constant 0 : i32
    %dma_wait3A_149 = tpu.memref_slice %arg6[%multiple_of3A, %dma_wait3A_148] : memref<320000x128xf32, #tpu.memory_space<hbm>> -> memref<80x128xf32, #tpu.memory_space<hbm>>
    tpu.wait_dma2 semaphore(%arg21 : memref<!tpu.dma_semaphore, #tpu.memory_space<semaphore_mem>>) src(%arg15 : memref<80x128xf32, #tpu.memory_space<vmem>>) dst(%dma_wait3A_149 : memref<80x128xf32, #tpu.memory_space<hbm>>)
    %dma_wait3A_150 = arith.constant 0 : i32
    %dma_wait3A_151 = tpu.memref_slice %arg6[%multiple_of3A, %dma_wait3A_150] : memref<320000x128xf32, #tpu.memory_space<hbm>> -> memref<80x128xf32, #tpu.memory_space<hbm>>
    %dma_wait3A_152 = arith.constant 0 : i32
    %dma_wait3A_153 = tpu.memref_slice %arg6[%multiple_of3A, %dma_wait3A_152] : memref<320000x128xf32, #tpu.memory_space<hbm>> -> memref<80x128xf32, #tpu.memory_space<hbm>>
    tpu.wait_dma2 semaphore(%arg22 : memref<!tpu.dma_semaphore, #tpu.memory_space<semaphore_mem>>) src(%arg16 : memref<80x128xf32, #tpu.memory_space<vmem>>) dst(%dma_wait3A_153 : memref<80x128xf32, #tpu.memory_space<hbm>>)
    return
  }
}

module attributes {stable_mosaic.version = 14 : i64} {
  func.func @body(%arg0: i32, %arg1: memref<2000x128xf32, #tpu.memory_space<vmem>>, %arg2: memref<2000x128xf32, #tpu.memory_space<vmem>>, %arg3: memref<4x128x32xf32, #tpu.memory_space<vmem>>, %arg4: memref<4x128x32xf32, #tpu.memory_space<vmem>>, %arg5: memref<4x96x32xf32, #tpu.memory_space<vmem>>, %arg6: memref<2000x64xi32, #tpu.memory_space<vmem>>, %arg7: memref<2000x64xi32, #tpu.memory_space<vmem>>, %arg8: memref<2000x64xi32, #tpu.memory_space<vmem>>) attributes {dimension_semantics = [#tpu.dimension_semantics<arbitrary>], iteration_bounds = array<i64: 5>, scalar_prefetch = 0 : i64, scratch_operands = 0 : i64, tpu.core_type = #tpu.core_type<tc>, window_params = [{transform_indices = @transform_0, window_bounds = array<i64: 2000, 128>}, {transform_indices = @transform_1, window_bounds = array<i64: 2000, 128>}, {pipeline_mode = #tpu.pipeline_mode<synchronous>, transform_indices = @transform_2, window_bounds = array<i64: 4, 128, 32>}, {pipeline_mode = #tpu.pipeline_mode<synchronous>, transform_indices = @transform_3, window_bounds = array<i64: 4, 128, 32>}, {pipeline_mode = #tpu.pipeline_mode<synchronous>, transform_indices = @transform_4, window_bounds = array<i64: 4, 96, 32>}, {transform_indices = @transform_5, window_bounds = array<i64: 2000, 64>}, {transform_indices = @transform_6, window_bounds = array<i64: 2000, 64>}, {transform_indices = @transform_7, window_bounds = array<i64: 2000, 64>}]} {
    %get3A = arith.constant 0 : index
    %get3A_0 = arith.constant 0 : index
    %get3A_1 = arith.constant 0 : index
    %get3A_2 = vector.load %arg3[%get3A, %get3A_0, %get3A_1] : memref<4x128x32xf32, #tpu.memory_space<vmem>>, vector<1x128x32xf32>
    %get3A_3 = vector.shape_cast %get3A_2 : vector<1x128x32xf32> to vector<128x32xf32>
    %get3A_4 = arith.constant 0 : index
    %get3A_5 = arith.constant 0 : index
    %get3A_6 = arith.constant 0 : index
    %get3A_7 = vector.load %arg5[%get3A_4, %get3A_5, %get3A_6] : memref<4x96x32xf32, #tpu.memory_space<vmem>>, vector<1x32x32xf32>
    %get3A_8 = vector.shape_cast %get3A_7 : vector<1x32x32xf32> to vector<32x32xf32>
    %dot_general3A = arith.constant dense<0.000000e+00> : vector<128x32xf32>
    %dot_general3A_9 = tpu.matmul %get3A_3, %get3A_8, %dot_general3A {dimension_numbers = #tpu.dot_dimension_numbers<[1], [0], [0], [1], [0, 0, 1, 1], [], []>, transpose_lhs_hint = false} : vector<128x32xf32>, vector<32x32xf32>, vector<128x32xf32> -> vector<128x32xf32>
    %get3A_10 = arith.constant 1 : index
    %get3A_11 = arith.constant 0 : index
    %get3A_12 = arith.constant 0 : index
    %get3A_13 = vector.load %arg3[%get3A_10, %get3A_11, %get3A_12] : memref<4x128x32xf32, #tpu.memory_space<vmem>>, vector<1x128x32xf32>
    %get3A_14 = vector.shape_cast %get3A_13 : vector<1x128x32xf32> to vector<128x32xf32>
    %get3A_15 = arith.constant 1 : index
    %get3A_16 = arith.constant 0 : index
    %get3A_17 = arith.constant 0 : index
    %get3A_18 = vector.load %arg5[%get3A_15, %get3A_16, %get3A_17] : memref<4x96x32xf32, #tpu.memory_space<vmem>>, vector<1x32x32xf32>
    %get3A_19 = vector.shape_cast %get3A_18 : vector<1x32x32xf32> to vector<32x32xf32>
    %dot_general3A_20 = arith.constant dense<0.000000e+00> : vector<128x32xf32>
    %dot_general3A_21 = tpu.matmul %get3A_14, %get3A_19, %dot_general3A_20 {dimension_numbers = #tpu.dot_dimension_numbers<[1], [0], [0], [1], [0, 0, 1, 1], [], []>, transpose_lhs_hint = false} : vector<128x32xf32>, vector<32x32xf32>, vector<128x32xf32> -> vector<128x32xf32>
    %get3A_22 = arith.constant 2 : index
    %get3A_23 = arith.constant 0 : index
    %get3A_24 = arith.constant 0 : index
    %get3A_25 = vector.load %arg3[%get3A_22, %get3A_23, %get3A_24] : memref<4x128x32xf32, #tpu.memory_space<vmem>>, vector<1x128x32xf32>
    %get3A_26 = vector.shape_cast %get3A_25 : vector<1x128x32xf32> to vector<128x32xf32>
    %get3A_27 = arith.constant 2 : index
    %get3A_28 = arith.constant 0 : index
    %get3A_29 = arith.constant 0 : index
    %get3A_30 = vector.load %arg5[%get3A_27, %get3A_28, %get3A_29] : memref<4x96x32xf32, #tpu.memory_space<vmem>>, vector<1x32x32xf32>
    %get3A_31 = vector.shape_cast %get3A_30 : vector<1x32x32xf32> to vector<32x32xf32>
    %dot_general3A_32 = arith.constant dense<0.000000e+00> : vector<128x32xf32>
    %dot_general3A_33 = tpu.matmul %get3A_26, %get3A_31, %dot_general3A_32 {dimension_numbers = #tpu.dot_dimension_numbers<[1], [0], [0], [1], [0, 0, 1, 1], [], []>, transpose_lhs_hint = false} : vector<128x32xf32>, vector<32x32xf32>, vector<128x32xf32> -> vector<128x32xf32>
    %get3A_34 = arith.constant 3 : index
    %get3A_35 = arith.constant 0 : index
    %get3A_36 = arith.constant 0 : index
    %get3A_37 = vector.load %arg3[%get3A_34, %get3A_35, %get3A_36] : memref<4x128x32xf32, #tpu.memory_space<vmem>>, vector<1x128x32xf32>
    %get3A_38 = vector.shape_cast %get3A_37 : vector<1x128x32xf32> to vector<128x32xf32>
    %get3A_39 = arith.constant 3 : index
    %get3A_40 = arith.constant 0 : index
    %get3A_41 = arith.constant 0 : index
    %get3A_42 = vector.load %arg5[%get3A_39, %get3A_40, %get3A_41] : memref<4x96x32xf32, #tpu.memory_space<vmem>>, vector<1x32x32xf32>
    %get3A_43 = vector.shape_cast %get3A_42 : vector<1x32x32xf32> to vector<32x32xf32>
    %dot_general3A_44 = arith.constant dense<0.000000e+00> : vector<128x32xf32>
    %dot_general3A_45 = tpu.matmul %get3A_38, %get3A_43, %dot_general3A_44 {dimension_numbers = #tpu.dot_dimension_numbers<[1], [0], [0], [1], [0, 0, 1, 1], [], []>, transpose_lhs_hint = false} : vector<128x32xf32>, vector<32x32xf32>, vector<128x32xf32> -> vector<128x32xf32>
    %concatenate3A = tpu.concatenate %dot_general3A_9, %dot_general3A_21, %dot_general3A_33, %dot_general3A_45 in 1 : vector<128x32xf32>, vector<128x32xf32>, vector<128x32xf32>, vector<128x32xf32> -> vector<128x128xf32>
    %convert_element_type3A = arith.truncf %concatenate3A : vector<128x128xf32> to vector<128x128xbf16>
    %get3A_46 = arith.constant 0 : index
    %get3A_47 = arith.constant 0 : index
    %get3A_48 = arith.constant 0 : index
    %get3A_49 = vector.load %arg3[%get3A_46, %get3A_47, %get3A_48] : memref<4x128x32xf32, #tpu.memory_space<vmem>>, vector<1x128x32xf32>
    %get3A_50 = vector.shape_cast %get3A_49 : vector<1x128x32xf32> to vector<128x32xf32>
    %get3A_51 = arith.constant 0 : index
    %get3A_52 = arith.constant 32 : index
    %get3A_53 = arith.constant 0 : index
    %get3A_54 = vector.load %arg5[%get3A_51, %get3A_52, %get3A_53] : memref<4x96x32xf32, #tpu.memory_space<vmem>>, vector<1x32x32xf32>
    %get3A_55 = vector.shape_cast %get3A_54 : vector<1x32x32xf32> to vector<32x32xf32>
    %dot_general3A_56 = arith.constant dense<0.000000e+00> : vector<128x32xf32>
    %dot_general3A_57 = tpu.matmul %get3A_50, %get3A_55, %dot_general3A_56 {dimension_numbers = #tpu.dot_dimension_numbers<[1], [0], [0], [1], [0, 0, 1, 1], [], []>, transpose_lhs_hint = false} : vector<128x32xf32>, vector<32x32xf32>, vector<128x32xf32> -> vector<128x32xf32>
    %get3A_58 = arith.constant 1 : index
    %get3A_59 = arith.constant 0 : index
    %get3A_60 = arith.constant 0 : index
    %get3A_61 = vector.load %arg3[%get3A_58, %get3A_59, %get3A_60] : memref<4x128x32xf32, #tpu.memory_space<vmem>>, vector<1x128x32xf32>
    %get3A_62 = vector.shape_cast %get3A_61 : vector<1x128x32xf32> to vector<128x32xf32>
    %get3A_63 = arith.constant 1 : index
    %get3A_64 = arith.constant 32 : index
    %get3A_65 = arith.constant 0 : index
    %get3A_66 = vector.load %arg5[%get3A_63, %get3A_64, %get3A_65] : memref<4x96x32xf32, #tpu.memory_space<vmem>>, vector<1x32x32xf32>
    %get3A_67 = vector.shape_cast %get3A_66 : vector<1x32x32xf32> to vector<32x32xf32>
    %dot_general3A_68 = arith.constant dense<0.000000e+00> : vector<128x32xf32>
    %dot_general3A_69 = tpu.matmul %get3A_62, %get3A_67, %dot_general3A_68 {dimension_numbers = #tpu.dot_dimension_numbers<[1], [0], [0], [1], [0, 0, 1, 1], [], []>, transpose_lhs_hint = false} : vector<128x32xf32>, vector<32x32xf32>, vector<128x32xf32> -> vector<128x32xf32>
    %get3A_70 = arith.constant 2 : index
    %get3A_71 = arith.constant 0 : index
    %get3A_72 = arith.constant 0 : index
    %get3A_73 = vector.load %arg3[%get3A_70, %get3A_71, %get3A_72] : memref<4x128x32xf32, #tpu.memory_space<vmem>>, vector<1x128x32xf32>
    %get3A_74 = vector.shape_cast %get3A_73 : vector<1x128x32xf32> to vector<128x32xf32>
    %get3A_75 = arith.constant 2 : index
    %get3A_76 = arith.constant 32 : index
    %get3A_77 = arith.constant 0 : index
    %get3A_78 = vector.load %arg5[%get3A_75, %get3A_76, %get3A_77] : memref<4x96x32xf32, #tpu.memory_space<vmem>>, vector<1x32x32xf32>
    %get3A_79 = vector.shape_cast %get3A_78 : vector<1x32x32xf32> to vector<32x32xf32>
    %dot_general3A_80 = arith.constant dense<0.000000e+00> : vector<128x32xf32>
    %dot_general3A_81 = tpu.matmul %get3A_74, %get3A_79, %dot_general3A_80 {dimension_numbers = #tpu.dot_dimension_numbers<[1], [0], [0], [1], [0, 0, 1, 1], [], []>, transpose_lhs_hint = false} : vector<128x32xf32>, vector<32x32xf32>, vector<128x32xf32> -> vector<128x32xf32>
    %get3A_82 = arith.constant 3 : index
    %get3A_83 = arith.constant 0 : index
    %get3A_84 = arith.constant 0 : index
    %get3A_85 = vector.load %arg3[%get3A_82, %get3A_83, %get3A_84] : memref<4x128x32xf32, #tpu.memory_space<vmem>>, vector<1x128x32xf32>
    %get3A_86 = vector.shape_cast %get3A_85 : vector<1x128x32xf32> to vector<128x32xf32>
    %get3A_87 = arith.constant 3 : index
    %get3A_88 = arith.constant 32 : index
    %get3A_89 = arith.constant 0 : index
    %get3A_90 = vector.load %arg5[%get3A_87, %get3A_88, %get3A_89] : memref<4x96x32xf32, #tpu.memory_space<vmem>>, vector<1x32x32xf32>
    %get3A_91 = vector.shape_cast %get3A_90 : vector<1x32x32xf32> to vector<32x32xf32>
    %dot_general3A_92 = arith.constant dense<0.000000e+00> : vector<128x32xf32>
    %dot_general3A_93 = tpu.matmul %get3A_86, %get3A_91, %dot_general3A_92 {dimension_numbers = #tpu.dot_dimension_numbers<[1], [0], [0], [1], [0, 0, 1, 1], [], []>, transpose_lhs_hint = false} : vector<128x32xf32>, vector<32x32xf32>, vector<128x32xf32> -> vector<128x32xf32>
    %concatenate3A_94 = tpu.concatenate %dot_general3A_57, %dot_general3A_69, %dot_general3A_81, %dot_general3A_93 in 1 : vector<128x32xf32>, vector<128x32xf32>, vector<128x32xf32>, vector<128x32xf32> -> vector<128x128xf32>
    %convert_element_type3A_95 = arith.truncf %concatenate3A_94 : vector<128x128xf32> to vector<128x128xbf16>
    %get3A_96 = arith.constant 0 : index
    %get3A_97 = arith.constant 0 : index
    %get3A_98 = arith.constant 0 : index
    %get3A_99 = vector.load %arg4[%get3A_96, %get3A_97, %get3A_98] : memref<4x128x32xf32, #tpu.memory_space<vmem>>, vector<1x128x32xf32>
    %get3A_100 = vector.shape_cast %get3A_99 : vector<1x128x32xf32> to vector<128x32xf32>
    %get3A_101 = arith.constant 0 : index
    %get3A_102 = arith.constant 64 : index
    %get3A_103 = arith.constant 0 : index
    %get3A_104 = vector.load %arg5[%get3A_101, %get3A_102, %get3A_103] : memref<4x96x32xf32, #tpu.memory_space<vmem>>, vector<1x32x32xf32>
    %get3A_105 = vector.shape_cast %get3A_104 : vector<1x32x32xf32> to vector<32x32xf32>
    %dot_general3A_106 = arith.constant dense<0.000000e+00> : vector<128x32xf32>
    %dot_general3A_107 = tpu.matmul %get3A_100, %get3A_105, %dot_general3A_106 {dimension_numbers = #tpu.dot_dimension_numbers<[1], [0], [0], [1], [0, 0, 1, 1], [], []>, transpose_lhs_hint = false} : vector<128x32xf32>, vector<32x32xf32>, vector<128x32xf32> -> vector<128x32xf32>
    %get3A_108 = arith.constant 1 : index
    %get3A_109 = arith.constant 0 : index
    %get3A_110 = arith.constant 0 : index
    %get3A_111 = vector.load %arg4[%get3A_108, %get3A_109, %get3A_110] : memref<4x128x32xf32, #tpu.memory_space<vmem>>, vector<1x128x32xf32>
    %get3A_112 = vector.shape_cast %get3A_111 : vector<1x128x32xf32> to vector<128x32xf32>
    %get3A_113 = arith.constant 1 : index
    %get3A_114 = arith.constant 64 : index
    %get3A_115 = arith.constant 0 : index
    %get3A_116 = vector.load %arg5[%get3A_113, %get3A_114, %get3A_115] : memref<4x96x32xf32, #tpu.memory_space<vmem>>, vector<1x32x32xf32>
    %get3A_117 = vector.shape_cast %get3A_116 : vector<1x32x32xf32> to vector<32x32xf32>
    %dot_general3A_118 = arith.constant dense<0.000000e+00> : vector<128x32xf32>
    %dot_general3A_119 = tpu.matmul %get3A_112, %get3A_117, %dot_general3A_118 {dimension_numbers = #tpu.dot_dimension_numbers<[1], [0], [0], [1], [0, 0, 1, 1], [], []>, transpose_lhs_hint = false} : vector<128x32xf32>, vector<32x32xf32>, vector<128x32xf32> -> vector<128x32xf32>
    %get3A_120 = arith.constant 2 : index
    %get3A_121 = arith.constant 0 : index
    %get3A_122 = arith.constant 0 : index
    %get3A_123 = vector.load %arg4[%get3A_120, %get3A_121, %get3A_122] : memref<4x128x32xf32, #tpu.memory_space<vmem>>, vector<1x128x32xf32>
    %get3A_124 = vector.shape_cast %get3A_123 : vector<1x128x32xf32> to vector<128x32xf32>
    %get3A_125 = arith.constant 2 : index
    %get3A_126 = arith.constant 64 : index
    %get3A_127 = arith.constant 0 : index
    %get3A_128 = vector.load %arg5[%get3A_125, %get3A_126, %get3A_127] : memref<4x96x32xf32, #tpu.memory_space<vmem>>, vector<1x32x32xf32>
    %get3A_129 = vector.shape_cast %get3A_128 : vector<1x32x32xf32> to vector<32x32xf32>
    %dot_general3A_130 = arith.constant dense<0.000000e+00> : vector<128x32xf32>
    %dot_general3A_131 = tpu.matmul %get3A_124, %get3A_129, %dot_general3A_130 {dimension_numbers = #tpu.dot_dimension_numbers<[1], [0], [0], [1], [0, 0, 1, 1], [], []>, transpose_lhs_hint = false} : vector<128x32xf32>, vector<32x32xf32>, vector<128x32xf32> -> vector<128x32xf32>
    %get3A_132 = arith.constant 3 : index
    %get3A_133 = arith.constant 0 : index
    %get3A_134 = arith.constant 0 : index
    %get3A_135 = vector.load %arg4[%get3A_132, %get3A_133, %get3A_134] : memref<4x128x32xf32, #tpu.memory_space<vmem>>, vector<1x128x32xf32>
    %get3A_136 = vector.shape_cast %get3A_135 : vector<1x128x32xf32> to vector<128x32xf32>
    %get3A_137 = arith.constant 3 : index
    %get3A_138 = arith.constant 64 : index
    %get3A_139 = arith.constant 0 : index
    %get3A_140 = vector.load %arg5[%get3A_137, %get3A_138, %get3A_139] : memref<4x96x32xf32, #tpu.memory_space<vmem>>, vector<1x32x32xf32>
    %get3A_141 = vector.shape_cast %get3A_140 : vector<1x32x32xf32> to vector<32x32xf32>
    %dot_general3A_142 = arith.constant dense<0.000000e+00> : vector<128x32xf32>
    %dot_general3A_143 = tpu.matmul %get3A_136, %get3A_141, %dot_general3A_142 {dimension_numbers = #tpu.dot_dimension_numbers<[1], [0], [0], [1], [0, 0, 1, 1], [], []>, transpose_lhs_hint = false} : vector<128x32xf32>, vector<32x32xf32>, vector<128x32xf32> -> vector<128x32xf32>
    %concatenate3A_144 = tpu.concatenate %dot_general3A_107, %dot_general3A_119, %dot_general3A_131, %dot_general3A_143 in 1 : vector<128x32xf32>, vector<128x32xf32>, vector<128x32xf32>, vector<128x32xf32> -> vector<128x128xf32>
    %convert_element_type3A_145 = arith.truncf %concatenate3A_144 : vector<128x128xf32> to vector<128x128xbf16>
    %get3A_146 = arith.constant 0 : index
    %get3A_147 = arith.constant 0 : index
    %get3A_148 = vector.load %arg1[%get3A_146, %get3A_147] : memref<2000x128xf32, #tpu.memory_space<vmem>>, vector<2000x128xf32>
    %convert_element_type3A_149 = arith.truncf %get3A_148 : vector<2000x128xf32> to vector<2000x128xbf16>
    %dot_general3A_150 = arith.constant dense<0.000000e+00> : vector<2000x128xf32>
    %dot_general3A_151 = tpu.matmul %convert_element_type3A_149, %convert_element_type3A, %dot_general3A_150 {dimension_numbers = #tpu.dot_dimension_numbers<[1], [0], [0], [1], [0, 0, 1, 1], [], []>, transpose_lhs_hint = false} : vector<2000x128xbf16>, vector<128x128xbf16>, vector<2000x128xf32> -> vector<2000x128xf32>
    %convert_element_type3A_152 = arith.truncf %dot_general3A_151 : vector<2000x128xf32> to vector<2000x128xbf16>
    %convert_element_type3A_153 = arith.extf %convert_element_type3A_152 : vector<2000x128xbf16> to vector<2000x128xf32>
    %bitcast_convert_type3A = tpu.bitcast %convert_element_type3A_153 : vector<2000x128xf32> -> vector<2000x128xi32>
    %slice3A = vector.extract_strided_slice %bitcast_convert_type3A {offsets = [0, 64], sizes = [2000, 64], strides = [1, 1]} : vector<2000x128xi32> to vector<2000x64xi32>
    %slice3A_154 = vector.extract_strided_slice %bitcast_convert_type3A {offsets = [0, 0], sizes = [2000, 64], strides = [1, 1]} : vector<2000x128xi32> to vector<2000x64xi32>
    %shift_right_logical3A = arith.constant 16 : i32
    %shift_right_logical3A_155 = vector.broadcast %shift_right_logical3A : i32 to vector<2000x64xi32>
    %shift_right_logical3A_156 = arith.shrui %slice3A_154, %shift_right_logical3A_155 : vector<2000x64xi32>
    %or3A = arith.ori %slice3A, %shift_right_logical3A_156 : vector<2000x64xi32>
    %swap3A = arith.constant 0 : index
    %swap3A_157 = arith.constant 0 : index
    %swap3A_158 = vector.load %arg6[%swap3A, %swap3A_157] : memref<2000x64xi32, #tpu.memory_space<vmem>>, vector<2000x64xi32>
    tpu.vector_store %arg6[%swap3A, %swap3A_157], %or3A {strides = array<i32>} : memref<2000x64xi32, #tpu.memory_space<vmem>>, vector<2000x64xi32>,
    %dot_general3A_159 = arith.constant dense<0.000000e+00> : vector<2000x128xf32>
    %dot_general3A_160 = tpu.matmul %convert_element_type3A_149, %convert_element_type3A_95, %dot_general3A_159 {dimension_numbers = #tpu.dot_dimension_numbers<[1], [0], [0], [1], [0, 0, 1, 1], [], []>, transpose_lhs_hint = false} : vector<2000x128xbf16>, vector<128x128xbf16>, vector<2000x128xf32> -> vector<2000x128xf32>
    %convert_element_type3A_161 = arith.truncf %dot_general3A_160 : vector<2000x128xf32> to vector<2000x128xbf16>
    %convert_element_type3A_162 = arith.extf %convert_element_type3A_161 : vector<2000x128xbf16> to vector<2000x128xf32>
    %bitcast_convert_type3A_163 = tpu.bitcast %convert_element_type3A_162 : vector<2000x128xf32> -> vector<2000x128xi32>
    %slice3A_164 = vector.extract_strided_slice %bitcast_convert_type3A_163 {offsets = [0, 64], sizes = [2000, 64], strides = [1, 1]} : vector<2000x128xi32> to vector<2000x64xi32>
    %slice3A_165 = vector.extract_strided_slice %bitcast_convert_type3A_163 {offsets = [0, 0], sizes = [2000, 64], strides = [1, 1]} : vector<2000x128xi32> to vector<2000x64xi32>
    %shift_right_logical3A_166 = arith.constant 16 : i32
    %shift_right_logical3A_167 = vector.broadcast %shift_right_logical3A_166 : i32 to vector<2000x64xi32>
    %shift_right_logical3A_168 = arith.shrui %slice3A_165, %shift_right_logical3A_167 : vector<2000x64xi32>
    %or3A_169 = arith.ori %slice3A_164, %shift_right_logical3A_168 : vector<2000x64xi32>
    %swap3A_170 = arith.constant 0 : index
    %swap3A_171 = arith.constant 0 : index
    %swap3A_172 = vector.load %arg7[%swap3A_170, %swap3A_171] : memref<2000x64xi32, #tpu.memory_space<vmem>>, vector<2000x64xi32>
    tpu.vector_store %arg7[%swap3A_170, %swap3A_171], %or3A_169 {strides = array<i32>} : memref<2000x64xi32, #tpu.memory_space<vmem>>, vector<2000x64xi32>,
    %get3A_173 = arith.constant 0 : index
    %get3A_174 = arith.constant 0 : index
    %get3A_175 = vector.load %arg2[%get3A_173, %get3A_174] : memref<2000x128xf32, #tpu.memory_space<vmem>>, vector<2000x128xf32>
    %convert_element_type3A_176 = arith.truncf %get3A_175 : vector<2000x128xf32> to vector<2000x128xbf16>
    %dot_general3A_177 = arith.constant dense<0.000000e+00> : vector<2000x128xf32>
    %dot_general3A_178 = tpu.matmul %convert_element_type3A_176, %convert_element_type3A_145, %dot_general3A_177 {dimension_numbers = #tpu.dot_dimension_numbers<[1], [0], [0], [1], [0, 0, 1, 1], [], []>, transpose_lhs_hint = false} : vector<2000x128xbf16>, vector<128x128xbf16>, vector<2000x128xf32> -> vector<2000x128xf32>
    %convert_element_type3A_179 = arith.truncf %dot_general3A_178 : vector<2000x128xf32> to vector<2000x128xbf16>
    %convert_element_type3A_180 = arith.extf %convert_element_type3A_179 : vector<2000x128xbf16> to vector<2000x128xf32>
    %bitcast_convert_type3A_181 = tpu.bitcast %convert_element_type3A_180 : vector<2000x128xf32> -> vector<2000x128xi32>
    %slice3A_182 = vector.extract_strided_slice %bitcast_convert_type3A_181 {offsets = [0, 64], sizes = [2000, 64], strides = [1, 1]} : vector<2000x128xi32> to vector<2000x64xi32>
    %slice3A_183 = vector.extract_strided_slice %bitcast_convert_type3A_181 {offsets = [0, 0], sizes = [2000, 64], strides = [1, 1]} : vector<2000x128xi32> to vector<2000x64xi32>
    %shift_right_logical3A_184 = arith.constant 16 : i32
    %shift_right_logical3A_185 = vector.broadcast %shift_right_logical3A_184 : i32 to vector<2000x64xi32>
    %shift_right_logical3A_186 = arith.shrui %slice3A_183, %shift_right_logical3A_185 : vector<2000x64xi32>
    %or3A_187 = arith.ori %slice3A_182, %shift_right_logical3A_186 : vector<2000x64xi32>
    %swap3A_188 = arith.constant 0 : index
    %swap3A_189 = arith.constant 0 : index
    %swap3A_190 = vector.load %arg8[%swap3A_188, %swap3A_189] : memref<2000x64xi32, #tpu.memory_space<vmem>>, vector<2000x64xi32>
    tpu.vector_store %arg8[%swap3A_188, %swap3A_189], %or3A_187 {strides = array<i32>} : memref<2000x64xi32, #tpu.memory_space<vmem>>, vector<2000x64xi32>,
    return
  }
  func.func @transform_0(%arg0: i32) -> (i32, i32) {
    %c0_i32 = arith.constant 0 : i32
    %c0_i32_0 = arith.constant 0 : i32
    return %arg0, %c0_i32 : i32, i32
  }
  func.func @transform_1(%arg0: i32) -> (i32, i32) {
    %c0_i32 = arith.constant 0 : i32
    %c0_i32_0 = arith.constant 0 : i32
    return %arg0, %c0_i32 : i32, i32
  }
  func.func @transform_2(%arg0: i32) -> (i32, i32, i32) {
    %c0_i32 = arith.constant 0 : i32
    %c0_i32_0 = arith.constant 0 : i32
    %c0_i32_1 = arith.constant 0 : i32
    %c0_i32_2 = arith.constant 0 : i32
    return %c0_i32, %c0_i32_0, %c0_i32_1 : i32, i32, i32
  }
  func.func @transform_3(%arg0: i32) -> (i32, i32, i32) {
    %c0_i32 = arith.constant 0 : i32
    %c0_i32_0 = arith.constant 0 : i32
    %c0_i32_1 = arith.constant 0 : i32
    %c0_i32_2 = arith.constant 0 : i32
    return %c0_i32, %c0_i32_0, %c0_i32_1 : i32, i32, i32
  }
  func.func @transform_4(%arg0: i32) -> (i32, i32, i32) {
    %c0_i32 = arith.constant 0 : i32
    %c0_i32_0 = arith.constant 0 : i32
    %c0_i32_1 = arith.constant 0 : i32
    %c0_i32_2 = arith.constant 0 : i32
    return %c0_i32, %c0_i32_0, %c0_i32_1 : i32, i32, i32
  }
  func.func @transform_5(%arg0: i32) -> (i32, i32) {
    %c0_i32 = arith.constant 0 : i32
    %c0_i32_0 = arith.constant 0 : i32
    return %arg0, %c0_i32 : i32, i32
  }
  func.func @transform_6(%arg0: i32) -> (i32, i32) {
    %c0_i32 = arith.constant 0 : i32
    %c0_i32_0 = arith.constant 0 : i32
    return %arg0, %c0_i32 : i32, i32
  }
  func.func @transform_7(%arg0: i32) -> (i32, i32) {
    %c0_i32 = arith.constant 0 : i32
    %c0_i32_0 = arith.constant 0 : i32
    return %arg0, %c0_i32 : i32, i32
  }
}

</mosaic_0001>

<sc_bundles>
// kernel: kernel.4.cloned.1.call-start
scs
__scs_entry_jumppad:
0x0: {  	(pc) =	sbr.rel $0x88, $3  }
0x1: {  	(tag) =	ssettag $0x0;
	lr =	simm.s32 $0x1  }
0x2: {  	[smem:$0x3F9B] =	sst lr;
	_ =	strace $0xD0000000  }
0x3: {  	_ = 	snop  }
0x4: {  	_ = 	snop  }
0x5: {  	_ = 	snop  }
0x6: {  	_ = 	snop  }
0x7: {  	_ = 	snop  }
__scs_overlays_trampoline_lowered:
0x8: {  	[smem:$0x3FAA] =	sst s0  }
0x9: {  	[smem:$0x3FAB] =	sst s1  }
0xa: {  	[smem:$0x3FAC] =	sst s2  }
0xb: {  	[smem:$0x3FAD] =	sst s3  }
0xc: {  	[smem:$0x3FAE] =	sst s4  }
0xd: {  	[smem:$0x3FAF] =	sst s5  }
0xe: {  	[smem:$0x3FB0] =	sst s6  }
0xf: {  	[smem:$0x3FB1] =	sst s7  }
0x10: {  	[smem:$0x3FB2] =	sst s8  }
0x11: {  	[smem:$0x3FB3] =	sst s9;
	s0 =	simm.s32 @!p0 $0x0  }
0x12: {  	s1 =	sld [smem:$0x3F99];
	s0 =	simm.s32 @p0 $0x1  }
0x13: {  	[smem:$0x3FB4] =	sst s0;
	s0 =	simm.s32 @!p1 $0x0  }
0x14: {  	s2 =	sld [smem:$0x3F98];
	s0 =	simm.s32 @p1 $0x1  }
0x15: {  	[smem:$0x3FB5] =	sst s0;
	s0 =	simm.s32 @!p2 $0x0  }
0x16: {  	s3 =	sld [smem:$0x3FDB];
	s0 =	simm.s32 @p2 $0x1  }
0x17: {  	s4 =	simm.s32 $0x1BF5;
	[smem:$0x3FB7] =	sst s0  }
0x18: {  	s0 =	sld [smem:$0x3F9A];
	_ =	swait.ge [sflag:s4], $0x0  }
0x19: {  	s7 =	sld [smem:$0x3F9B]  }
0x1a: {  	s8 =	sadd.s32 $0xFFFFE003, lr  }
0x1b: {  	s9 =	sadd.s32 $0xFFFFFEF7, lr;
	s5 =	simm.s32 $0xFFFFFFFF;
	p2 =	slt.u32 s8, $0xFFFFF086  }
0x1c: {  	p1 =	slt.u32 s9, $0xF7A;
	s5 =	simm.s32 @!p2 $0x0  }
0x1d: {  	s5 =	simm.s32 @p1 $0x1;
	p0 =	seq.s32 s7, s2  }
0x1e: {  	s7 =	smul.u32 @!p0 $0xF7A, s2;
	p2 =	seq.s32 @!p0 s5, $0x0  }
0x1f: {  	s9 =	smul.u32 $0xF7A, s1;
	s8 =	simm.s32 @!p0 $0x1BF5;
	p2 =	por !p2, p0  }
0x20: {  	[sflag:s8] =	ssyncset.s32 @!p0 $0xFFFFF086;
	s6 =	sadd.s32 @!p0 s3, s7;
	s7 =	simm.s32 @!p0 $0x108  }
0x21: {  	s3 =	sadd.s32 s3, s9;
	s6 =	sadd.s32 @!p0 $0x88, s6;
	s7 =	simm.s32 @p2 $0x1082  }
0x22: {  	[simem:s7], [sflag:s8] =	dma.local @!p0 [hbm:s6], $0xF7A  }
0x23: {  	s9 =	sor.u32 $0xD0000000, s2;
	s6 =	simm.s32 $0x108;
	_ =	swait.ge @!p0 [sflag:s8], $0x0  }
0x24: {  	s3 =	sadd.s32 $0x88, s3;
	s6 =	simm.s32 @!p1 $0x1082;
	[sflag:s4] =	ssyncset.s32 $0xFFFFF086  }
0x25: {  	[simem:s6], [sflag:s4] =	dma.local [hbm:s3], $0xF7A  }
0x26: {  	[smem:$0x3F9B] =	sst s1;
	(tag) =	ssettag s2;
	_ =	strace s9  }
0x27: {  	s1 =	sld [smem:$0x3FAB]  }
0x28: {  	s2 =	sld [smem:$0x3FAC]  }
0x29: {  	s4 =	sld [smem:$0x3FAE]  }
0x2a: {  	p0 =	seq.s32 s5, $0x0;
	s5 =	sld [smem:$0x3FAF]  }
0x2b: {  	s6 =	sld [smem:$0x3FB0]  }
0x2c: {  	s7 =	sld [smem:$0x3FB1]  }
0x2d: {  	s3 =	simm.s32 $0x108;
	s8 =	sld [smem:$0x3FB2]  }
0x2e: {  	s3 =	simm.s32 @!p0 $0x1082;
	s9 =	sld [smem:$0x3FB3]  }
0x2f: {  	lr =	sadd.s32 s0, s3;
	s0 =	sld [smem:$0x3FAA]  }
0x30: {  	s3 =	sld [smem:$0x3FAD]  }
0x31: {  	[smem:$0x3FB6] =	sst s10  }
0x32: {  	s10 =	sld [smem:$0x3FB4];
	_ =	sdelay $0x3  }
0x33: {  	p0 =	seq.s32 s10, $0x1;
	s10 =	sld [smem:$0x3FB6];
	_ =	sdelay $0x3  }
0x34: {  	[smem:$0x3FB6] =	sst s10  }
0x35: {  	s10 =	sld [smem:$0x3FB5];
	_ =	sdelay $0x3  }
0x36: {  	p1 =	seq.s32 s10, $0x1;
	s10 =	sld [smem:$0x3FB6];
	_ =	sdelay $0x3  }
0x37: {  	[smem:$0x3FB6] =	sst s10  }
0x38: {  	s10 =	sld [smem:$0x3FB7]  }
0x39: {  	_ = 	snop;
	(pc) =	sbr.ind lr, $3  }
0x3a: {  	_ = 	snop  }
0x3b: {  	_ = 	snop  }
0x3c: {  	p2 =	seq.s32 s10, $0x1;
	s10 =	sld [smem:$0x3FB6]  }
0x3d: {  	_ =	shalt  }
0x3e: {  	_ =	shalt  }
0x3f: {  	_ =	shalt  }
0x40: {  	_ =	shalt  }
0x41: {  	_ =	shalt  }
0x42: {  	_ =	shalt  }
0x43: {  	_ =	shalt  }
0x44: {  	_ =	shalt  }
0x45: {  	_ =	shalt  }
0x46: {  	_ =	shalt  }
0x47: {  	_ =	shalt  }
0x48: {  	_ =	shalt  }
0x49: {  	_ =	shalt  }
0x4a: {  	_ =	shalt  }
0x4b: {  	_ =	shalt  }
0x4c: {  	_ =	shalt  }
0x4d: {  	_ =	shalt  }
0x4e: {  	_ =	shalt  }
0x4f: {  	_ =	shalt  }
0x50: {  	_ =	shalt  }
0x51: {  	_ =	shalt  }
0x52: {  	_ =	shalt  }
0x53: {  	_ =	shalt  }
0x54: {  	_ =	shalt  }
0x55: {  	_ =	shalt  }
0x56: {  	_ =	shalt  }
0x57: {  	_ =	shalt  }
0x58: {  	_ =	shalt  }
0x59: {  	_ =	shalt  }
0x5a: {  	_ =	shalt  }
0x5b: {  	_ =	shalt  }
0x5c: {  	_ =	shalt  }
0x5d: {  	_ =	shalt  }
0x5e: {  	_ =	shalt  }
0x5f: {  	_ =	shalt  }
0x60: {  	_ =	shalt  }
0x61: {  	_ =	shalt  }
0x62: {  	_ =	shalt  }
0x63: {  	_ =	shalt  }
0x64: {  	_ =	shalt  }
0x65: {  	_ =	shalt  }
0x66: {  	_ =	shalt  }
0x67: {  	_ =	shalt  }
0x68: {  	_ =	shalt  }
0x69: {  	_ =	shalt  }
0x6a: {  	_ =	shalt  }
0x6b: {  	_ =	shalt  }
0x6c: {  	_ =	shalt  }
0x6d: {  	_ =	shalt  }
0x6e: {  	_ =	shalt  }
0x6f: {  	_ =	shalt  }
0x70: {  	_ =	shalt  }
0x71: {  	_ =	shalt  }
0x72: {  	_ =	shalt  }
0x73: {  	_ =	shalt  }
0x74: {  	_ =	shalt  }
0x75: {  	_ =	shalt  }
0x76: {  	_ =	shalt  }
0x77: {  	_ =	shalt  }
0x78: {  	_ =	shalt  }
0x79: {  	_ =	shalt  }
0x7a: {  	_ =	shalt  }
0x7b: {  	_ =	shalt  }
0x7c: {  	_ =	shalt  }
0x7d: {  	_ =	shalt  }
0x7e: {  	_ =	shalt  }
0x7f: {  	_ =	shalt  }
0x80: {  	_ =	shalt  }
0x81: {  	_ =	shalt  }
0x82: {  	_ =	shalt  }
0x83: {  	_ =	shalt  }
0x84: {  	_ =	shalt  }
0x85: {  	_ =	shalt  }
0x86: {  	_ =	shalt  }
0x87: {  	_ =	shalt  }
.Lfunc_end0:
.L_simem_size_0:
called_computation_lowered:
.L_overlay_start_0:
0x88: {  	s2 =	sld [smem:$0x3FD9]  }
0x89: {  	s3 =	sld [smem:$0x3FFE];
	_ =	sdelay $0x1  }
0x8a: {  	s1 =	srdreg.scid  }
0x8b: {  	s0 =	sand.u32 $0x1, s1  }
0x8c: {  	s17 =	sshll.u32 s0, $0xA;
	s2 =	sadd.s32 s3, s2  }
0x8d: {  	s2 =	sadd.s32 s2, s17  }
0x8e: {  	[smem:$0x3FC2] =	sst s2  }
0x8f: {  	_ = 	snop  }
0x90: {  	s2 =	sld [smem:$0x3FD0];
	(tm) =	ssettm $0x1  }
0x91: {  	s18 =	sld [smem:$0x3FFB];
	_ =	sdelay $0x3  }
0x92: {  	_ =	strace s18  }
0x93: {  	s3 =	sld [smem:$0x3FFC];
	_ =	sdelay $0x3  }
0x94: {  	_ =	strace s3  }
0x95: {  	s3 =	sld [smem:$0x3FFD];
	_ =	sdelay $0x3  }
0x96: {  	_ =	strace s3  }
0x97: {  	_ =	strace $0x8FFFFFFF  }
0x98: {  	s19 =	sld [smem:$0x3FDB];
	_ =	sdelay $0x1  }
0x99: {  	s4 =	simm.s32 $_scs_section_size  }
0x9a: {  	s5 =	simm.s32 $_size__tile_overlayer_lowered;
	s6 =	simm.s32 $_tile_overlayer_lowered  }
0x9b: {  	s22 =	simm.s32 $0x1BFF;
	s21 =	sshll.u32 s6, $0x1;
	s3 =	sadd.s32 s4, s19  }
0x9c: {  	s7 =	simm.s32 $0x0;
	s20 =	sshll.u32 s5, $0x1;
	s5 =	sadd.s32 s21, s3  }
0x9d: {  	[timem:s7], [sflag:s22] =	dma.local [hbm:s5], s20  }
0x9e: {  	_ =	swait.ge [sflag:s22], s20  }
0x9f: {  	s4 =	ssub.s32 $0x0, s20;
	[sflag:s22] =	ssyncset.done $0x0  }
0xa0: {  	[sflag:s22] =	ssyncadd.s32 s4;
	_ =	sdelay $0x1  }
0xa1: {  	s23 =	simm.s32 $0x1B8B  }
0xa2: {  	_ =	swait.ge [sflag:s23], $0x1  }
0xa3: {  	[sflag:s23] =	ssyncset.done $0x0  }
0xa4: {  	s25 =	simm.s32 $0x1B8E;
	s24 =	sld [smem:$0x3FFE];
	[sflag:s23] =	ssyncadd.s32 $0xFFFFFFFF  }
0xa5: {  	s26 =	simm.s32 $execute0_lowered;
	[smem:$0x3FD2] =	sst s25  }
0xa6: {  	s5 =	sshll.u32 s26, $0x1;
	_ =	strace $0x80000046;
	[dreg:$0x1] =	wrdreg $0xFFFFFFFF  }
0xa7: {  	s28 =	simm.s32 $_size_execute0_lowered;
	s3 =	sadd.s32 s3, s5;
	[dreg:$0x0] =	wrdreg $0x0  }
0xa8: {  	s5 =	sshll.u32 s28, $0x1;
	[dreg:$0x2] =	wrdreg s3  }
0xa9: {  	[dreg:$0x3] =	wrdreg s5  }
0xaa: {  	[dreg:$0x4] =	wrdreg $0xC0  }
0xab: {  	_ =	task [dreg:s7], $0x5FFFF  }
0xac: {  	[dreg:$0x1] =	wrdreg $0xFFFFFFFF  }
0xad: {  	[dreg:$0x0] =	wrdreg $0x60  }
0xae: {  	[dreg:$0x2] =	wrdreg s24  }
0xaf: {  	[dreg:$0x3] =	wrdreg s2  }
0xb0: {  	[dreg:$0x4] =	wrdreg $0x9  }
0xb1: {  	_ =	task.clear_ibuf [dreg:s7], $0x5FFFF;
	_ =	strace $0x90000046  }
0xb2: {  	s29 =	simm.s32 $0x9;
	_ =	strace $0x80000048  }
0xb3: {  	_ =	swait.ge [sflag:s29], $0x1  }
0xb4: {  	[sflag:s29] =	ssyncadd.s32 $0xFFFFFFFF  }
0xb5: {  	_ =	strace $0x90000048  }
0xb6: {  	_ =	sfence  }
0xb7: {  	s30 =	sld [smem:$0x0];
	_ =	sdelay $0x2  }
0xb8: {  	s31 =	sshll.u32 s1, $0xD;
	s1 =	sshrl.u32 s1, $0x2  }
0xb9: {  	s3 =	sand.u32 $0x4000, s31;
	s1 =	sadd.s32 s1, s30  }
0xba: {  	s0 =	sor.u32 s3, s0;
	s1 =	sshll.u32 s1, $0x11  }
0xbb: {  	s0 =	sor.u32 s1, s0  }
0xbc: {  	s0 =	sadd.s32 $0x8F2B, s0  }
0xbd: {  	[sflag:s0] =	ssyncadd.remote.s32 $0x1  }
0xbe: {  	_ =	sfence.sel $0xFFFF  }
0xbf: {  	[dreg:$0x0] =	wrdreg $0xFFFFFFFF;
	(pc) =	sbr.abs _section_cstart, $3  }
0xc0: {  	[dreg:$0x1] =	wrdreg $0xFFFFFFFF  }
0xc1: {  	_ =	task.clear_ibuf [dreg:s7], $0x2FFFF;
	_ =	strace $0x9FFFFFFF  }
0xc2: {  	(tm) =	ssettm $0x7FFFFFFF  }
0xc3: {  	_ =	shalt  }
tec
execute0_lowered:
.L_overlay_start_1:
0x0: {  	(tag) =	ssettag $0x1  }
0x1: {  	s0 =	rddreg [dreg:$0x0]  }
0x2: {  	s2 =	rddreg [dreg:$0x1]  }
0x3: {  	s3 =	simm.s32 $0x0;
	s1 =	srdreg.scid;
	s4 =	stileid.u32  }
0x4: {  	s28 =	simm.s32 $0x140;
	s29 =	simm.s32 $0x190;
	s30 =	simm.s32 $0x2  }
0x5: {  	s15 =	simm.s32 $0x4;
	s18 =	simm.s32 $0x6;
	[smem:$0x7FF] =	sst s3  }
0x6: {  	s1 =	sand.u32 $0x1, s1;
	s5 =	sshll.u32 s4, $0x1;
	s4 =	sadd.s32 $0x1E400, s0  }
0x7: {  	s7 =	sadd.s32 $0x45800, s0;
	s8 =	sadd.s32 $0xE00, s0;
	s10 =	sor.u32 s1, s5  }
0x8: {  	_ =	strace $0x80000047;
	s1 =	ssub.s32 $0x2, s1;
	s6 =	smul.u32 $0x2710, s10  }
0x9: {  	s5 =	sadd.s32 $0x31E00, s0;
	s20 =	sshrl.u32 s1, $0x1;
	s10 =	smul.u32 $0x138800, s10  }
0xa: {  	s0 =	ssub.s32 s1, s20;
	s20 =	simm.s32 $0x50;
	s21 =	sshrl.u32 s6, $0x3  }
0xb: {  	s9 =	sadd.s32 $0x4E200, s6;
	s12 =	sadd.s32 $0x9C400, s6;
	s13 =	sadd.s32 $0x50, s6  }
0xc: {  	s10 =	sshrl.u32 s10, $0x3;
	s0 =	smax.u32 s0, $0x1;
	s14 =	sadd.s32 s8, s21  }
0xd: {  	s22 =	sshrl.u32 s9, $0x3;
	s23 =	sshrl.u32 s12, $0x3;
	s11 =	sshrl.u32 s13, $0x3  }
0xe: {  	s25 =	sadd.s32 s2, s10;
	[dreg:$0xa] =	wrdreg s0;
	s21 =	simm.s32 $0xA0  }
0xf: {  	s1 =	sadd.s32 s8, s22;
	s24 =	sadd.s32 s8, s11;
	[dreg:$0x3] =	wrdreg s14  }
0x10: {  	s26 =	sadd.s32 $0x9C4A, s14;
	s31 =	sadd.s32 $0x1388A, s14;
	[dreg:$0x4] =	wrdreg s1  }
0x11: {  	s22 =	simm.s32 $0x1;
	s11 =	simm.s32 $0x3;
	[dreg:$0x6] =	wrdreg s24  }
0x12: {  	s14 =	simm.s32 $0x79E0;
	s1 =	sadd.s32 s8, s23;
	[dreg:$0x7] =	wrdreg s26  }
0x13: {  	[dreg:$0x8] =	wrdreg s31;
	s23 =	simm.s32 $0x1E0;
	s24 =	simm.s32 $0x15E0  }
0x14: {  	s26 =	simm.s32 $0xF0;
	[dreg:$0x5] =	wrdreg s1;
	s1 =	sadd.s32 $0x26C00, s25  }
0x15: {  	s25 =	simm.s32 $0x29E0;
	[dreg:$0x9] =	wrdreg s1;
	s1 =	simm.s32 $0x0  }
.LBB2_1:
0x16: {  	[dreg:$0xb] =	wrdreg s1  }
0x17: {  	s0 =	rddreg [dreg:$0x3]  }
0x18: {  	[tilespmem:s3], [sflag:$0x1] =	stream.linear.gather [hbm4b:s0+s3], $0x50, $0x38;
	[tilespmem:$0xC9E0] =	vst v63  }
0x19: {  	s19 =	rddreg [dreg:$0x4]  }
0x1a: {  	[tilespmem:s20], [sflag:$0x1] =	stream.linear.gather [hbm4b:s19+s3], $0x50, $0x38;
	[tilespmem:$0xC9E0] =	vst v63  }
0x1b: {  	s31 =	rddreg [dreg:$0x5]  }
0x1c: {  	[tilespmem:s21], [sflag:$0x1] =	stream.linear.gather [hbm4b:s31+s3], $0x50, $0x38;
	[tilespmem:$0xC9E0] =	vst v63  }
0x1d: {  	_ =	swait.ge [sflag:s22], $0x50  }
0x1e: {  	[sflag:s22] =	ssyncset.done $0x0  }
0x1f: {  	[sflag:s22] =	ssyncadd.s32 $0xFFFFFFB0  }
0x20: {  	_ =	swait.ge [sflag:s22], $0x50  }
0x21: {  	[sflag:s22] =	ssyncset.done $0x0  }
0x22: {  	[sflag:s22] =	ssyncadd.s32 $0xFFFFFFB0  }
0x23: {  	_ =	swait.ge [sflag:s22], $0x50  }
0x24: {  	[sflag:s22] =	ssyncset.done $0x0  }
0x25: {  	[sflag:s22] =	ssyncadd.s32 $0xFFFFFFB0  }
0x26: {  	[tilespmem:s23], [sflag:$0x3] =	stream.indirect.gather [hbm4b:s4+s20], $0x40, s3, s20, $0xb8;
	[tilespmem:$0xC9E0] =	vst v63  }
0x27: {  	_ = 	snop  }
0x28: {  	[tilespmem:s24], [sflag:$0x3] =	stream.indirect.gather [hbm4b:s5+s20], $0x40, s20, s20, $0xb8;
	[tilespmem:$0xC9E0] =	vst v63  }
0x29: {  	_ = 	snop  }
0x2a: {  	[tilespmem:s25], [sflag:$0x3] =	stream.indirect.gather [hbm4b:s7+s20], $0x40, s21, s20, $0xb8;
	[tilespmem:$0xC9E0] =	vst v63  }
0x2b: {  	s1 =	rddreg [dreg:$0x6]  }
0x2c: {  	[tilespmem:s26], [sflag:$0x2] =	stream.linear.gather [hbm4b:s1+s3], $0x50, $0x38;
	[tilespmem:$0xC9E0] =	vst v63  }
0x2d: {  	s10 =	rddreg [dreg:$0x7]  }
0x2e: {  	[tilespmem:s28], [sflag:$0x2] =	stream.linear.gather [hbm4b:s10+s3], $0x50, $0x38;
	[tilespmem:$0xC9E0] =	vst v63  }
0x2f: {  	s16 =	rddreg [dreg:$0x8]  }
0x30: {  	[tilespmem:s29], [sflag:$0x2] =	stream.linear.gather [hbm4b:s16+s3], $0x50, $0x38;
	[tilespmem:$0xC9E0] =	vst v63  }
0x31: {  	_ =	swait.ge [sflag:s30], $0x50  }
0x32: {  	[sflag:s30] =	ssyncset.done $0x0  }
0x33: {  	[sflag:s30] =	ssyncadd.s32 $0xFFFFFFB0  }
0x34: {  	_ =	swait.ge [sflag:s30], $0x50  }
0x35: {  	[sflag:s30] =	ssyncset.done $0x0  }
0x36: {  	[sflag:s30] =	ssyncadd.s32 $0xFFFFFFB0  }
0x37: {  	_ =	swait.ge [sflag:s30], $0x50  }
0x38: {  	[sflag:s30] =	ssyncset.done $0x0  }
0x39: {  	s17 =	simm.s32 $0x3DE0;
	[sflag:s30] =	ssyncadd.s32 $0xFFFFFFB0  }
0x3a: {  	[tilespmem:s17], [sflag:$0x4] =	stream.indirect.gather [hbm4b:s4+s20], $0x40, s26, s20, $0xb8;
	[tilespmem:$0xC9E0] =	vst v63  }
0x3b: {  	s19 =	simm.s32 $0x51E0  }
0x3c: {  	[tilespmem:s19], [sflag:$0x4] =	stream.indirect.gather [hbm4b:s5+s20], $0x40, s28, s20, $0xb8;
	[tilespmem:$0xC9E0] =	vst v63  }
0x3d: {  	s31 =	simm.s32 $0x65E0;
	s10 =	simm.s32 $0x0  }
0x3e: {  	[tilespmem:s31], [sflag:$0x4] =	stream.indirect.gather [hbm4b:s7+s20], $0x40, s29, s20, $0xb8;
	[tilespmem:$0xC9E0] =	vst v63  }
.LBB2_2:
0x3f: {  	_ =	swait.ge [sflag:s11], $0x1400  }
0x40: {  	[sflag:s11] =	ssyncset.done $0x0  }
0x41: {  	[sflag:s11] =	ssyncadd.s32 $0xFFFFEC00  }
0x42: {  	s17 =	smul.u32 $0xA0, s10;
	_ =	swait.ge [sflag:s11], $0x1400  }
0x43: {  	[sflag:s11] =	ssyncset.done $0x0  }
0x44: {  	s0 =	sadd.s32 $0xA0, s17;
	[sflag:s11] =	ssyncadd.s32 $0xFFFFEC00  }
0x45: {  	s1 =	sadd.s32 s6, s0;
	_ =	swait.ge [sflag:s11], $0x1400  }
0x46: {  	s1 =	sshrl.u32 s1, $0x3;
	[sflag:s11] =	ssyncset.done $0x0  }
0x47: {  	s19 =	sadd.s32 s9, s0;
	s1 =	sadd.s32 s8, s1;
	[sflag:s11] =	ssyncadd.s32 $0xFFFFEC00  }
0x48: {  	[tilespmem:s3], [sflag:$0x1] =	stream.linear.gather [hbm4b:s1+s3], $0x50, $0x38;
	[tilespmem:$0xC9E0] =	vst v63  }
0x49: {  	s0 =	sadd.s32 s12, s0;
	s1 =	sshrl.u32 s19, $0x3  }
0x4a: {  	s0 =	sshrl.u32 s0, $0x3;
	s1 =	sadd.s32 s8, s1  }
0x4b: {  	[tilespmem:s20], [sflag:$0x1] =	stream.linear.gather [hbm4b:s1+s3], $0x50, $0x38;
	[tilespmem:$0xC9E0] =	vst v63  }
0x4c: {  	p0 =	seq.s32 s10, $0x0;
	s0 =	sadd.s32 s8, s0  }
0x4d: {  	[tilespmem:s21], [sflag:$0x1] =	stream.linear.gather [hbm4b:s0+s3], $0x50, $0x38;
	[tilespmem:$0xC9E0] =	vst v63  }
0x4e: {  	s0 =	simm.s32 @!p0 $0x5  }
0x4f: {  	_ =	swait.ge @!p0 [sflag:s0], $0x2800  }
0x50: {  	[sflag:s0] =	ssyncset.done @!p0 $0x0  }
0x51: {  	s16 =	simm.s32 $0x1660;
	[sflag:s0] =	ssyncadd.s32 @!p0 $0xFFFFD800  }
0x52: {  	v0 =	vld [tilespmem:s16+$0xFFFFEC40]  }
0x53: {  	v1 =	vld [tilespmem:s16+$0x40];
	_ =	sdelay $0x1  }
0x54: {  	v2 =	vld [tilespmem:s16+$0x1440];
	_ =	sdelay $0x2  }
0x55: {  	v3 =	vshll.u32 v0, $0x10;
	v4 =	vshll.u32 v1, $0x10  }
0x56: {  	v0 =	vand.u32 $0xFFFF0000, v0;
	v1 =	vand.u32 $0xFFFF0000, v1;
	v3 =	vadd.f32 v4, v3  }
0x57: {  	v5 =	vld [tilespmem:s16+$0xFFFFEBC0];
	v0 =	vadd.f32 v1, v0;
	v1 =	vshll.u32 v2, $0x10  }
0x58: {  	v7 =	vld [tilespmem:s16+$0x0];
	v2 =	vand.u32 $0xFFFF0000, v2;
	v1 =	vadd.f32 v1, v3  }
0x59: {  	v9 =	vld [tilespmem:s16+$0xFFFFEB80];
	v0 =	vadd.f32 v2, v0  }
0x5a: {  	v4 =	vld [tilespmem:s16+$0xFFFFFF80];
	v6 =	vmul.f32 $2.000000030e-01, v1  }
0x5b: {  	v3 =	vld [tilespmem:s16+$0xFFFFFFC0];
	v8 =	vmul.f32 $2.000000030e-01, v0  }
0x5c: {  	s19 =	simm.s32 $0x7AE0;
	v2 =	vld [tilespmem:s16+$0xFFFFEC00];
	v1 =	vmax.f32 v1, v6  }
0x5d: {  	v6 =	vld [tilespmem:s16+$0x1380];
	v0 =	vmax.f32 v0, v8;
	[tilespmem:s19+$0x80] =	vst v1  }
0x5e: {  	v14 =	vshll.u32 v9, $0x10;
	v9 =	vand.u32 $0xFFFF0000, v9;
	v8 =	vld [tilespmem:s16+$0x13C0];
	[tilespmem:s19+$0xC0] =	vst v0  }
0x5f: {  	v15 =	vshll.u32 v7, $0x10;
	v7 =	vand.u32 $0xFFFF0000, v7;
	v1 =	vshll.u32 v4, $0x10;
	v11 =	vld [tilespmem:s16+$0xFFFFEC50]  }
0x60: {  	v4 =	vand.u32 $0xFFFF0000, v4;
	v0 =	vshll.u32 v5, $0x10;
	v5 =	vand.u32 $0xFFFF0000, v5;
	v13 =	vld [tilespmem:s16+$0x50]  }
0x61: {  	v10 =	vshll.u32 v3, $0x10;
	v3 =	vand.u32 $0xFFFF0000, v3;
	v1 =	vadd.f32 v1, v14  }
0x62: {  	v12 =	vshll.u32 v2, $0x10;
	v4 =	vadd.f32 v4, v9;
	v9 =	vld [tilespmem:s16+$0x1450];
	v0 =	vadd.f32 v10, v0  }
0x63: {  	v2 =	vand.u32 $0xFFFF0000, v2;
	v3 =	vadd.f32 v3, v5;
	v10 =	vadd.f32 v15, v12  }
0x64: {  	v14 =	vshll.u32 v6, $0x10;
	v6 =	vand.u32 $0xFFFF0000, v6;
	v5 =	vshll.u32 v8, $0x10  }
0x65: {  	v1 =	vadd.f32 v14, v1;
	v12 =	vshll.u32 v11, $0x10;
	v14 =	vshll.u32 v13, $0x10  }
0x66: {  	v11 =	vand.u32 $0xFFFF0000, v11;
	v13 =	vand.u32 $0xFFFF0000, v13;
	v12 =	vadd.f32 v14, v12  }
0x67: {  	v4 =	vadd.f32 v6, v4;
	v6 =	vadd.f32 v13, v11;
	v11 =	vshll.u32 v9, $0x10  }
0x68: {  	v13 =	vld [tilespmem:s16+$0x1400];
	v14 =	vmul.f32 $2.000000030e-01, v1;
	v9 =	vand.u32 $0xFFFF0000, v9;
	v11 =	vadd.f32 v11, v12  }
0x69: {  	v8 =	vand.u32 $0xFFFF0000, v8;
	v12 =	vmul.f32 $2.000000030e-01, v4;
	v6 =	vadd.f32 v9, v6  }
0x6a: {  	v0 =	vadd.f32 v5, v0;
	v1 =	vmax.f32 v1, v14;
	v5 =	vmul.f32 $2.000000030e-01, v11  }
0x6b: {  	v3 =	vadd.f32 v8, v3;
	[tilespmem:s19+$0xFFFFFF00] =	vst v1;
	v4 =	vmax.f32 v4, v12;
	v1 =	vmul.f32 $2.000000030e-01, v6  }
0x6c: {  	v2 =	vadd.f32 v7, v2;
	v7 =	vmul.f32 $2.000000030e-01, v0;
	[tilespmem:s19+$0xFFFFFF40] =	vst v4;
	v4 =	vmax.f32 v11, v5  }
0x6d: {  	v8 =	vmul.f32 $2.000000030e-01, v3;
	v5 =	vshll.u32 v13, $0x10;
	v9 =	vld [tilespmem:s16+$0xFFFFEB90];
	v1 =	vmax.f32 v6, v1;
	[tilespmem:s19+$0x90] =	vst v4  }
0x6e: {  	v0 =	vmax.f32 v0, v7;
	v6 =	vld [tilespmem:s16+$0xFFFFFF90];
	v4 =	vand.u32 $0xFFFF0000, v13;
	v5 =	vadd.f32 v5, v10;
	[tilespmem:s19+$0xD0] =	vst v1  }
0x6f: {  	[tilespmem:s19+$0xFFFFFF80] =	vst v0;
	v1 =	vadd.f32 v4, v2;
	v2 =	vmax.f32 v3, v8;
	v0 =	vld [tilespmem:s16+$0xFFFFEC60]  }
0x70: {  	v3 =	vmul.f32 $2.000000030e-01, v5;
	[tilespmem:s19+$0xFFFFFFC0] =	vst v2;
	v2 =	vld [tilespmem:s16+$0x60]  }
0x71: {  	v4 =	vmul.f32 $2.000000030e-01, v1;
	v7 =	vld [tilespmem:s16+$0xFFFFEBD0]  }
0x72: {  	v3 =	vmax.f32 v5, v3;
	v5 =	vld [tilespmem:s16+$0x1460]  }
0x73: {  	v1 =	vmax.f32 v1, v4;
	[tilespmem:s19+$0x0] =	vst v3;
	v3 =	vshll.u32 v9, $0x10;
	v4 =	vshll.u32 v6, $0x10  }
0x74: {  	v8 =	vand.u32 $0xFFFF0000, v9;
	[tilespmem:s19+$0x40] =	vst v1;
	v1 =	vand.u32 $0xFFFF0000, v6;
	v6 =	vld [tilespmem:s16+$0xFFFFFFD0];
	v3 =	vadd.f32 v4, v3  }
0x75: {  	v1 =	vadd.f32 v1, v8;
	v4 =	vld [tilespmem:s16+$0xFFFFEC10];
	v8 =	vshll.u32 v0, $0x10;
	v9 =	vshll.u32 v2, $0x10  }
0x76: {  	v10 =	vld [tilespmem:s16+$0x10];
	v0 =	vand.u32 $0xFFFF0000, v0;
	v2 =	vand.u32 $0xFFFF0000, v2;
	v8 =	vadd.f32 v9, v8  }
0x77: {  	v9 =	vshll.u32 v7, $0x10;
	v0 =	vadd.f32 v2, v0;
	v2 =	vshll.u32 v5, $0x10  }
0x78: {  	v11 =	vld [tilespmem:s16+$0x1390];
	v7 =	vand.u32 $0xFFFF0000, v7;
	v5 =	vand.u32 $0xFFFF0000, v5;
	v2 =	vadd.f32 v2, v8  }
0x79: {  	v0 =	vadd.f32 v5, v0;
	v8 =	vshll.u32 v6, $0x10;
	v6 =	vand.u32 $0xFFFF0000, v6  }
0x7a: {  	v5 =	vld [tilespmem:s16+$0x13D0];
	v12 =	vshll.u32 v4, $0x10;
	v4 =	vand.u32 $0xFFFF0000, v4;
	v13 =	vmul.f32 $2.000000030e-01, v2  }
0x7b: {  	v14 =	vld [tilespmem:s16+$0x1410];
	v15 =	vshll.u32 v10, $0x10;
	v10 =	vand.u32 $0xFFFF0000, v10;
	v16 =	vmul.f32 $2.000000030e-01, v0  }
0x7c: {  	v8 =	vadd.f32 v8, v9;
	v6 =	vadd.f32 v6, v7;
	v2 =	vmax.f32 v2, v13  }
0x7d: {  	v9 =	vshll.u32 v11, $0x10;
	v7 =	vadd.f32 v15, v12;
	v0 =	vmax.f32 v0, v16;
	[tilespmem:s19+$0xA0] =	vst v2  }
0x7e: {  	v4 =	vadd.f32 v10, v4;
	v3 =	vadd.f32 v9, v3;
	v2 =	vand.u32 $0xFFFF0000, v11;
	[tilespmem:s19+$0xE0] =	vst v0  }
0x7f: {  	v9 =	vshll.u32 v5, $0x10;
	v0 =	vand.u32 $0xFFFF0000, v5;
	v1 =	vadd.f32 v2, v1;
	v5 =	vld [tilespmem:s16+$0xFFFFEC70]  }
0x80: {  	v10 =	vand.u32 $0xFFFF0000, v14;
	v8 =	vadd.f32 v9, v8;
	v9 =	vmul.f32 $2.000000030e-01, v3;
	v11 =	vld [tilespmem:s16+$0x70]  }
0x81: {  	v2 =	vshll.u32 v14, $0x10;
	v0 =	vadd.f32 v0, v6;
	v6 =	vmul.f32 $2.000000030e-01, v1  }
0x82: {  	s31 =	simm.s32 $0x1760;
	v2 =	vadd.f32 v2, v7;
	v7 =	vmul.f32 $2.000000030e-01, v8;
	v3 =	vmax.f32 v3, v9;
	v9 =	vld [tilespmem:s16+$0x1470]  }
0x83: {  	v17 =	vld [tilespmem:s31+$0xFFFFEC00];
	v4 =	vadd.f32 v10, v4;
	v10 =	vmul.f32 $2.000000030e-01, v0;
	[tilespmem:s19+$0xFFFFFF10] =	vst v3;
	v1 =	vmax.f32 v1, v6  }
0x84: {  	v3 =	vmul.f32 $2.000000030e-01, v2;
	v6 =	vmax.f32 v8, v7;
	[tilespmem:s19+$0xFFFFFF50] =	vst v1  }
0x85: {  	v0 =	vmax.f32 v0, v10;
	[tilespmem:s19+$0xFFFFFF90] =	vst v6;
	v6 =	vand.u32 $0xFFFF0000, v5;
	v8 =	vand.u32 $0xFFFF0000, v11;
	v7 =	vld [tilespmem:s16+$0xFFFFEBA0]  }
0x86: {  	v1 =	vmul.f32 $2.000000030e-01, v4;
	v2 =	vmax.f32 v2, v3;
	[tilespmem:s19+$0xFFFFFFD0] =	vst v0;
	v3 =	vld [tilespmem:s16+$0xFFFFFFA0];
	v0 =	vadd.f32 v8, v6  }
0x87: {  	[tilespmem:s19+$0x10] =	vst v2;
	v6 =	vld [tilespmem:s16+$0xFFFFFFE0];
	v2 =	vand.u32 $0xFFFF0000, v9  }
0x88: {  	v21 =	vshll.u32 v17, $0x10;
	v1 =	vmax.f32 v4, v1;
	v4 =	vld [tilespmem:s16+$0xFFFFEBE0];
	v0 =	vadd.f32 v2, v0  }
0x89: {  	v17 =	vand.u32 $0xFFFF0000, v17;
	[tilespmem:s19+$0x50] =	vst v1;
	v1 =	vshll.u32 v5, $0x10;
	v2 =	vshll.u32 v11, $0x10;
	v11 =	vld [tilespmem:s16+$0x13A0]  }
0x8a: {  	v8 =	vshll.u32 v9, $0x10;
	v5 =	vld [tilespmem:s16+$0xFFFFEC20];
	v1 =	vadd.f32 v2, v1;
	v9 =	vmul.f32 $2.000000030e-01, v0  }
0x8b: {  	v2 =	vld [tilespmem:s16+$0x20];
	v10 =	vshll.u32 v7, $0x10;
	v12 =	vshll.u32 v3, $0x10;
	v7 =	vand.u32 $0xFFFF0000, v7  }
0x8c: {  	v3 =	vand.u32 $0xFFFF0000, v3;
	v14 =	vshll.u32 v6, $0x10;
	v6 =	vand.u32 $0xFFFF0000, v6  }
0x8d: {  	v1 =	vadd.f32 v8, v1;
	v10 =	vadd.f32 v12, v10;
	v12 =	vld [tilespmem:s16+$0x13E0];
	v13 =	vshll.u32 v4, $0x10  }
0x8e: {  	v4 =	vand.u32 $0xFFFF0000, v4;
	v3 =	vadd.f32 v3, v7;
	v7 =	vld [tilespmem:s16+$0x1420];
	v13 =	vadd.f32 v14, v13  }
0x8f: {  	v4 =	vadd.f32 v6, v4;
	v15 =	vshll.u32 v11, $0x10;
	v14 =	vshll.u32 v5, $0x10  }
0x90: {  	v5 =	vand.u32 $0xFFFF0000, v5;
	v6 =	vshll.u32 v2, $0x10;
	v2 =	vand.u32 $0xFFFF0000, v2  }
0x91: {  	v10 =	vadd.f32 v15, v10;
	v2 =	vadd.f32 v2, v5;
	v5 =	vand.u32 $0xFFFF0000, v11  }
0x92: {  	v6 =	vadd.f32 v6, v14;
	v3 =	vadd.f32 v5, v3;
	v11 =	vshll.u32 v12, $0x10  }
0x93: {  	v12 =	vand.u32 $0xFFFF0000, v12;
	v14 =	vshll.u32 v7, $0x10;
	v7 =	vand.u32 $0xFFFF0000, v7  }
0x94: {  	v5 =	vadd.f32 v11, v13;
	v11 =	vmul.f32 $2.000000030e-01, v10;
	v4 =	vadd.f32 v12, v4;
	v12 =	vld [tilespmem:s31+$0xFFFFEC40]  }
0x95: {  	v6 =	vadd.f32 v14, v6;
	v13 =	vmul.f32 $2.000000030e-01, v3;
	v2 =	vadd.f32 v7, v2;
	v7 =	vld [tilespmem:s31+$0x40]  }
0x96: {  	v16 =	vld [tilespmem:s31+$0x1440];
	v0 =	vmax.f32 v0, v9;
	v9 =	vmul.f32 $2.000000030e-01, v5;
	v14 =	vmul.f32 $2.000000030e-01, v4  }
0x97: {  	v8 =	vmul.f32 $2.000000030e-01, v6;
	v15 =	vmul.f32 $2.000000030e-01, v2;
	v3 =	vmax.f32 v3, v13;
	v13 =	vld [tilespmem:s31+$0xFFFFFFC0]  }
0x98: {  	v10 =	vmax.f32 v10, v11;
	v11 =	vmul.f32 $2.000000030e-01, v1;
	v5 =	vmax.f32 v5, v9;
	v9 =	vld [tilespmem:s31+$0xFFFFFF80]  }
0x99: {  	v4 =	vmax.f32 v4, v14;
	v6 =	vmax.f32 v6, v8;
	v2 =	vmax.f32 v2, v15;
	v8 =	vld [tilespmem:s31+$0xFFFFEBC0]  }
0x9a: {  	v1 =	vmax.f32 v1, v11;
	v11 =	vld [tilespmem:s31+$0xFFFFEB80];
	v14 =	vshll.u32 v12, $0x10;
	v15 =	vshll.u32 v7, $0x10  }
0x9b: {  	v12 =	vand.u32 $0xFFFF0000, v12;
	v7 =	vand.u32 $0xFFFF0000, v7;
	v14 =	vadd.f32 v15, v14  }
0x9c: {  	v7 =	vadd.f32 v7, v12;
	v12 =	vshll.u32 v16, $0x10;
	v16 =	vand.u32 $0xFFFF0000, v16  }
0x9d: {  	[tilespmem:s19+$0xFFFFFF20] =	vst v10;
	v10 =	vld [tilespmem:s31+$0x13C0];
	v19 =	vshll.u32 v13, $0x10;
	v13 =	vand.u32 $0xFFFF0000, v13;
	v12 =	vadd.f32 v12, v14  }
0x9e: {  	v15 =	vld [tilespmem:s31+$0x0];
	v7 =	vadd.f32 v16, v7;
	v18 =	vshll.u32 v9, $0x10;
	v9 =	vand.u32 $0xFFFF0000, v9  }
0x9f: {  	[tilespmem:s19+$0xFFFFFF60] =	vst v3;
	v3 =	vld [tilespmem:s31+$0x1400];
	v14 =	vshll.u32 v8, $0x10;
	v8 =	vand.u32 $0xFFFF0000, v8;
	v23 =	vshll.u32 v11, $0x10  }
0xa0: {  	v16 =	vld [tilespmem:s31+$0x1380];
	v11 =	vand.u32 $0xFFFF0000, v11;
	v20 =	vmul.f32 $2.000000030e-01, v12;
	v18 =	vadd.f32 v18, v23  }
0xa1: {  	v22 =	vmul.f32 $2.000000030e-01, v7;
	v9 =	vadd.f32 v9, v11;
	v14 =	vadd.f32 v19, v14  }
0xa2: {  	s0 =	simm.s32 $0x7CE0;
	v8 =	vadd.f32 v13, v8;
	v13 =	vshll.u32 v10, $0x10;
	v12 =	vmax.f32 v12, v20  }
0xa3: {  	v37 =	vshll.u32 v15, $0x10;
	v15 =	vand.u32 $0xFFFF0000, v15;
	v7 =	vmax.f32 v7, v22;
	[tilespmem:s0+$0x80] =	vst v12  }
0xa4: {  	v10 =	vand.u32 $0xFFFF0000, v10;
	v19 =	vadd.f32 v37, v21;
	v15 =	vadd.f32 v15, v17;
	v12 =	vld [tilespmem:s16+$0xFFFFEBB0];
	[tilespmem:s0+$0xC0] =	vst v7  }
0xa5: {  	v17 =	vshll.u32 v3, $0x10;
	v7 =	vshll.u32 v16, $0x10;
	v11 =	vand.u32 $0xFFFF0000, v16;
	v16 =	vld [tilespmem:s31+$0xFFFFEC50]  }
0xa6: {  	v3 =	vand.u32 $0xFFFF0000, v3;
	v13 =	vadd.f32 v13, v14;
	v8 =	vadd.f32 v10, v8;
	v38 =	vld [tilespmem:s31+$0x50]  }
0xa7: {  	v7 =	vadd.f32 v7, v18;
	v3 =	vadd.f32 v3, v15  }
0xa8: {  	[tilespmem:s19+$0xFFFFFFA0] =	vst v5;
	v9 =	vadd.f32 v11, v9;
	v11 =	vld [tilespmem:s31+$0x1450];
	v14 =	vadd.f32 v17, v19  }
0xa9: {  	[tilespmem:s19+$0x20] =	vst v6;
	v19 =	vmul.f32 $2.000000030e-01, v13;
	v40 =	vmul.f32 $2.000000030e-01, v3;
	v18 =	vshll.u32 v12, $0x10  }
0xaa: {  	[tilespmem:s19+$0x60] =	vst v2;
	v10 =	vand.u32 $0xFFFF0000, v12;
	v12 =	vmul.f32 $2.000000030e-01, v7;
	v15 =	vshll.u32 v16, $0x10  }
0xab: {  	[tilespmem:s19+$0xFFFFFFE0] =	vst v4;
	v41 =	vld [tilespmem:s16+$0x30];
	v17 =	vshll.u32 v38, $0x10;
	v5 =	vand.u32 $0xFFFF0000, v16;
	v16 =	vand.u32 $0xFFFF0000, v38  }
0xac: {  	v47 =	vld [tilespmem:s16+$0x13F0];
	v3 =	vmax.f32 v3, v40;
	v15 =	vadd.f32 v17, v15;
	v5 =	vadd.f32 v16, v5  }
0xad: {  	v4 =	vld [tilespmem:s16+$0xFFFFFFB0];
	v17 =	vmul.f32 $2.000000030e-01, v9;
	v16 =	vshll.u32 v11, $0x10;
	v11 =	vand.u32 $0xFFFF0000, v11  }
0xae: {  	v2 =	vld [tilespmem:s16+$0xFFFFFFF0];
	[tilespmem:s0+$0x40] =	vst v3;
	v7 =	vmax.f32 v7, v12;
	v15 =	vadd.f32 v16, v15;
	v5 =	vadd.f32 v11, v5  }
0xaf: {  	v6 =	vld [tilespmem:s16+$0xFFFFEBF0];
	v39 =	vmul.f32 $2.000000030e-01, v14;
	[tilespmem:s0+$0xFFFFFF00] =	vst v7;
	v7 =	vmax.f32 v13, v19;
	v16 =	vmul.f32 $2.000000030e-01, v8  }
0xb0: {  	v11 =	vld [tilespmem:s16+$0xFFFFEC30];
	v9 =	vmax.f32 v9, v17;
	[tilespmem:s0+$0xFFFFFF80] =	vst v7;
	v12 =	vmul.f32 $2.000000030e-01, v15;
	v13 =	vmul.f32 $2.000000030e-01, v5  }
0xb1: {  	v50 =	vshll.u32 v47, $0x10;
	v17 =	vld [tilespmem:s16+$0x13B0];
	v7 =	vand.u32 $0xFFFF0000, v41;
	[tilespmem:s0+$0xFFFFFF40] =	vst v9;
	v8 =	vmax.f32 v8, v16  }
0xb2: {  	v9 =	vmax.f32 v14, v39;
	v14 =	vld [tilespmem:s31+$0xFFFFEB90];
	[tilespmem:s0+$0xFFFFFFC0] =	vst v8;
	v12 =	vmax.f32 v15, v12;
	v5 =	vmax.f32 v5, v13  }
0xb3: {  	v13 =	vld [tilespmem:s31+$0xFFFFFF90];
	v15 =	vshll.u32 v2, $0x10;
	v2 =	vand.u32 $0xFFFF0000, v2;
	[tilespmem:s0+$0x90] =	vst v12;
	v12 =	vshll.u32 v4, $0x10  }
0xb4: {  	v3 =	vld [tilespmem:s31+$0xFFFFFFD0];
	v4 =	vand.u32 $0xFFFF0000, v4;
	[tilespmem:s0+$0xD0] =	vst v5;
	v5 =	vshll.u32 v6, $0x10;
	v6 =	vand.u32 $0xFFFF0000, v6  }
0xb5: {  	v19 =	vshll.u32 v11, $0x10;
	v11 =	vand.u32 $0xFFFF0000, v11;
	v16 =	vld [tilespmem:s31+$0xFFFFEC60];
	v12 =	vadd.f32 v12, v18  }
0xb6: {  	v42 =	vld [tilespmem:s31+$0x60];
	v18 =	vshll.u32 v41, $0x10;
	v4 =	vadd.f32 v4, v10;
	v5 =	vadd.f32 v15, v5  }
0xb7: {  	v15 =	vadd.f32 v2, v6;
	v2 =	vld [tilespmem:s31+$0xFFFFEBD0];
	v7 =	vadd.f32 v7, v11;
	v8 =	vshll.u32 v14, $0x10  }
0xb8: {  	[tilespmem:s0+$0x0] =	vst v9;
	v10 =	vand.u32 $0xFFFF0000, v14;
	v14 =	vld [tilespmem:s31+$0x1460];
	v6 =	vshll.u32 v13, $0x10;
	v9 =	vand.u32 $0xFFFF0000, v13  }
0xb9: {  	v13 =	vadd.f32 v18, v19;
	v18 =	vshll.u32 v17, $0x10;
	v45 =	vshll.u32 v3, $0x10  }
0xba: {  	v43 =	vld [tilespmem:s31+$0x1390];
	v3 =	vand.u32 $0xFFFF0000, v3;
	v6 =	vadd.f32 v6, v8;
	v8 =	vadd.f32 v9, v10  }
0xbb: {  	v10 =	vand.u32 $0xFFFF0000, v17;
	v17 =	vshll.u32 v16, $0x10;
	v19 =	vshll.u32 v42, $0x10  }
0xbc: {  	v9 =	vld [tilespmem:s31+$0xFFFFEC10];
	v16 =	vand.u32 $0xFFFF0000, v16;
	v20 =	vand.u32 $0xFFFF0000, v42;
	v17 =	vadd.f32 v19, v17  }
0xbd: {  	v44 =	vshll.u32 v2, $0x10;
	v19 =	vld [tilespmem:s31+$0x10];
	v11 =	vadd.f32 v20, v16;
	v16 =	vshll.u32 v14, $0x10  }
0xbe: {  	v2 =	vand.u32 $0xFFFF0000, v2;
	v14 =	vand.u32 $0xFFFF0000, v14;
	v16 =	vadd.f32 v16, v17  }
0xbf: {  	v21 =	vadd.f32 v45, v44;
	v20 =	vand.u32 $0xFFFF0000, v43;
	v17 =	vld [tilespmem:s31+$0x13D0];
	v11 =	vadd.f32 v14, v11  }
0xc0: {  	v2 =	vadd.f32 v3, v2;
	v8 =	vadd.f32 v20, v8;
	v14 =	vld [tilespmem:s31+$0x1410];
	v24 =	vmul.f32 $2.000000030e-01, v16  }
0xc1: {  	v46 =	vshll.u32 v9, $0x10;
	v9 =	vand.u32 $0xFFFF0000, v9;
	v25 =	vmul.f32 $2.000000030e-01, v11  }
0xc2: {  	v26 =	vshll.u32 v19, $0x10;
	v19 =	vand.u32 $0xFFFF0000, v19;
	v16 =	vmax.f32 v16, v24  }
0xc3: {  	v3 =	vadd.f32 v26, v46;
	v11 =	vmax.f32 v11, v25;
	v9 =	vadd.f32 v19, v9;
	[tilespmem:s0+$0xA0] =	vst v16  }
0xc4: {  	v19 =	vshll.u32 v43, $0x10;
	v16 =	vld [tilespmem:s16+$0x1430];
	[tilespmem:s0+$0xE0] =	vst v11;
	v11 =	vshll.u32 v17, $0x10;
	v17 =	vand.u32 $0xFFFF0000, v17  }
0xc5: {  	v48 =	vshll.u32 v14, $0x10;
	v14 =	vand.u32 $0xFFFF0000, v14;
	v6 =	vadd.f32 v19, v6;
	v49 =	vld [tilespmem:s31+$0xFFFFEC70]  }
0xc6: {  	v19 =	vld [tilespmem:s31+$0x70];
	v11 =	vadd.f32 v11, v21;
	v2 =	vadd.f32 v17, v2;
	v17 =	vand.u32 $0xFFFF0000, v47  }
0xc7: {  	v9 =	vadd.f32 v14, v9;
	v14 =	vmul.f32 $2.000000030e-01, v8;
	v51 =	vmul.f32 $2.000000030e-01, v6  }
0xc8: {  	v3 =	vadd.f32 v48, v3;
	v53 =	vmul.f32 $2.000000030e-01, v11;
	v55 =	vmul.f32 $2.000000030e-01, v2  }
0xc9: {  	v52 =	vld [tilespmem:s31+$0x1470];
	v8 =	vmax.f32 v8, v14;
	v57 =	vmul.f32 $2.000000030e-01, v9;
	v6 =	vmax.f32 v6, v51  }
0xca: {  	v54 =	vshll.u32 v16, $0x10;
	[tilespmem:s0+$0xFFFFFF10] =	vst v6;
	v6 =	vmul.f32 $2.000000030e-01, v3;
	v11 =	vmax.f32 v11, v53  }
0xcb: {  	[tilespmem:s0+$0xFFFFFF50] =	vst v8;
	v2 =	vmax.f32 v2, v55;
	v56 =	vand.u32 $0xFFFF0000, v49;
	v14 =	vand.u32 $0xFFFF0000, v19  }
0xcc: {  	v58 =	vld [tilespmem:s31+$0xFFFFEBA0];
	[tilespmem:s0+$0xFFFFFFD0] =	vst v2;
	v2 =	vshll.u32 v19, $0x10;
	v3 =	vmax.f32 v3, v6;
	v6 =	vshll.u32 v49, $0x10  }
0xcd: {  	v9 =	vmax.f32 v9, v57;
	[tilespmem:s0+$0xFFFFFF90] =	vst v11;
	v11 =	vld [tilespmem:s31+$0xFFFFFFA0];
	v14 =	vadd.f32 v14, v56;
	v59 =	vadd.f32 v2, v6  }
0xce: {  	v8 =	vand.u32 $0xFFFF0000, v52;
	[tilespmem:s0+$0x50] =	vst v9;
	v19 =	vld [tilespmem:s31+$0xFFFFEBE0];
	v6 =	vadd.f32 v18, v12;
	v2 =	vadd.f32 v10, v4  }
0xcf: {  	[tilespmem:s0+$0x10] =	vst v3;
	v12 =	vand.u32 $0xFFFF0000, v16;
	v16 =	vld [tilespmem:s31+$0xFFFFFFE0];
	v3 =	vadd.f32 v50, v5;
	v8 =	vadd.f32 v8, v14  }
0xd0: {  	v5 =	vadd.f32 v17, v15;
	v4 =	vadd.f32 v54, v13;
	v9 =	vld [tilespmem:s31+$0xFFFFEC20]  }
0xd1: {  	v14 =	vshll.u32 v52, $0x10;
	v15 =	vld [tilespmem:s31+$0x20];
	v7 =	vadd.f32 v12, v7;
	v60 =	vmul.f32 $2.000000030e-01, v8  }
0xd2: {  	v12 =	vld [tilespmem:s31+$0x13A0];
	v10 =	vshll.u32 v58, $0x10;
	v13 =	vand.u32 $0xFFFF0000, v58;
	v17 =	vshll.u32 v11, $0x10  }
0xd3: {  	v61 =	vld [tilespmem:s31+$0x1420];
	v11 =	vand.u32 $0xFFFF0000, v11;
	v10 =	vadd.f32 v17, v10;
	v17 =	vshll.u32 v19, $0x10  }
0xd4: {  	v19 =	vand.u32 $0xFFFF0000, v19;
	v11 =	vadd.f32 v11, v13;
	v18 =	vmax.f32 v8, v60  }
0xd5: {  	v8 =	vadd.f32 v14, v59;
	v14 =	vld [tilespmem:s31+$0x13E0];
	v13 =	vshll.u32 v16, $0x10;
	v16 =	vand.u32 $0xFFFF0000, v16  }
0xd6: {  	v13 =	vadd.f32 v13, v17;
	v17 =	vshll.u32 v9, $0x10;
	v9 =	vand.u32 $0xFFFF0000, v9  }
0xd7: {  	v16 =	vadd.f32 v16, v19;
	v19 =	vshll.u32 v15, $0x10;
	v15 =	vand.u32 $0xFFFF0000, v15  }
0xd8: {  	v62 =	vshll.u32 v12, $0x10;
	v20 =	vand.u32 $0xFFFF0000, v61;
	v17 =	vadd.f32 v19, v17  }
0xd9: {  	v19 =	vadd.f32 v15, v9;
	v9 =	vand.u32 $0xFFFF0000, v12;
	v21 =	vadd.f32 v62, v10  }
0xda: {  	v10 =	vshll.u32 v61, $0x10;
	v11 =	vadd.f32 v9, v11;
	v12 =	vshll.u32 v14, $0x10  }
0xdb: {  	v9 =	vmul.f32 $2.000000030e-01, v6;
	v14 =	vand.u32 $0xFFFF0000, v14;
	v12 =	vadd.f32 v12, v13  }
0xdc: {  	[tilespmem:s19+$0xF0] =	vst v0;
	v63 =	vmul.f32 $2.000000030e-01, v21;
	v10 =	vadd.f32 v10, v17;
	v13 =	vadd.f32 v14, v16  }
0xdd: {  	[tilespmem:s19+$0xB0] =	vst v1;
	v0 =	vadd.f32 v20, v19;
	v14 =	vmul.f32 $2.000000030e-01, v11;
	v15 =	vmul.f32 $2.000000030e-01, v12  }
0xde: {  	s1 =	simm.s32 $0x4;
	s16 =	simm.s32 $0x1860;
	[tilespmem:s0+$0xF0] =	vst v18;
	v17 =	vmax.f32 v21, v63;
	v1 =	vmul.f32 $2.000000030e-01, v10;
	v16 =	vmul.f32 $2.000000030e-01, v13  }
.LBB2_3:
0xdf: {  	v18 =	vld [tilespmem:s16+$0xFFFFEC40];
	[tilespmem:s0+$0xFFFFFF20] =	vst v17;
	v11 =	vmax.f32 v11, v14;
	v12 =	vmax.f32 v12, v15;
	v14 =	vmul.f32 $2.000000030e-01, v0  }
0xe0: {  	v15 =	vld [tilespmem:s16+$0x40];
	[tilespmem:s0+$0xFFFFFF60] =	vst v11;
	v11 =	vmax.f32 v13, v16;
	v1 =	vmax.f32 v10, v1;
	v10 =	vmul.f32 $2.000000030e-01, v2  }
0xe1: {  	v13 =	vld [tilespmem:s16+$0xFFFFFF80];
	[tilespmem:s0+$0xFFFFFFA0] =	vst v12;
	v0 =	vmax.f32 v0, v14;
	v12 =	vmul.f32 $2.000000030e-01, v3;
	v14 =	vmul.f32 $2.000000030e-01, v5  }
0xe2: {  	v6 =	vmax.f32 v6, v9;
	v9 =	vmul.f32 $2.000000030e-01, v4;
	v16 =	vld [tilespmem:s16+$0x1440];
	[tilespmem:s0+$0xFFFFFFE0] =	vst v11;
	v11 =	vmul.f32 $2.000000030e-01, v7  }
0xe3: {  	v2 =	vmax.f32 v2, v10;
	v17 =	vld [tilespmem:s16+$0xFFFFEBC0];
	[tilespmem:s0+$0x20] =	vst v1;
	v1 =	vmul.f32 $2.000000030e-01, v8;
	v3 =	vmax.f32 v3, v12  }
0xe4: {  	v4 =	vmax.f32 v4, v9;
	v10 =	vld [tilespmem:s16+$0xFFFFFFC0];
	[tilespmem:s0+$0x60] =	vst v0;
	v0 =	vmax.f32 v5, v14;
	v5 =	vmax.f32 v7, v11  }
0xe5: {  	v9 =	vshll.u32 v18, $0x10;
	v7 =	vld [tilespmem:s16+$0xFFFFEC00];
	v11 =	vshll.u32 v15, $0x10;
	v1 =	vmax.f32 v8, v1;
	[tilespmem:s19+$0xFFFFFF30] =	vst v6  }
0xe6: {  	s1 =	sadd.s32 $0x4, s1;
	v8 =	vand.u32 $0xFFFF0000, v18;
	v12 =	vand.u32 $0xFFFF0000, v15;
	v6 =	vld [tilespmem:s16+$0x0];
	v9 =	vadd.f32 v11, v9;
	[tilespmem:s19+$0xFFFFFF70] =	vst v2  }
0xe7: {  	p0 =	slt.u32 s1, $0x4C;
	v11 =	vshll.u32 v13, $0x10;
	v8 =	vadd.f32 v12, v8;
	v2 =	vld [tilespmem:s16+$0xFFFFEB80];
	v12 =	vshll.u32 v16, $0x10;
	[tilespmem:s19+$0xFFFFFFB0] =	vst v3  }
0xe8: {  	v13 =	vand.u32 $0xFFFF0000, v13;
	v14 =	vand.u32 $0xFFFF0000, v16;
	v3 =	vld [tilespmem:s16+$0x1380];
	v9 =	vadd.f32 v12, v9;
	[tilespmem:s19+$0xFFFFFFF0] =	vst v0  }
0xe9: {  	v12 =	vshll.u32 v17, $0x10;
	v15 =	vand.u32 $0xFFFF0000, v17;
	v8 =	vadd.f32 v14, v8;
	v0 =	vld [tilespmem:s16+$0x13C0];
	[tilespmem:s19+$0x30] =	vst v4  }
0xea: {  	v4 =	vshll.u32 v10, $0x10;
	v10 =	vand.u32 $0xFFFF0000, v10;
	v14 =	vld [tilespmem:s16+$0x1400];
	v16 =	vmul.f32 $2.000000030e-01, v9;
	[tilespmem:s19+$0x70] =	vst v5;
	s19 =	smov.u32 s0  }
0xeb: {  	v5 =	vshll.u32 v7, $0x10;
	v7 =	vand.u32 $0xFFFF0000, v7;
	v17 =	vmul.f32 $2.000000030e-01, v8;
	v18 =	vld [tilespmem:s31+$0xFFFFEBB0];
	[tilespmem:s0+$0xB0] =	vst v1  }
0xec: {  	s0 =	sadd.s32 $0x200, s0;
	v1 =	vshll.u32 v2, $0x10;
	v2 =	vand.u32 $0xFFFF0000, v2;
	v9 =	vmax.f32 v9, v16;
	v16 =	vld [tilespmem:s31+$0xFFFFFFB0]  }
0xed: {  	v19 =	vshll.u32 v6, $0x10;
	v6 =	vand.u32 $0xFFFF0000, v6;
	v8 =	vmax.f32 v8, v17;
	[tilespmem:s0+$0x80] =	vst v9;
	v9 =	vld [tilespmem:s31+$0xFFFFEBF0]  }
0xee: {  	v1 =	vadd.f32 v11, v1;
	v2 =	vadd.f32 v13, v2;
	v11 =	vshll.u32 v3, $0x10;
	[tilespmem:s0+$0xC0] =	vst v8;
	v8 =	vld [tilespmem:s31+$0xFFFFFFF0]  }
0xef: {  	v4 =	vadd.f32 v4, v12;
	v10 =	vadd.f32 v10, v15;
	v3 =	vand.u32 $0xFFFF0000, v3;
	v12 =	vld [tilespmem:s16+$0xFFFFEC50]  }
0xf0: {  	v5 =	vadd.f32 v19, v5;
	v6 =	vadd.f32 v6, v7;
	v13 =	vshll.u32 v0, $0x10;
	v7 =	vld [tilespmem:s16+$0x50]  }
0xf1: {  	v0 =	vand.u32 $0xFFFF0000, v0;
	v15 =	vshll.u32 v14, $0x10;
	v14 =	vand.u32 $0xFFFF0000, v14;
	v17 =	vld [tilespmem:s31+$0xFFFFEC30]  }
0xf2: {  	v11 =	vadd.f32 v11, v1;
	v2 =	vadd.f32 v3, v2;
	v19 =	vshll.u32 v18, $0x10;
	v3 =	vld [tilespmem:s16+$0x1450]  }
0xf3: {  	v4 =	vadd.f32 v13, v4;
	v10 =	vadd.f32 v0, v10;
	v13 =	vand.u32 $0xFFFF0000, v18;
	v18 =	vld [tilespmem:s31+$0x30]  }
0xf4: {  	v5 =	vadd.f32 v15, v5;
	v6 =	vadd.f32 v14, v6;
	v20 =	vmul.f32 $2.000000030e-01, v11;
	v14 =	vld [tilespmem:s31+$0x13B0]  }
0xf5: {  	v15 =	vmul.f32 $2.000000030e-01, v2;
	v0 =	vshll.u32 v12, $0x10;
	v21 =	vshll.u32 v7, $0x10;
	v1 =	vld [tilespmem:s31+$0x13F0]  }
0xf6: {  	v12 =	vand.u32 $0xFFFF0000, v12;
	v7 =	vand.u32 $0xFFFF0000, v7;
	v21 =	vadd.f32 v21, v0;
	v0 =	vld [tilespmem:s31+$0x1430];
	s31 =	smov.u32 s16  }
0xf7: {  	v22 =	vmul.f32 $2.000000030e-01, v4;
	v7 =	vadd.f32 v7, v12;
	v12 =	vshll.u32 v3, $0x10  }
0xf8: {  	v23 =	vmul.f32 $2.000000030e-01, v10;
	v3 =	vand.u32 $0xFFFF0000, v3;
	v12 =	vadd.f32 v12, v21  }
0xf9: {  	v24 =	vmul.f32 $2.000000030e-01, v6;
	v21 =	vmul.f32 $2.000000030e-01, v5;
	v3 =	vadd.f32 v3, v7  }
0xfa: {  	v2 =	vmax.f32 v2, v15;
	v7 =	vmax.f32 v11, v20;
	v11 =	vmul.f32 $2.000000030e-01, v12  }
0xfb: {  	v4 =	vmax.f32 v4, v22;
	[tilespmem:s0+$0xFFFFFF00] =	vst v7;
	v7 =	vmax.f32 v10, v23;
	v10 =	vmul.f32 $2.000000030e-01, v3  }
0xfc: {  	v6 =	vmax.f32 v6, v24;
	v5 =	vmax.f32 v5, v21;
	[tilespmem:s0+$0xFFFFFF40] =	vst v2;
	v2 =	vmax.f32 v12, v11  }
0xfd: {  	v11 =	vld [tilespmem:s16+$0xFFFFEB90];
	[tilespmem:s0+$0x90] =	vst v2;
	v2 =	vmax.f32 v3, v10;
	v3 =	vshll.u32 v16, $0x10;
	v10 =	vand.u32 $0xFFFF0000, v16  }
0xfe: {  	v15 =	vshll.u32 v9, $0x10;
	v9 =	vand.u32 $0xFFFF0000, v9;
	v16 =	vshll.u32 v8, $0x10;
	v12 =	vld [tilespmem:s16+$0xFFFFFF90];
	[tilespmem:s0+$0xD0] =	vst v2  }
0xff: {  	v20 =	vshll.u32 v17, $0x10;
	v17 =	vand.u32 $0xFFFF0000, v17;
	v8 =	vand.u32 $0xFFFF0000, v8;
	[tilespmem:s0+$0xFFFFFF80] =	vst v4;
	v4 =	vld [tilespmem:s16+$0xFFFFEC60]  }
0x100: {  	v2 =	vadd.f32 v3, v19;
	v3 =	vshll.u32 v18, $0x10;
	v18 =	vand.u32 $0xFFFF0000, v18;
	[tilespmem:s0+$0xFFFFFFC0] =	vst v7;
	v7 =	vld [tilespmem:s16+$0x60]  }
0x101: {  	v19 =	vld [tilespmem:s16+$0xFFFFEBD0];
	[tilespmem:s0+$0x0] =	vst v5;
	v5 =	vadd.f32 v10, v13;
	v10 =	vshll.u32 v14, $0x10;
	v13 =	vadd.f32 v16, v15  }
0x102: {  	v8 =	vadd.f32 v8, v9;
	v15 =	vshll.u32 v11, $0x10;
	v11 =	vand.u32 $0xFFFF0000, v11;
	[tilespmem:s0+$0x40] =	vst v6;
	v6 =	vld [tilespmem:s16+$0x1460]  }
0x103: {  	v20 =	vadd.f32 v3, v20;
	v9 =	vshll.u32 v12, $0x10;
	v12 =	vand.u32 $0xFFFF0000, v12;
	v16 =	vld [tilespmem:s16+$0xFFFFFFD0]  }
0x104: {  	v3 =	vadd.f32 v9, v15;
	v9 =	vadd.f32 v12, v11;
	v11 =	vld [tilespmem:s16+$0xFFFFEC10];
	v12 =	vand.u32 $0xFFFF0000, v14  }
0x105: {  	v17 =	vadd.f32 v18, v17;
	v15 =	vshll.u32 v4, $0x10;
	v14 =	vld [tilespmem:s16+$0x10];
	v21 =	vshll.u32 v7, $0x10  }
0x106: {  	v4 =	vand.u32 $0xFFFF0000, v4;
	v7 =	vand.u32 $0xFFFF0000, v7;
	v18 =	vld [tilespmem:s16+$0x1390];
	v15 =	vadd.f32 v21, v15  }
0x107: {  	v22 =	vshll.u32 v19, $0x10;
	v4 =	vadd.f32 v7, v4;
	v21 =	vld [tilespmem:s16+$0x13D0];
	v7 =	vshll.u32 v6, $0x10  }
0x108: {  	v19 =	vand.u32 $0xFFFF0000, v19;
	v6 =	vand.u32 $0xFFFF0000, v6;
	v23 =	vld [tilespmem:s16+$0x1410];
	v7 =	vadd.f32 v7, v15  }
0x109: {  	v15 =	vshll.u32 v16, $0x10;
	v16 =	vand.u32 $0xFFFF0000, v16;
	v4 =	vadd.f32 v6, v4  }
0x10a: {  	v6 =	vshll.u32 v11, $0x10;
	v11 =	vand.u32 $0xFFFF0000, v11;
	v24 =	vmul.f32 $2.000000030e-01, v7  }
0x10b: {  	v25 =	vshll.u32 v14, $0x10;
	v14 =	vand.u32 $0xFFFF0000, v14;
	v26 =	vmul.f32 $2.000000030e-01, v4  }
0x10c: {  	v15 =	vadd.f32 v15, v22;
	v16 =	vadd.f32 v16, v19;
	v7 =	vmax.f32 v7, v24  }
0x10d: {  	v6 =	vadd.f32 v25, v6;
	v11 =	vadd.f32 v14, v11;
	v4 =	vmax.f32 v4, v26;
	[tilespmem:s0+$0xA0] =	vst v7  }
0x10e: {  	v14 =	vand.u32 $0xFFFF0000, v18;
	v7 =	vshll.u32 v18, $0x10;
	v18 =	vshll.u32 v21, $0x10;
	[tilespmem:s0+$0xE0] =	vst v4  }
0x10f: {  	v19 =	vshll.u32 v23, $0x10;
	v4 =	vand.u32 $0xFFFF0000, v21;
	v21 =	vand.u32 $0xFFFF0000, v23;
	v22 =	vld [tilespmem:s16+$0xFFFFEC70]  }
0x110: {  	v3 =	vadd.f32 v7, v3;
	v7 =	vadd.f32 v14, v9;
	v14 =	vshll.u32 v1, $0x10;
	v9 =	vld [tilespmem:s16+$0x70]  }
0x111: {  	v15 =	vadd.f32 v18, v15;
	v1 =	vand.u32 $0xFFFF0000, v1;
	v4 =	vadd.f32 v4, v16  }
0x112: {  	v6 =	vadd.f32 v19, v6;
	v11 =	vadd.f32 v21, v11;
	v16 =	vmul.f32 $2.000000030e-01, v3;
	v18 =	vld [tilespmem:s16+$0x1470]  }
0x113: {  	v23 =	vshll.u32 v0, $0x10;
	v19 =	vmul.f32 $2.000000030e-01, v7;
	v21 =	vmul.f32 $2.000000030e-01, v15  }
0x114: {  	v24 =	vmul.f32 $2.000000030e-01, v6;
	v3 =	vmax.f32 v3, v16;
	v16 =	vmul.f32 $2.000000030e-01, v4  }
0x115: {  	v25 =	vand.u32 $0xFFFF0000, v22;
	[tilespmem:s0+$0xFFFFFF10] =	vst v3;
	v3 =	vmul.f32 $2.000000030e-01, v11;
	v26 =	vand.u32 $0xFFFF0000, v9  }
0x116: {  	v7 =	vmax.f32 v7, v19;
	v15 =	vmax.f32 v15, v21;
	v19 =	vadd.f32 v26, v25  }
0x117: {  	v6 =	vmax.f32 v6, v24;
	v4 =	vmax.f32 v4, v16;
	[tilespmem:s0+$0xFFFFFF50] =	vst v7;
	v7 =	vand.u32 $0xFFFF0000, v18  }
0x118: {  	v3 =	vmax.f32 v11, v3;
	v11 =	vshll.u32 v22, $0x10;
	v16 =	vld [tilespmem:s16+$0xFFFFEBA0];
	[tilespmem:s0+$0xFFFFFF90] =	vst v15;
	v7 =	vadd.f32 v7, v19  }
0x119: {  	v0 =	vand.u32 $0xFFFF0000, v0;
	v15 =	vld [tilespmem:s16+$0xFFFFFFA0];
	[tilespmem:s0+$0xFFFFFFD0] =	vst v4;
	v4 =	vshll.u32 v9, $0x10;
	v9 =	vshll.u32 v18, $0x10  }
0x11a: {  	v18 =	vld [tilespmem:s16+$0xFFFFEBE0];
	[tilespmem:s0+$0x10] =	vst v6;
	v11 =	vadd.f32 v4, v11;
	v4 =	vmul.f32 $2.000000030e-01, v7;
	v6 =	vadd.f32 v10, v2  }
0x11b: {  	v2 =	vadd.f32 v12, v5;
	v10 =	vld [tilespmem:s16+$0xFFFFFFE0];
	[tilespmem:s0+$0x50] =	vst v3;
	v3 =	vadd.f32 v14, v13  }
0x11c: {  	v5 =	vadd.f32 v1, v8;
	v12 =	vld [tilespmem:s16+$0xFFFFEC20];
	v7 =	vmax.f32 v7, v4;
	v4 =	vadd.f32 v23, v20  }
0x11d: {  	v1 =	vshll.u32 v16, $0x10;
	v13 =	vand.u32 $0xFFFF0000, v16;
	v14 =	vld [tilespmem:s16+$0x20];
	[tilespmem:s0+$0xF0] =	vst v7;
	v7 =	vadd.f32 v0, v17  }
0x11e: {  	v8 =	vadd.f32 v9, v11;
	v0 =	vld [tilespmem:s16+$0x13A0];
	v16 =	vshll.u32 v15, $0x10;
	v15 =	vand.u32 $0xFFFF0000, v15  }
0x11f: {  	v1 =	vadd.f32 v16, v1;
	v9 =	vld [tilespmem:s16+$0x13E0];
	v11 =	vshll.u32 v18, $0x10;
	v16 =	vand.u32 $0xFFFF0000, v18  }
0x120: {  	v13 =	vadd.f32 v15, v13;
	v15 =	vshll.u32 v10, $0x10;
	v10 =	vand.u32 $0xFFFF0000, v10;
	v17 =	vld [tilespmem:s16+$0x1420]  }
0x121: {  	v15 =	vadd.f32 v15, v11;
	v11 =	vshll.u32 v12, $0x10;
	v12 =	vand.u32 $0xFFFF0000, v12  }
0x122: {  	v10 =	vadd.f32 v10, v16;
	v16 =	vshll.u32 v14, $0x10;
	v14 =	vand.u32 $0xFFFF0000, v14  }
0x123: {  	v18 =	vshll.u32 v0, $0x10;
	v16 =	vadd.f32 v16, v11;
	v19 =	vadd.f32 v14, v12  }
0x124: {  	v0 =	vand.u32 $0xFFFF0000, v0;
	v12 =	vshll.u32 v9, $0x10;
	v14 =	vand.u32 $0xFFFF0000, v9  }
.Ltmp0:
0x125: {  	v1 =	vadd.f32 v18, v1;
	v18 =	vshll.u32 v17, $0x10;
	v17 =	vand.u32 $0xFFFF0000, v17;
	(pc) =	sbr.rel @p0 .LBB2_3-.Ltmp0, $4  }
0x126: {  	v11 =	vadd.f32 v0, v13;
	v9 =	vmul.f32 $2.000000030e-01, v6;
	v12 =	vadd.f32 v12, v15  }
0x127: {  	v13 =	vadd.f32 v14, v10;
	v20 =	vmul.f32 $2.000000030e-01, v1;
	v10 =	vadd.f32 v18, v16  }
0x128: {  	v14 =	vmul.f32 $2.000000030e-01, v11;
	v0 =	vadd.f32 v17, v19;
	v15 =	vmul.f32 $2.000000030e-01, v12  }
0x129: {  	s16 =	sadd.s32 $0x100, s16;
	v16 =	vmul.f32 $2.000000030e-01, v13;
	v17 =	vmax.f32 v1, v20;
	v1 =	vmul.f32 $2.000000030e-01, v10  }
0x12a: {  	[tilespmem:s0+$0xFFFFFF20] =	vst v17;
	v11 =	vmax.f32 v11, v14  }
0x12b: {  	v12 =	vmax.f32 v12, v15;
	[tilespmem:s0+$0xFFFFFF60] =	vst v11  }
0x12c: {  	v14 =	vmul.f32 $2.000000030e-01, v3;
	v13 =	vmax.f32 v13, v16;
	[tilespmem:s0+$0xFFFFFFA0] =	vst v12;
	v12 =	vld [tilespmem:s31+$0xFFFFEBB0]  }
0x12d: {  	v15 =	vmul.f32 $2.000000030e-01, v4;
	[tilespmem:s0+$0xFFFFFFE0] =	vst v13;
	v13 =	vld [tilespmem:s31+$0xFFFFFFB0]  }
0x12e: {  	v11 =	vmul.f32 $2.000000030e-01, v0;
	v1 =	vmax.f32 v10, v1;
	v3 =	vmax.f32 v3, v14;
	v14 =	vld [tilespmem:s31+$0x13B0]  }
0x12f: {  	v6 =	vmax.f32 v6, v9;
	v9 =	vmul.f32 $2.000000030e-01, v7;
	v10 =	vmul.f32 $2.000000030e-01, v2;
	[tilespmem:s0+$0x20] =	vst v1;
	v1 =	vld [tilespmem:s31+$0xFFFFEBF0]  }
0x130: {  	v16 =	vmul.f32 $2.000000030e-01, v8;
	v0 =	vmax.f32 v0, v11;
	v11 =	vmul.f32 $2.000000030e-01, v5;
	v17 =	vld [tilespmem:s31+$0x13F0]  }
0x131: {  	v4 =	vmax.f32 v4, v15;
	v7 =	vmax.f32 v7, v9;
	[tilespmem:s0+$0x60] =	vst v0;
	v0 =	vld [tilespmem:s31+$0xFFFFFFF0]  }
0x132: {  	v2 =	vmax.f32 v2, v10;
	v8 =	vmax.f32 v8, v16;
	v5 =	vmax.f32 v5, v11;
	v10 =	vld [tilespmem:s31+$0xFFFFEC30]  }
0x133: {  	[tilespmem:s19+$0xFFFFFFB0] =	vst v3;
	v9 =	vld [tilespmem:s31+$0x30];
	v11 =	vshll.u32 v12, $0x10;
	v12 =	vand.u32 $0xFFFF0000, v12;
	v15 =	vshll.u32 v13, $0x10  }
0x134: {  	[tilespmem:s19+$0xFFFFFF70] =	vst v2;
	v13 =	vand.u32 $0xFFFF0000, v13;
	v2 =	vshll.u32 v14, $0x10;
	v3 =	vand.u32 $0xFFFF0000, v14  }
0x135: {  	v16 =	vshll.u32 v1, $0x10;
	v1 =	vand.u32 $0xFFFF0000, v1;
	v11 =	vadd.f32 v15, v11  }
0x136: {  	[tilespmem:s19+$0xFFFFFFF0] =	vst v5;
	v12 =	vadd.f32 v13, v12;
	v5 =	vshll.u32 v17, $0x10;
	v18 =	vshll.u32 v0, $0x10  }
0x137: {  	v15 =	vld [tilespmem:s31+$0x1430];
	v0 =	vand.u32 $0xFFFF0000, v0;
	v13 =	vshll.u32 v10, $0x10;
	v10 =	vand.u32 $0xFFFF0000, v10  }
0x138: {  	[tilespmem:s19+$0xFFFFFF30] =	vst v6;
	v6 =	vadd.f32 v18, v16;
	v16 =	vshll.u32 v9, $0x10;
	v0 =	vadd.f32 v0, v1  }
0x139: {  	v9 =	vand.u32 $0xFFFF0000, v9;
	v2 =	vadd.f32 v2, v11;
	v3 =	vadd.f32 v3, v12  }
0x13a: {  	v1 =	vadd.f32 v16, v13;
	v9 =	vadd.f32 v9, v10;
	v10 =	vand.u32 $0xFFFF0000, v17  }
0x13b: {  	[tilespmem:s19+$0x30] =	vst v4;
	v5 =	vadd.f32 v5, v6;
	v6 =	vmul.f32 $2.000000030e-01, v2;
	v0 =	vadd.f32 v10, v0  }
0x13c: {  	[tilespmem:s19+$0x70] =	vst v7;
	v10 =	vmul.f32 $2.000000030e-01, v3;
	v4 =	vshll.u32 v15, $0x10;
	v7 =	vand.u32 $0xFFFF0000, v15  }
0x13d: {  	[tilespmem:s0+$0xB0] =	vst v8;
	v1 =	vadd.f32 v4, v1;
	v4 =	vmul.f32 $2.000000030e-01, v5;
	v2 =	vmax.f32 v2, v6  }
0x13e: {  	v6 =	vadd.f32 v7, v9;
	v7 =	vmul.f32 $2.000000030e-01, v0;
	v3 =	vmax.f32 v3, v10;
	[tilespmem:s0+$0xFFFFFF30] =	vst v2  }
0x13f: {  	[tilespmem:s0+$0xFFFFFF70] =	vst v3;
	v2 =	vmul.f32 $2.000000030e-01, v1;
	v4 =	vmax.f32 v5, v4  }
0x140: {  	v3 =	vmul.f32 $2.000000030e-01, v6;
	v0 =	vmax.f32 v0, v7;
	[tilespmem:s0+$0xFFFFFFB0] =	vst v4  }
0x141: {  	s1 =	sadd.s32 s6, s17;
	[tilespmem:s0+$0xFFFFFFF0] =	vst v0;
	v1 =	vmax.f32 v1, v2  }
0x142: {  	s1 =	sshll.u32 s1, $0x4;
	v0 =	vmax.f32 v6, v3;
	[tilespmem:s0+$0x30] =	vst v1  }
0x143: {  	s1 =	sadd.s32 s2, s1;
	[tilespmem:s0+$0x70] =	vst v0  }
0x144: {  	[hbm4b:s1+s3] =	stream.linear.scatter [tilespmem:s14], [sflag:$0x5], $0x2800, $0x38;
	[tilespmem:$0xC9E0] =	vst v63  }
0x145: {  	_ =	swait.ge [sflag:s22], $0x50  }
0x146: {  	[sflag:s22] =	ssyncset.done $0x0  }
0x147: {  	[sflag:s22] =	ssyncadd.s32 $0xFFFFFFB0  }
0x148: {  	_ =	swait.ge [sflag:s22], $0x50  }
0x149: {  	[sflag:s22] =	ssyncset.done $0x0  }
0x14a: {  	[sflag:s22] =	ssyncadd.s32 $0xFFFFFFB0  }
0x14b: {  	_ =	swait.ge [sflag:s22], $0x50  }
0x14c: {  	[sflag:s22] =	ssyncset.done $0x0  }
0x14d: {  	[sflag:s22] =	ssyncadd.s32 $0xFFFFFFB0  }
0x14e: {  	[tilespmem:s23], [sflag:$0x3] =	stream.indirect.gather [hbm4b:s4+s20], $0x40, s3, s20, $0xb8;
	[tilespmem:$0xC9E0] =	vst v63  }
0x14f: {  	_ = 	snop  }
0x150: {  	[tilespmem:s24], [sflag:$0x3] =	stream.indirect.gather [hbm4b:s5+s20], $0x40, s20, s20, $0xb8;
	[tilespmem:$0xC9E0] =	vst v63  }
0x151: {  	_ = 	snop  }
0x152: {  	[tilespmem:s25], [sflag:$0x3] =	stream.indirect.gather [hbm4b:s7+s20], $0x40, s21, s20, $0xb8;
	[tilespmem:$0xC9E0] =	vst v63  }
0x153: {  	_ =	swait.ge [sflag:s15], $0x1400  }
0x154: {  	[sflag:s15] =	ssyncset.done $0x0  }
0x155: {  	[sflag:s15] =	ssyncadd.s32 $0xFFFFEC00  }
0x156: {  	_ =	swait.ge [sflag:s15], $0x1400  }
0x157: {  	p0 =	seq.s32 s10, $0x3D;
	[sflag:s15] =	ssyncset.done $0x0  }
0x158: {  	s0 =	sadd.s32 @!p0 $0xF0, s17;
	[sflag:s15] =	ssyncadd.s32 $0xFFFFEC00  }
0x159: {  	s1 =	sadd.s32 @!p0 s6, s0;
	_ =	swait.ge [sflag:s15], $0x1400  }
0x15a: {  	s16 =	simm.s32 @!p0 $0x0;
	s1 =	sshrl.u32 @!p0 s1, $0x3;
	[sflag:s15] =	ssyncset.done $0x0  }
0x15b: {  	s19 =	simm.s32 @!p0 $0xF0;
	s1 =	sadd.s32 @!p0 s8, s1;
	[sflag:s15] =	ssyncadd.s32 $0xFFFFEC00  }
0x15c: {  	[tilespmem:s19], [sflag:$0x2] =	stream.linear.gather @!p0 [hbm4b:s1+s16], $0x50, $0x38;
	[tilespmem:$0xC9E0] =	vst v63  }
0x15d: {  	s1 =	sadd.s32 @!p0 s9, s0  }
0x15e: {  	p1 =	seq.s32 @!p0 s10, $0x0;
	s0 =	sadd.s32 @!p0 s12, s0;
	s1 =	sshrl.u32 @!p0 s1, $0x3  }
0x15f: {  	s19 =	simm.s32 @!p0 $0x140;
	s0 =	sshrl.u32 @!p0 s0, $0x3;
	s1 =	sadd.s32 @!p0 s8, s1  }
0x160: {  	[tilespmem:s19], [sflag:$0x2] =	stream.linear.gather @!p0 [hbm4b:s1+s16], $0x50, $0x38;
	[tilespmem:$0xC9E0] =	vst v63  }
0x161: {  	p1 =	por p0, !p1;
	s0 =	sadd.s32 @!p0 s8, s0;
	s1 =	simm.s32 @!p0 $0x190  }
0x162: {  	[tilespmem:s1], [sflag:$0x2] =	stream.linear.gather @!p0 [hbm4b:s0+s16], $0x50, $0x38;
	[tilespmem:$0xC9E0] =	vst v63  }
0x163: {  	_ =	swait.ge @p1 [sflag:s18], $0x2800  }
0x164: {  	[sflag:s18] =	ssyncset.done @p1 $0x0  }
0x165: {  	s16 =	simm.s32 $0x5260;
	[sflag:s18] =	ssyncadd.s32 @p1 $0xFFFFD800  }
0x166: {  	v0 =	vld [tilespmem:s16+$0xFFFFEC40]  }
0x167: {  	v1 =	vld [tilespmem:s16+$0x40];
	_ =	sdelay $0x1  }
0x168: {  	v2 =	vld [tilespmem:s16+$0x1440];
	_ =	sdelay $0x2  }
0x169: {  	v3 =	vshll.u32 v0, $0x10;
	v4 =	vshll.u32 v1, $0x10  }
0x16a: {  	v0 =	vand.u32 $0xFFFF0000, v0;
	v1 =	vand.u32 $0xFFFF0000, v1;
	v3 =	vadd.f32 v4, v3  }
0x16b: {  	v5 =	vld [tilespmem:s16+$0xFFFFEBC0];
	v0 =	vadd.f32 v1, v0;
	v1 =	vshll.u32 v2, $0x10  }
0x16c: {  	v7 =	vld [tilespmem:s16+$0x0];
	v2 =	vand.u32 $0xFFFF0000, v2;
	v1 =	vadd.f32 v1, v3  }
0x16d: {  	v9 =	vld [tilespmem:s16+$0xFFFFEB80];
	v0 =	vadd.f32 v2, v0  }
0x16e: {  	v4 =	vld [tilespmem:s16+$0xFFFFFF80];
	v6 =	vmul.f32 $2.000000030e-01, v1  }
0x16f: {  	v3 =	vld [tilespmem:s16+$0xFFFFFFC0];
	v8 =	vmul.f32 $2.000000030e-01, v0  }
0x170: {  	s19 =	simm.s32 $0xA2E0;
	v2 =	vld [tilespmem:s16+$0xFFFFEC00];
	v1 =	vmax.f32 v1, v6  }
0x171: {  	v6 =	vld [tilespmem:s16+$0x1380];
	v0 =	vmax.f32 v0, v8;
	[tilespmem:s19+$0x80] =	vst v1  }
0x172: {  	v14 =	vshll.u32 v9, $0x10;
	v9 =	vand.u32 $0xFFFF0000, v9;
	v8 =	vld [tilespmem:s16+$0x13C0];
	[tilespmem:s19+$0xC0] =	vst v0  }
0x173: {  	v15 =	vshll.u32 v7, $0x10;
	v7 =	vand.u32 $0xFFFF0000, v7;
	v1 =	vshll.u32 v4, $0x10;
	v11 =	vld [tilespmem:s16+$0xFFFFEC50]  }
0x174: {  	v4 =	vand.u32 $0xFFFF0000, v4;
	v0 =	vshll.u32 v5, $0x10;
	v5 =	vand.u32 $0xFFFF0000, v5;
	v13 =	vld [tilespmem:s16+$0x50]  }
0x175: {  	v10 =	vshll.u32 v3, $0x10;
	v3 =	vand.u32 $0xFFFF0000, v3;
	v1 =	vadd.f32 v1, v14  }
0x176: {  	v12 =	vshll.u32 v2, $0x10;
	v4 =	vadd.f32 v4, v9;
	v9 =	vld [tilespmem:s16+$0x1450];
	v0 =	vadd.f32 v10, v0  }
0x177: {  	v2 =	vand.u32 $0xFFFF0000, v2;
	v3 =	vadd.f32 v3, v5;
	v10 =	vadd.f32 v15, v12  }
0x178: {  	v14 =	vshll.u32 v6, $0x10;
	v6 =	vand.u32 $0xFFFF0000, v6;
	v5 =	vshll.u32 v8, $0x10  }
0x179: {  	v1 =	vadd.f32 v14, v1;
	v12 =	vshll.u32 v11, $0x10;
	v14 =	vshll.u32 v13, $0x10  }
0x17a: {  	v11 =	vand.u32 $0xFFFF0000, v11;
	v13 =	vand.u32 $0xFFFF0000, v13;
	v12 =	vadd.f32 v14, v12  }
0x17b: {  	v4 =	vadd.f32 v6, v4;
	v6 =	vadd.f32 v13, v11;
	v11 =	vshll.u32 v9, $0x10  }
0x17c: {  	v13 =	vld [tilespmem:s16+$0x1400];
	v14 =	vmul.f32 $2.000000030e-01, v1;
	v9 =	vand.u32 $0xFFFF0000, v9;
	v11 =	vadd.f32 v11, v12  }
0x17d: {  	v8 =	vand.u32 $0xFFFF0000, v8;
	v12 =	vmul.f32 $2.000000030e-01, v4;
	v6 =	vadd.f32 v9, v6  }
0x17e: {  	v0 =	vadd.f32 v5, v0;
	v1 =	vmax.f32 v1, v14;
	v5 =	vmul.f32 $2.000000030e-01, v11  }
0x17f: {  	v3 =	vadd.f32 v8, v3;
	[tilespmem:s19+$0xFFFFFF00] =	vst v1;
	v4 =	vmax.f32 v4, v12;
	v1 =	vmul.f32 $2.000000030e-01, v6  }
0x180: {  	v2 =	vadd.f32 v7, v2;
	v7 =	vmul.f32 $2.000000030e-01, v0;
	[tilespmem:s19+$0xFFFFFF40] =	vst v4;
	v4 =	vmax.f32 v11, v5  }
0x181: {  	v8 =	vmul.f32 $2.000000030e-01, v3;
	v5 =	vshll.u32 v13, $0x10;
	v9 =	vld [tilespmem:s16+$0xFFFFEB90];
	v1 =	vmax.f32 v6, v1;
	[tilespmem:s19+$0x90] =	vst v4  }
0x182: {  	v0 =	vmax.f32 v0, v7;
	v6 =	vld [tilespmem:s16+$0xFFFFFF90];
	v4 =	vand.u32 $0xFFFF0000, v13;
	v5 =	vadd.f32 v5, v10;
	[tilespmem:s19+$0xD0] =	vst v1  }
0x183: {  	[tilespmem:s19+$0xFFFFFF80] =	vst v0;
	v1 =	vadd.f32 v4, v2;
	v2 =	vmax.f32 v3, v8;
	v0 =	vld [tilespmem:s16+$0xFFFFEC60]  }
0x184: {  	v3 =	vmul.f32 $2.000000030e-01, v5;
	[tilespmem:s19+$0xFFFFFFC0] =	vst v2;
	v2 =	vld [tilespmem:s16+$0x60]  }
0x185: {  	v4 =	vmul.f32 $2.000000030e-01, v1;
	v7 =	vld [tilespmem:s16+$0xFFFFEBD0]  }
0x186: {  	v3 =	vmax.f32 v5, v3;
	v5 =	vld [tilespmem:s16+$0x1460]  }
0x187: {  	v1 =	vmax.f32 v1, v4;
	[tilespmem:s19+$0x0] =	vst v3;
	v3 =	vshll.u32 v9, $0x10;
	v4 =	vshll.u32 v6, $0x10  }
0x188: {  	v8 =	vand.u32 $0xFFFF0000, v9;
	[tilespmem:s19+$0x40] =	vst v1;
	v1 =	vand.u32 $0xFFFF0000, v6;
	v6 =	vld [tilespmem:s16+$0xFFFFFFD0];
	v3 =	vadd.f32 v4, v3  }
0x189: {  	v1 =	vadd.f32 v1, v8;
	v4 =	vld [tilespmem:s16+$0xFFFFEC10];
	v8 =	vshll.u32 v0, $0x10;
	v9 =	vshll.u32 v2, $0x10  }
0x18a: {  	v10 =	vld [tilespmem:s16+$0x10];
	v0 =	vand.u32 $0xFFFF0000, v0;
	v2 =	vand.u32 $0xFFFF0000, v2;
	v8 =	vadd.f32 v9, v8  }
0x18b: {  	v9 =	vshll.u32 v7, $0x10;
	v0 =	vadd.f32 v2, v0;
	v2 =	vshll.u32 v5, $0x10  }
0x18c: {  	v11 =	vld [tilespmem:s16+$0x1390];
	v7 =	vand.u32 $0xFFFF0000, v7;
	v5 =	vand.u32 $0xFFFF0000, v5;
	v2 =	vadd.f32 v2, v8  }
0x18d: {  	v0 =	vadd.f32 v5, v0;
	v8 =	vshll.u32 v6, $0x10;
	v6 =	vand.u32 $0xFFFF0000, v6  }
0x18e: {  	v5 =	vld [tilespmem:s16+$0x13D0];
	v12 =	vshll.u32 v4, $0x10;
	v4 =	vand.u32 $0xFFFF0000, v4;
	v13 =	vmul.f32 $2.000000030e-01, v2  }
0x18f: {  	v14 =	vld [tilespmem:s16+$0x1410];
	v15 =	vshll.u32 v10, $0x10;
	v10 =	vand.u32 $0xFFFF0000, v10;
	v16 =	vmul.f32 $2.000000030e-01, v0  }
0x190: {  	v8 =	vadd.f32 v8, v9;
	v6 =	vadd.f32 v6, v7;
	v2 =	vmax.f32 v2, v13  }
0x191: {  	v9 =	vshll.u32 v11, $0x10;
	v7 =	vadd.f32 v15, v12;
	v0 =	vmax.f32 v0, v16;
	[tilespmem:s19+$0xA0] =	vst v2  }
0x192: {  	v4 =	vadd.f32 v10, v4;
	v3 =	vadd.f32 v9, v3;
	v2 =	vand.u32 $0xFFFF0000, v11;
	[tilespmem:s19+$0xE0] =	vst v0  }
0x193: {  	v9 =	vshll.u32 v5, $0x10;
	v0 =	vand.u32 $0xFFFF0000, v5;
	v1 =	vadd.f32 v2, v1;
	v5 =	vld [tilespmem:s16+$0xFFFFEC70]  }
0x194: {  	v10 =	vand.u32 $0xFFFF0000, v14;
	v8 =	vadd.f32 v9, v8;
	v9 =	vmul.f32 $2.000000030e-01, v3;
	v11 =	vld [tilespmem:s16+$0x70]  }
0x195: {  	v2 =	vshll.u32 v14, $0x10;
	v0 =	vadd.f32 v0, v6;
	v6 =	vmul.f32 $2.000000030e-01, v1  }
0x196: {  	s31 =	simm.s32 $0x5360;
	v2 =	vadd.f32 v2, v7;
	v7 =	vmul.f32 $2.000000030e-01, v8;
	v3 =	vmax.f32 v3, v9;
	v9 =	vld [tilespmem:s16+$0x1470]  }
0x197: {  	v17 =	vld [tilespmem:s31+$0xFFFFEC00];
	v4 =	vadd.f32 v10, v4;
	v10 =	vmul.f32 $2.000000030e-01, v0;
	[tilespmem:s19+$0xFFFFFF10] =	vst v3;
	v1 =	vmax.f32 v1, v6  }
0x198: {  	v3 =	vmul.f32 $2.000000030e-01, v2;
	v6 =	vmax.f32 v8, v7;
	[tilespmem:s19+$0xFFFFFF50] =	vst v1  }
0x199: {  	v0 =	vmax.f32 v0, v10;
	[tilespmem:s19+$0xFFFFFF90] =	vst v6;
	v6 =	vand.u32 $0xFFFF0000, v5;
	v8 =	vand.u32 $0xFFFF0000, v11;
	v7 =	vld [tilespmem:s16+$0xFFFFEBA0]  }
0x19a: {  	v1 =	vmul.f32 $2.000000030e-01, v4;
	v2 =	vmax.f32 v2, v3;
	[tilespmem:s19+$0xFFFFFFD0] =	vst v0;
	v3 =	vld [tilespmem:s16+$0xFFFFFFA0];
	v0 =	vadd.f32 v8, v6  }
0x19b: {  	[tilespmem:s19+$0x10] =	vst v2;
	v6 =	vld [tilespmem:s16+$0xFFFFFFE0];
	v2 =	vand.u32 $0xFFFF0000, v9  }
0x19c: {  	v21 =	vshll.u32 v17, $0x10;
	v1 =	vmax.f32 v4, v1;
	v4 =	vld [tilespmem:s16+$0xFFFFEBE0];
	v0 =	vadd.f32 v2, v0  }
0x19d: {  	v17 =	vand.u32 $0xFFFF0000, v17;
	[tilespmem:s19+$0x50] =	vst v1;
	v1 =	vshll.u32 v5, $0x10;
	v2 =	vshll.u32 v11, $0x10;
	v11 =	vld [tilespmem:s16+$0x13A0]  }
0x19e: {  	v8 =	vshll.u32 v9, $0x10;
	v5 =	vld [tilespmem:s16+$0xFFFFEC20];
	v1 =	vadd.f32 v2, v1;
	v9 =	vmul.f32 $2.000000030e-01, v0  }
0x19f: {  	v2 =	vld [tilespmem:s16+$0x20];
	v10 =	vshll.u32 v7, $0x10;
	v12 =	vshll.u32 v3, $0x10;
	v7 =	vand.u32 $0xFFFF0000, v7  }
0x1a0: {  	v3 =	vand.u32 $0xFFFF0000, v3;
	v14 =	vshll.u32 v6, $0x10;
	v6 =	vand.u32 $0xFFFF0000, v6  }
0x1a1: {  	v1 =	vadd.f32 v8, v1;
	v10 =	vadd.f32 v12, v10;
	v12 =	vld [tilespmem:s16+$0x13E0];
	v13 =	vshll.u32 v4, $0x10  }
0x1a2: {  	v4 =	vand.u32 $0xFFFF0000, v4;
	v3 =	vadd.f32 v3, v7;
	v7 =	vld [tilespmem:s16+$0x1420];
	v13 =	vadd.f32 v14, v13  }
0x1a3: {  	v4 =	vadd.f32 v6, v4;
	v15 =	vshll.u32 v11, $0x10;
	v14 =	vshll.u32 v5, $0x10  }
0x1a4: {  	v5 =	vand.u32 $0xFFFF0000, v5;
	v6 =	vshll.u32 v2, $0x10;
	v2 =	vand.u32 $0xFFFF0000, v2  }
0x1a5: {  	v10 =	vadd.f32 v15, v10;
	v2 =	vadd.f32 v2, v5;
	v5 =	vand.u32 $0xFFFF0000, v11  }
0x1a6: {  	v6 =	vadd.f32 v6, v14;
	v3 =	vadd.f32 v5, v3;
	v11 =	vshll.u32 v12, $0x10  }
0x1a7: {  	v12 =	vand.u32 $0xFFFF0000, v12;
	v14 =	vshll.u32 v7, $0x10;
	v7 =	vand.u32 $0xFFFF0000, v7  }
0x1a8: {  	v5 =	vadd.f32 v11, v13;
	v11 =	vmul.f32 $2.000000030e-01, v10;
	v4 =	vadd.f32 v12, v4;
	v12 =	vld [tilespmem:s31+$0xFFFFEC40]  }
0x1a9: {  	v6 =	vadd.f32 v14, v6;
	v13 =	vmul.f32 $2.000000030e-01, v3;
	v2 =	vadd.f32 v7, v2;
	v7 =	vld [tilespmem:s31+$0x40]  }
0x1aa: {  	v16 =	vld [tilespmem:s31+$0x1440];
	v0 =	vmax.f32 v0, v9;
	v9 =	vmul.f32 $2.000000030e-01, v5;
	v14 =	vmul.f32 $2.000000030e-01, v4  }
0x1ab: {  	v8 =	vmul.f32 $2.000000030e-01, v6;
	v15 =	vmul.f32 $2.000000030e-01, v2;
	v3 =	vmax.f32 v3, v13;
	v13 =	vld [tilespmem:s31+$0xFFFFFFC0]  }
0x1ac: {  	v10 =	vmax.f32 v10, v11;
	v11 =	vmul.f32 $2.000000030e-01, v1;
	v5 =	vmax.f32 v5, v9;
	v9 =	vld [tilespmem:s31+$0xFFFFFF80]  }
0x1ad: {  	v4 =	vmax.f32 v4, v14;
	v6 =	vmax.f32 v6, v8;
	v2 =	vmax.f32 v2, v15;
	v8 =	vld [tilespmem:s31+$0xFFFFEBC0]  }
0x1ae: {  	v1 =	vmax.f32 v1, v11;
	v11 =	vld [tilespmem:s31+$0xFFFFEB80];
	v14 =	vshll.u32 v12, $0x10;
	v15 =	vshll.u32 v7, $0x10  }
0x1af: {  	v12 =	vand.u32 $0xFFFF0000, v12;
	v7 =	vand.u32 $0xFFFF0000, v7;
	v14 =	vadd.f32 v15, v14  }
0x1b0: {  	v7 =	vadd.f32 v7, v12;
	v12 =	vshll.u32 v16, $0x10;
	v16 =	vand.u32 $0xFFFF0000, v16  }
0x1b1: {  	[tilespmem:s19+$0xFFFFFF20] =	vst v10;
	v10 =	vld [tilespmem:s31+$0x13C0];
	v19 =	vshll.u32 v13, $0x10;
	v13 =	vand.u32 $0xFFFF0000, v13;
	v12 =	vadd.f32 v12, v14  }
0x1b2: {  	v15 =	vld [tilespmem:s31+$0x0];
	v7 =	vadd.f32 v16, v7;
	v18 =	vshll.u32 v9, $0x10;
	v9 =	vand.u32 $0xFFFF0000, v9  }
0x1b3: {  	[tilespmem:s19+$0xFFFFFF60] =	vst v3;
	v3 =	vld [tilespmem:s31+$0x1400];
	v14 =	vshll.u32 v8, $0x10;
	v8 =	vand.u32 $0xFFFF0000, v8;
	v23 =	vshll.u32 v11, $0x10  }
0x1b4: {  	v16 =	vld [tilespmem:s31+$0x1380];
	v11 =	vand.u32 $0xFFFF0000, v11;
	v20 =	vmul.f32 $2.000000030e-01, v12;
	v18 =	vadd.f32 v18, v23  }
0x1b5: {  	v22 =	vmul.f32 $2.000000030e-01, v7;
	v9 =	vadd.f32 v9, v11;
	v14 =	vadd.f32 v19, v14  }
0x1b6: {  	s0 =	simm.s32 $0xA4E0;
	v8 =	vadd.f32 v13, v8;
	v13 =	vshll.u32 v10, $0x10;
	v12 =	vmax.f32 v12, v20  }
0x1b7: {  	v37 =	vshll.u32 v15, $0x10;
	v15 =	vand.u32 $0xFFFF0000, v15;
	v7 =	vmax.f32 v7, v22;
	[tilespmem:s0+$0x80] =	vst v12  }
0x1b8: {  	v10 =	vand.u32 $0xFFFF0000, v10;
	v19 =	vadd.f32 v37, v21;
	v15 =	vadd.f32 v15, v17;
	v12 =	vld [tilespmem:s16+$0xFFFFEBB0];
	[tilespmem:s0+$0xC0] =	vst v7  }
0x1b9: {  	v17 =	vshll.u32 v3, $0x10;
	v7 =	vshll.u32 v16, $0x10;
	v11 =	vand.u32 $0xFFFF0000, v16;
	v16 =	vld [tilespmem:s31+$0xFFFFEC50]  }
0x1ba: {  	v3 =	vand.u32 $0xFFFF0000, v3;
	v13 =	vadd.f32 v13, v14;
	v8 =	vadd.f32 v10, v8;
	v38 =	vld [tilespmem:s31+$0x50]  }
0x1bb: {  	v7 =	vadd.f32 v7, v18;
	v3 =	vadd.f32 v3, v15  }
0x1bc: {  	[tilespmem:s19+$0xFFFFFFA0] =	vst v5;
	v9 =	vadd.f32 v11, v9;
	v11 =	vld [tilespmem:s31+$0x1450];
	v14 =	vadd.f32 v17, v19  }
0x1bd: {  	[tilespmem:s19+$0x20] =	vst v6;
	v19 =	vmul.f32 $2.000000030e-01, v13;
	v40 =	vmul.f32 $2.000000030e-01, v3;
	v18 =	vshll.u32 v12, $0x10  }
0x1be: {  	[tilespmem:s19+$0x60] =	vst v2;
	v10 =	vand.u32 $0xFFFF0000, v12;
	v12 =	vmul.f32 $2.000000030e-01, v7;
	v15 =	vshll.u32 v16, $0x10  }
0x1bf: {  	[tilespmem:s19+$0xFFFFFFE0] =	vst v4;
	v41 =	vld [tilespmem:s16+$0x30];
	v17 =	vshll.u32 v38, $0x10;
	v5 =	vand.u32 $0xFFFF0000, v16;
	v16 =	vand.u32 $0xFFFF0000, v38  }
0x1c0: {  	v47 =	vld [tilespmem:s16+$0x13F0];
	v3 =	vmax.f32 v3, v40;
	v15 =	vadd.f32 v17, v15;
	v5 =	vadd.f32 v16, v5  }
0x1c1: {  	v4 =	vld [tilespmem:s16+$0xFFFFFFB0];
	v17 =	vmul.f32 $2.000000030e-01, v9;
	v16 =	vshll.u32 v11, $0x10;
	v11 =	vand.u32 $0xFFFF0000, v11  }
0x1c2: {  	v2 =	vld [tilespmem:s16+$0xFFFFFFF0];
	[tilespmem:s0+$0x40] =	vst v3;
	v7 =	vmax.f32 v7, v12;
	v15 =	vadd.f32 v16, v15;
	v5 =	vadd.f32 v11, v5  }
0x1c3: {  	v6 =	vld [tilespmem:s16+$0xFFFFEBF0];
	v39 =	vmul.f32 $2.000000030e-01, v14;
	[tilespmem:s0+$0xFFFFFF00] =	vst v7;
	v7 =	vmax.f32 v13, v19;
	v16 =	vmul.f32 $2.000000030e-01, v8  }
0x1c4: {  	v11 =	vld [tilespmem:s16+$0xFFFFEC30];
	v9 =	vmax.f32 v9, v17;
	[tilespmem:s0+$0xFFFFFF80] =	vst v7;
	v12 =	vmul.f32 $2.000000030e-01, v15;
	v13 =	vmul.f32 $2.000000030e-01, v5  }
0x1c5: {  	v50 =	vshll.u32 v47, $0x10;
	v17 =	vld [tilespmem:s16+$0x13B0];
	v7 =	vand.u32 $0xFFFF0000, v41;
	[tilespmem:s0+$0xFFFFFF40] =	vst v9;
	v8 =	vmax.f32 v8, v16  }
0x1c6: {  	v9 =	vmax.f32 v14, v39;
	v14 =	vld [tilespmem:s31+$0xFFFFEB90];
	[tilespmem:s0+$0xFFFFFFC0] =	vst v8;
	v12 =	vmax.f32 v15, v12;
	v5 =	vmax.f32 v5, v13  }
0x1c7: {  	v13 =	vld [tilespmem:s31+$0xFFFFFF90];
	v15 =	vshll.u32 v2, $0x10;
	v2 =	vand.u32 $0xFFFF0000, v2;
	[tilespmem:s0+$0x90] =	vst v12;
	v12 =	vshll.u32 v4, $0x10  }
0x1c8: {  	v3 =	vld [tilespmem:s31+$0xFFFFFFD0];
	v4 =	vand.u32 $0xFFFF0000, v4;
	[tilespmem:s0+$0xD0] =	vst v5;
	v5 =	vshll.u32 v6, $0x10;
	v6 =	vand.u32 $0xFFFF0000, v6  }
0x1c9: {  	v19 =	vshll.u32 v11, $0x10;
	v11 =	vand.u32 $0xFFFF0000, v11;
	v16 =	vld [tilespmem:s31+$0xFFFFEC60];
	v12 =	vadd.f32 v12, v18  }
0x1ca: {  	v42 =	vld [tilespmem:s31+$0x60];
	v18 =	vshll.u32 v41, $0x10;
	v4 =	vadd.f32 v4, v10;
	v5 =	vadd.f32 v15, v5  }
0x1cb: {  	v15 =	vadd.f32 v2, v6;
	v2 =	vld [tilespmem:s31+$0xFFFFEBD0];
	v7 =	vadd.f32 v7, v11;
	v8 =	vshll.u32 v14, $0x10  }
0x1cc: {  	[tilespmem:s0+$0x0] =	vst v9;
	v10 =	vand.u32 $0xFFFF0000, v14;
	v14 =	vld [tilespmem:s31+$0x1460];
	v6 =	vshll.u32 v13, $0x10;
	v9 =	vand.u32 $0xFFFF0000, v13  }
0x1cd: {  	v13 =	vadd.f32 v18, v19;
	v18 =	vshll.u32 v17, $0x10;
	v45 =	vshll.u32 v3, $0x10  }
0x1ce: {  	v43 =	vld [tilespmem:s31+$0x1390];
	v3 =	vand.u32 $0xFFFF0000, v3;
	v6 =	vadd.f32 v6, v8;
	v8 =	vadd.f32 v9, v10  }
0x1cf: {  	v10 =	vand.u32 $0xFFFF0000, v17;
	v17 =	vshll.u32 v16, $0x10;
	v19 =	vshll.u32 v42, $0x10  }
0x1d0: {  	v9 =	vld [tilespmem:s31+$0xFFFFEC10];
	v16 =	vand.u32 $0xFFFF0000, v16;
	v20 =	vand.u32 $0xFFFF0000, v42;
	v17 =	vadd.f32 v19, v17  }
0x1d1: {  	v44 =	vshll.u32 v2, $0x10;
	v19 =	vld [tilespmem:s31+$0x10];
	v11 =	vadd.f32 v20, v16;
	v16 =	vshll.u32 v14, $0x10  }
0x1d2: {  	v2 =	vand.u32 $0xFFFF0000, v2;
	v14 =	vand.u32 $0xFFFF0000, v14;
	v16 =	vadd.f32 v16, v17  }
0x1d3: {  	v21 =	vadd.f32 v45, v44;
	v20 =	vand.u32 $0xFFFF0000, v43;
	v17 =	vld [tilespmem:s31+$0x13D0];
	v11 =	vadd.f32 v14, v11  }
0x1d4: {  	v2 =	vadd.f32 v3, v2;
	v8 =	vadd.f32 v20, v8;
	v14 =	vld [tilespmem:s31+$0x1410];
	v24 =	vmul.f32 $2.000000030e-01, v16  }
0x1d5: {  	v46 =	vshll.u32 v9, $0x10;
	v9 =	vand.u32 $0xFFFF0000, v9;
	v25 =	vmul.f32 $2.000000030e-01, v11  }
0x1d6: {  	v26 =	vshll.u32 v19, $0x10;
	v19 =	vand.u32 $0xFFFF0000, v19;
	v16 =	vmax.f32 v16, v24  }
0x1d7: {  	v3 =	vadd.f32 v26, v46;
	v11 =	vmax.f32 v11, v25;
	v9 =	vadd.f32 v19, v9;
	[tilespmem:s0+$0xA0] =	vst v16  }
0x1d8: {  	v19 =	vshll.u32 v43, $0x10;
	v16 =	vld [tilespmem:s16+$0x1430];
	[tilespmem:s0+$0xE0] =	vst v11;
	v11 =	vshll.u32 v17, $0x10;
	v17 =	vand.u32 $0xFFFF0000, v17  }
0x1d9: {  	v48 =	vshll.u32 v14, $0x10;
	v14 =	vand.u32 $0xFFFF0000, v14;
	v6 =	vadd.f32 v19, v6;
	v49 =	vld [tilespmem:s31+$0xFFFFEC70]  }
0x1da: {  	v19 =	vld [tilespmem:s31+$0x70];
	v11 =	vadd.f32 v11, v21;
	v2 =	vadd.f32 v17, v2;
	v17 =	vand.u32 $0xFFFF0000, v47  }
0x1db: {  	v9 =	vadd.f32 v14, v9;
	v14 =	vmul.f32 $2.000000030e-01, v8;
	v51 =	vmul.f32 $2.000000030e-01, v6  }
0x1dc: {  	v3 =	vadd.f32 v48, v3;
	v53 =	vmul.f32 $2.000000030e-01, v11;
	v55 =	vmul.f32 $2.000000030e-01, v2  }
0x1dd: {  	v52 =	vld [tilespmem:s31+$0x1470];
	v8 =	vmax.f32 v8, v14;
	v57 =	vmul.f32 $2.000000030e-01, v9;
	v6 =	vmax.f32 v6, v51  }
0x1de: {  	v54 =	vshll.u32 v16, $0x10;
	[tilespmem:s0+$0xFFFFFF10] =	vst v6;
	v6 =	vmul.f32 $2.000000030e-01, v3;
	v11 =	vmax.f32 v11, v53  }
0x1df: {  	[tilespmem:s0+$0xFFFFFF50] =	vst v8;
	v2 =	vmax.f32 v2, v55;
	v56 =	vand.u32 $0xFFFF0000, v49;
	v14 =	vand.u32 $0xFFFF0000, v19  }
0x1e0: {  	v58 =	vld [tilespmem:s31+$0xFFFFEBA0];
	[tilespmem:s0+$0xFFFFFFD0] =	vst v2;
	v2 =	vshll.u32 v19, $0x10;
	v3 =	vmax.f32 v3, v6;
	v6 =	vshll.u32 v49, $0x10  }
0x1e1: {  	v9 =	vmax.f32 v9, v57;
	[tilespmem:s0+$0xFFFFFF90] =	vst v11;
	v11 =	vld [tilespmem:s31+$0xFFFFFFA0];
	v14 =	vadd.f32 v14, v56;
	v59 =	vadd.f32 v2, v6  }
0x1e2: {  	v8 =	vand.u32 $0xFFFF0000, v52;
	[tilespmem:s0+$0x50] =	vst v9;
	v19 =	vld [tilespmem:s31+$0xFFFFEBE0];
	v6 =	vadd.f32 v18, v12;
	v2 =	vadd.f32 v10, v4  }
0x1e3: {  	[tilespmem:s0+$0x10] =	vst v3;
	v12 =	vand.u32 $0xFFFF0000, v16;
	v16 =	vld [tilespmem:s31+$0xFFFFFFE0];
	v3 =	vadd.f32 v50, v5;
	v8 =	vadd.f32 v8, v14  }
0x1e4: {  	v5 =	vadd.f32 v17, v15;
	v4 =	vadd.f32 v54, v13;
	v9 =	vld [tilespmem:s31+$0xFFFFEC20]  }
0x1e5: {  	v14 =	vshll.u32 v52, $0x10;
	v15 =	vld [tilespmem:s31+$0x20];
	v7 =	vadd.f32 v12, v7;
	v60 =	vmul.f32 $2.000000030e-01, v8  }
0x1e6: {  	v12 =	vld [tilespmem:s31+$0x13A0];
	v10 =	vshll.u32 v58, $0x10;
	v13 =	vand.u32 $0xFFFF0000, v58;
	v17 =	vshll.u32 v11, $0x10  }
0x1e7: {  	v61 =	vld [tilespmem:s31+$0x1420];
	v11 =	vand.u32 $0xFFFF0000, v11;
	v10 =	vadd.f32 v17, v10;
	v17 =	vshll.u32 v19, $0x10  }
0x1e8: {  	v19 =	vand.u32 $0xFFFF0000, v19;
	v11 =	vadd.f32 v11, v13;
	v18 =	vmax.f32 v8, v60  }
0x1e9: {  	v8 =	vadd.f32 v14, v59;
	v14 =	vld [tilespmem:s31+$0x13E0];
	v13 =	vshll.u32 v16, $0x10;
	v16 =	vand.u32 $0xFFFF0000, v16  }
0x1ea: {  	v13 =	vadd.f32 v13, v17;
	v17 =	vshll.u32 v9, $0x10;
	v9 =	vand.u32 $0xFFFF0000, v9  }
0x1eb: {  	v16 =	vadd.f32 v16, v19;
	v19 =	vshll.u32 v15, $0x10;
	v15 =	vand.u32 $0xFFFF0000, v15  }
0x1ec: {  	v62 =	vshll.u32 v12, $0x10;
	v20 =	vand.u32 $0xFFFF0000, v61;
	v17 =	vadd.f32 v19, v17  }
0x1ed: {  	v19 =	vadd.f32 v15, v9;
	v9 =	vand.u32 $0xFFFF0000, v12;
	v21 =	vadd.f32 v62, v10  }
0x1ee: {  	v10 =	vshll.u32 v61, $0x10;
	v11 =	vadd.f32 v9, v11;
	v12 =	vshll.u32 v14, $0x10  }
0x1ef: {  	v9 =	vmul.f32 $2.000000030e-01, v6;
	v14 =	vand.u32 $0xFFFF0000, v14;
	v12 =	vadd.f32 v12, v13  }
0x1f0: {  	[tilespmem:s19+$0xF0] =	vst v0;
	v63 =	vmul.f32 $2.000000030e-01, v21;
	v10 =	vadd.f32 v10, v17;
	v13 =	vadd.f32 v14, v16  }
0x1f1: {  	[tilespmem:s19+$0xB0] =	vst v1;
	v0 =	vadd.f32 v20, v19;
	v14 =	vmul.f32 $2.000000030e-01, v11;
	v15 =	vmul.f32 $2.000000030e-01, v12  }
0x1f2: {  	s1 =	simm.s32 $0x4;
	s16 =	simm.s32 $0x5460;
	[tilespmem:s0+$0xF0] =	vst v18;
	v17 =	vmax.f32 v21, v63;
	v1 =	vmul.f32 $2.000000030e-01, v10;
	v16 =	vmul.f32 $2.000000030e-01, v13  }
.LBB2_5:
0x1f3: {  	v18 =	vld [tilespmem:s16+$0xFFFFEC40];
	[tilespmem:s0+$0xFFFFFF20] =	vst v17;
	v11 =	vmax.f32 v11, v14;
	v12 =	vmax.f32 v12, v15;
	v14 =	vmul.f32 $2.000000030e-01, v0  }
0x1f4: {  	v15 =	vld [tilespmem:s16+$0x40];
	[tilespmem:s0+$0xFFFFFF60] =	vst v11;
	v11 =	vmax.f32 v13, v16;
	v1 =	vmax.f32 v10, v1;
	v10 =	vmul.f32 $2.000000030e-01, v2  }
0x1f5: {  	v13 =	vld [tilespmem:s16+$0xFFFFFF80];
	[tilespmem:s0+$0xFFFFFFA0] =	vst v12;
	v0 =	vmax.f32 v0, v14;
	v12 =	vmul.f32 $2.000000030e-01, v3;
	v14 =	vmul.f32 $2.000000030e-01, v5  }
0x1f6: {  	v6 =	vmax.f32 v6, v9;
	v9 =	vmul.f32 $2.000000030e-01, v4;
	v16 =	vld [tilespmem:s16+$0x1440];
	[tilespmem:s0+$0xFFFFFFE0] =	vst v11;
	v11 =	vmul.f32 $2.000000030e-01, v7  }
0x1f7: {  	v2 =	vmax.f32 v2, v10;
	v17 =	vld [tilespmem:s16+$0xFFFFEBC0];
	[tilespmem:s0+$0x20] =	vst v1;
	v1 =	vmul.f32 $2.000000030e-01, v8;
	v3 =	vmax.f32 v3, v12  }
0x1f8: {  	v4 =	vmax.f32 v4, v9;
	v10 =	vld [tilespmem:s16+$0xFFFFFFC0];
	[tilespmem:s0+$0x60] =	vst v0;
	v0 =	vmax.f32 v5, v14;
	v5 =	vmax.f32 v7, v11  }
0x1f9: {  	v9 =	vshll.u32 v18, $0x10;
	v7 =	vld [tilespmem:s16+$0xFFFFEC00];
	v11 =	vshll.u32 v15, $0x10;
	v1 =	vmax.f32 v8, v1;
	[tilespmem:s19+$0xFFFFFF30] =	vst v6  }
0x1fa: {  	s1 =	sadd.s32 $0x4, s1;
	v8 =	vand.u32 $0xFFFF0000, v18;
	v12 =	vand.u32 $0xFFFF0000, v15;
	v6 =	vld [tilespmem:s16+$0x0];
	v9 =	vadd.f32 v11, v9;
	[tilespmem:s19+$0xFFFFFF70] =	vst v2  }
0x1fb: {  	p1 =	slt.u32 s1, $0x4C;
	v11 =	vshll.u32 v13, $0x10;
	v8 =	vadd.f32 v12, v8;
	v2 =	vld [tilespmem:s16+$0xFFFFEB80];
	v12 =	vshll.u32 v16, $0x10;
	[tilespmem:s19+$0xFFFFFFB0] =	vst v3  }
0x1fc: {  	v13 =	vand.u32 $0xFFFF0000, v13;
	v14 =	vand.u32 $0xFFFF0000, v16;
	v3 =	vld [tilespmem:s16+$0x1380];
	v9 =	vadd.f32 v12, v9;
	[tilespmem:s19+$0xFFFFFFF0] =	vst v0  }
0x1fd: {  	v12 =	vshll.u32 v17, $0x10;
	v15 =	vand.u32 $0xFFFF0000, v17;
	v8 =	vadd.f32 v14, v8;
	v0 =	vld [tilespmem:s16+$0x13C0];
	[tilespmem:s19+$0x30] =	vst v4  }
0x1fe: {  	v4 =	vshll.u32 v10, $0x10;
	v10 =	vand.u32 $0xFFFF0000, v10;
	v14 =	vld [tilespmem:s16+$0x1400];
	v16 =	vmul.f32 $2.000000030e-01, v9;
	[tilespmem:s19+$0x70] =	vst v5;
	s19 =	smov.u32 s0  }
0x1ff: {  	v5 =	vshll.u32 v7, $0x10;
	v7 =	vand.u32 $0xFFFF0000, v7;
	v17 =	vmul.f32 $2.000000030e-01, v8;
	v18 =	vld [tilespmem:s31+$0xFFFFEBB0];
	[tilespmem:s0+$0xB0] =	vst v1  }
0x200: {  	s0 =	sadd.s32 $0x200, s0;
	v1 =	vshll.u32 v2, $0x10;
	v2 =	vand.u32 $0xFFFF0000, v2;
	v9 =	vmax.f32 v9, v16;
	v16 =	vld [tilespmem:s31+$0xFFFFFFB0]  }
0x201: {  	v19 =	vshll.u32 v6, $0x10;
	v6 =	vand.u32 $0xFFFF0000, v6;
	v8 =	vmax.f32 v8, v17;
	[tilespmem:s0+$0x80] =	vst v9;
	v9 =	vld [tilespmem:s31+$0xFFFFEBF0]  }
0x202: {  	v1 =	vadd.f32 v11, v1;
	v2 =	vadd.f32 v13, v2;
	v11 =	vshll.u32 v3, $0x10;
	[tilespmem:s0+$0xC0] =	vst v8;
	v8 =	vld [tilespmem:s31+$0xFFFFFFF0]  }
0x203: {  	v4 =	vadd.f32 v4, v12;
	v10 =	vadd.f32 v10, v15;
	v3 =	vand.u32 $0xFFFF0000, v3;
	v12 =	vld [tilespmem:s16+$0xFFFFEC50]  }
0x204: {  	v5 =	vadd.f32 v19, v5;
	v6 =	vadd.f32 v6, v7;
	v13 =	vshll.u32 v0, $0x10;
	v7 =	vld [tilespmem:s16+$0x50]  }
0x205: {  	v0 =	vand.u32 $0xFFFF0000, v0;
	v15 =	vshll.u32 v14, $0x10;
	v14 =	vand.u32 $0xFFFF0000, v14;
	v17 =	vld [tilespmem:s31+$0xFFFFEC30]  }
0x206: {  	v11 =	vadd.f32 v11, v1;
	v2 =	vadd.f32 v3, v2;
	v19 =	vshll.u32 v18, $0x10;
	v3 =	vld [tilespmem:s16+$0x1450]  }
0x207: {  	v4 =	vadd.f32 v13, v4;
	v10 =	vadd.f32 v0, v10;
	v13 =	vand.u32 $0xFFFF0000, v18;
	v18 =	vld [tilespmem:s31+$0x30]  }
0x208: {  	v5 =	vadd.f32 v15, v5;
	v6 =	vadd.f32 v14, v6;
	v20 =	vmul.f32 $2.000000030e-01, v11;
	v14 =	vld [tilespmem:s31+$0x13B0]  }
0x209: {  	v15 =	vmul.f32 $2.000000030e-01, v2;
	v0 =	vshll.u32 v12, $0x10;
	v21 =	vshll.u32 v7, $0x10;
	v1 =	vld [tilespmem:s31+$0x13F0]  }
0x20a: {  	v12 =	vand.u32 $0xFFFF0000, v12;
	v7 =	vand.u32 $0xFFFF0000, v7;
	v21 =	vadd.f32 v21, v0;
	v0 =	vld [tilespmem:s31+$0x1430];
	s31 =	smov.u32 s16  }
0x20b: {  	v22 =	vmul.f32 $2.000000030e-01, v4;
	v7 =	vadd.f32 v7, v12;
	v12 =	vshll.u32 v3, $0x10  }
0x20c: {  	v23 =	vmul.f32 $2.000000030e-01, v10;
	v3 =	vand.u32 $0xFFFF0000, v3;
	v12 =	vadd.f32 v12, v21  }
0x20d: {  	v24 =	vmul.f32 $2.000000030e-01, v6;
	v21 =	vmul.f32 $2.000000030e-01, v5;
	v3 =	vadd.f32 v3, v7  }
0x20e: {  	v2 =	vmax.f32 v2, v15;
	v7 =	vmax.f32 v11, v20;
	v11 =	vmul.f32 $2.000000030e-01, v12  }
0x20f: {  	v4 =	vmax.f32 v4, v22;
	[tilespmem:s0+$0xFFFFFF00] =	vst v7;
	v7 =	vmax.f32 v10, v23;
	v10 =	vmul.f32 $2.000000030e-01, v3  }
0x210: {  	v6 =	vmax.f32 v6, v24;
	v5 =	vmax.f32 v5, v21;
	[tilespmem:s0+$0xFFFFFF40] =	vst v2;
	v2 =	vmax.f32 v12, v11  }
0x211: {  	v11 =	vld [tilespmem:s16+$0xFFFFEB90];
	[tilespmem:s0+$0x90] =	vst v2;
	v2 =	vmax.f32 v3, v10;
	v3 =	vshll.u32 v16, $0x10;
	v10 =	vand.u32 $0xFFFF0000, v16  }
0x212: {  	v15 =	vshll.u32 v9, $0x10;
	v9 =	vand.u32 $0xFFFF0000, v9;
	v16 =	vshll.u32 v8, $0x10;
	v12 =	vld [tilespmem:s16+$0xFFFFFF90];
	[tilespmem:s0+$0xD0] =	vst v2  }
0x213: {  	v20 =	vshll.u32 v17, $0x10;
	v17 =	vand.u32 $0xFFFF0000, v17;
	v8 =	vand.u32 $0xFFFF0000, v8;
	[tilespmem:s0+$0xFFFFFF80] =	vst v4;
	v4 =	vld [tilespmem:s16+$0xFFFFEC60]  }
0x214: {  	v2 =	vadd.f32 v3, v19;
	v3 =	vshll.u32 v18, $0x10;
	v18 =	vand.u32 $0xFFFF0000, v18;
	[tilespmem:s0+$0xFFFFFFC0] =	vst v7;
	v7 =	vld [tilespmem:s16+$0x60]  }
0x215: {  	v19 =	vld [tilespmem:s16+$0xFFFFEBD0];
	[tilespmem:s0+$0x0] =	vst v5;
	v5 =	vadd.f32 v10, v13;
	v10 =	vshll.u32 v14, $0x10;
	v13 =	vadd.f32 v16, v15  }
0x216: {  	v8 =	vadd.f32 v8, v9;
	v15 =	vshll.u32 v11, $0x10;
	v11 =	vand.u32 $0xFFFF0000, v11;
	[tilespmem:s0+$0x40] =	vst v6;
	v6 =	vld [tilespmem:s16+$0x1460]  }
0x217: {  	v20 =	vadd.f32 v3, v20;
	v9 =	vshll.u32 v12, $0x10;
	v12 =	vand.u32 $0xFFFF0000, v12;
	v16 =	vld [tilespmem:s16+$0xFFFFFFD0]  }
0x218: {  	v3 =	vadd.f32 v9, v15;
	v9 =	vadd.f32 v12, v11;
	v11 =	vld [tilespmem:s16+$0xFFFFEC10];
	v12 =	vand.u32 $0xFFFF0000, v14  }
0x219: {  	v17 =	vadd.f32 v18, v17;
	v15 =	vshll.u32 v4, $0x10;
	v14 =	vld [tilespmem:s16+$0x10];
	v21 =	vshll.u32 v7, $0x10  }
0x21a: {  	v4 =	vand.u32 $0xFFFF0000, v4;
	v7 =	vand.u32 $0xFFFF0000, v7;
	v18 =	vld [tilespmem:s16+$0x1390];
	v15 =	vadd.f32 v21, v15  }
0x21b: {  	v22 =	vshll.u32 v19, $0x10;
	v4 =	vadd.f32 v7, v4;
	v21 =	vld [tilespmem:s16+$0x13D0];
	v7 =	vshll.u32 v6, $0x10  }
0x21c: {  	v19 =	vand.u32 $0xFFFF0000, v19;
	v6 =	vand.u32 $0xFFFF0000, v6;
	v23 =	vld [tilespmem:s16+$0x1410];
	v7 =	vadd.f32 v7, v15  }
0x21d: {  	v15 =	vshll.u32 v16, $0x10;
	v16 =	vand.u32 $0xFFFF0000, v16;
	v4 =	vadd.f32 v6, v4  }
0x21e: {  	v6 =	vshll.u32 v11, $0x10;
	v11 =	vand.u32 $0xFFFF0000, v11;
	v24 =	vmul.f32 $2.000000030e-01, v7  }
0x21f: {  	v25 =	vshll.u32 v14, $0x10;
	v14 =	vand.u32 $0xFFFF0000, v14;
	v26 =	vmul.f32 $2.000000030e-01, v4  }
0x220: {  	v15 =	vadd.f32 v15, v22;
	v16 =	vadd.f32 v16, v19;
	v7 =	vmax.f32 v7, v24  }
0x221: {  	v6 =	vadd.f32 v25, v6;
	v11 =	vadd.f32 v14, v11;
	v4 =	vmax.f32 v4, v26;
	[tilespmem:s0+$0xA0] =	vst v7  }
0x222: {  	v14 =	vand.u32 $0xFFFF0000, v18;
	v7 =	vshll.u32 v18, $0x10;
	v18 =	vshll.u32 v21, $0x10;
	[tilespmem:s0+$0xE0] =	vst v4  }
0x223: {  	v19 =	vshll.u32 v23, $0x10;
	v4 =	vand.u32 $0xFFFF0000, v21;
	v21 =	vand.u32 $0xFFFF0000, v23;
	v22 =	vld [tilespmem:s16+$0xFFFFEC70]  }
0x224: {  	v3 =	vadd.f32 v7, v3;
	v7 =	vadd.f32 v14, v9;
	v14 =	vshll.u32 v1, $0x10;
	v9 =	vld [tilespmem:s16+$0x70]  }
0x225: {  	v15 =	vadd.f32 v18, v15;
	v1 =	vand.u32 $0xFFFF0000, v1;
	v4 =	vadd.f32 v4, v16  }
0x226: {  	v6 =	vadd.f32 v19, v6;
	v11 =	vadd.f32 v21, v11;
	v16 =	vmul.f32 $2.000000030e-01, v3;
	v18 =	vld [tilespmem:s16+$0x1470]  }
0x227: {  	v23 =	vshll.u32 v0, $0x10;
	v19 =	vmul.f32 $2.000000030e-01, v7;
	v21 =	vmul.f32 $2.000000030e-01, v15  }
0x228: {  	v24 =	vmul.f32 $2.000000030e-01, v6;
	v3 =	vmax.f32 v3, v16;
	v16 =	vmul.f32 $2.000000030e-01, v4  }
0x229: {  	v25 =	vand.u32 $0xFFFF0000, v22;
	[tilespmem:s0+$0xFFFFFF10] =	vst v3;
	v3 =	vmul.f32 $2.000000030e-01, v11;
	v26 =	vand.u32 $0xFFFF0000, v9  }
0x22a: {  	v7 =	vmax.f32 v7, v19;
	v15 =	vmax.f32 v15, v21;
	v19 =	vadd.f32 v26, v25  }
0x22b: {  	v6 =	vmax.f32 v6, v24;
	v4 =	vmax.f32 v4, v16;
	[tilespmem:s0+$0xFFFFFF50] =	vst v7;
	v7 =	vand.u32 $0xFFFF0000, v18  }
0x22c: {  	v3 =	vmax.f32 v11, v3;
	v11 =	vshll.u32 v22, $0x10;
	v16 =	vld [tilespmem:s16+$0xFFFFEBA0];
	[tilespmem:s0+$0xFFFFFF90] =	vst v15;
	v7 =	vadd.f32 v7, v19  }
0x22d: {  	v0 =	vand.u32 $0xFFFF0000, v0;
	v15 =	vld [tilespmem:s16+$0xFFFFFFA0];
	[tilespmem:s0+$0xFFFFFFD0] =	vst v4;
	v4 =	vshll.u32 v9, $0x10;
	v9 =	vshll.u32 v18, $0x10  }
0x22e: {  	v18 =	vld [tilespmem:s16+$0xFFFFEBE0];
	[tilespmem:s0+$0x10] =	vst v6;
	v11 =	vadd.f32 v4, v11;
	v4 =	vmul.f32 $2.000000030e-01, v7;
	v6 =	vadd.f32 v10, v2  }
0x22f: {  	v2 =	vadd.f32 v12, v5;
	v10 =	vld [tilespmem:s16+$0xFFFFFFE0];
	[tilespmem:s0+$0x50] =	vst v3;
	v3 =	vadd.f32 v14, v13  }
0x230: {  	v5 =	vadd.f32 v1, v8;
	v12 =	vld [tilespmem:s16+$0xFFFFEC20];
	v7 =	vmax.f32 v7, v4;
	v4 =	vadd.f32 v23, v20  }
0x231: {  	v1 =	vshll.u32 v16, $0x10;
	v13 =	vand.u32 $0xFFFF0000, v16;
	v14 =	vld [tilespmem:s16+$0x20];
	[tilespmem:s0+$0xF0] =	vst v7;
	v7 =	vadd.f32 v0, v17  }
0x232: {  	v8 =	vadd.f32 v9, v11;
	v0 =	vld [tilespmem:s16+$0x13A0];
	v16 =	vshll.u32 v15, $0x10;
	v15 =	vand.u32 $0xFFFF0000, v15  }
0x233: {  	v1 =	vadd.f32 v16, v1;
	v9 =	vld [tilespmem:s16+$0x13E0];
	v11 =	vshll.u32 v18, $0x10;
	v16 =	vand.u32 $0xFFFF0000, v18  }
0x234: {  	v13 =	vadd.f32 v15, v13;
	v15 =	vshll.u32 v10, $0x10;
	v10 =	vand.u32 $0xFFFF0000, v10;
	v17 =	vld [tilespmem:s16+$0x1420]  }
0x235: {  	v15 =	vadd.f32 v15, v11;
	v11 =	vshll.u32 v12, $0x10;
	v12 =	vand.u32 $0xFFFF0000, v12  }
0x236: {  	v10 =	vadd.f32 v10, v16;
	v16 =	vshll.u32 v14, $0x10;
	v14 =	vand.u32 $0xFFFF0000, v14  }
0x237: {  	v18 =	vshll.u32 v0, $0x10;
	v16 =	vadd.f32 v16, v11;
	v19 =	vadd.f32 v14, v12  }
0x238: {  	v0 =	vand.u32 $0xFFFF0000, v0;
	v12 =	vshll.u32 v9, $0x10;
	v14 =	vand.u32 $0xFFFF0000, v9  }
.Ltmp1:
0x239: {  	v1 =	vadd.f32 v18, v1;
	v18 =	vshll.u32 v17, $0x10;
	v17 =	vand.u32 $0xFFFF0000, v17;
	(pc) =	sbr.rel @p1 .LBB2_5-.Ltmp1, $4  }
0x23a: {  	v11 =	vadd.f32 v0, v13;
	v9 =	vmul.f32 $2.000000030e-01, v6;
	v12 =	vadd.f32 v12, v15  }
0x23b: {  	v13 =	vadd.f32 v14, v10;
	v20 =	vmul.f32 $2.000000030e-01, v1;
	v10 =	vadd.f32 v18, v16  }
0x23c: {  	v14 =	vmul.f32 $2.000000030e-01, v11;
	v0 =	vadd.f32 v17, v19;
	v15 =	vmul.f32 $2.000000030e-01, v12  }
0x23d: {  	s16 =	sadd.s32 $0x100, s16;
	v16 =	vmul.f32 $2.000000030e-01, v13;
	v17 =	vmax.f32 v1, v20;
	v1 =	vmul.f32 $2.000000030e-01, v10  }
0x23e: {  	[tilespmem:s0+$0xFFFFFF20] =	vst v17;
	v11 =	vmax.f32 v11, v14  }
0x23f: {  	[tilespmem:s0+$0xFFFFFF60] =	vst v11  }
0x240: {  	v12 =	vmax.f32 v12, v15;
	v28 =	vld [tilespmem:s31+$0xFFFFEBB0]  }
0x241: {  	v27 =	vmul.f32 $2.000000030e-01, v0;
	v29 =	vmul.f32 $2.000000030e-01, v2;
	v13 =	vmax.f32 v13, v16;
	[tilespmem:s0+$0xFFFFFFA0] =	vst v12;
	v31 =	vld [tilespmem:s31+$0xFFFFFFB0]  }
0x242: {  	v30 =	vmul.f32 $2.000000030e-01, v3;
	v32 =	vmul.f32 $2.000000030e-01, v5;
	[tilespmem:s0+$0xFFFFFFE0] =	vst v13;
	v41 =	vld [tilespmem:s31+$0x13B0]  }
0x243: {  	v33 =	vmul.f32 $2.000000030e-01, v4;
	v6 =	vmax.f32 v6, v9;
	v1 =	vmax.f32 v10, v1;
	v34 =	vld [tilespmem:s31+$0xFFFFEBF0]  }
0x244: {  	v35 =	vmul.f32 $2.000000030e-01, v7;
	v36 =	vmul.f32 $2.000000030e-01, v8;
	v0 =	vmax.f32 v0, v27;
	[tilespmem:s0+$0x20] =	vst v1;
	v37 =	vld [tilespmem:s31+$0xFFFFFFF0]  }
0x245: {  	v2 =	vmax.f32 v2, v29;
	v3 =	vmax.f32 v3, v30;
	v5 =	vmax.f32 v5, v32;
	[tilespmem:s0+$0x60] =	vst v0;
	v44 =	vld [tilespmem:s31+$0x13F0]  }
0x246: {  	v4 =	vmax.f32 v4, v33;
	v7 =	vmax.f32 v7, v35;
	v8 =	vmax.f32 v8, v36;
	v38 =	vld [tilespmem:s31+$0xFFFFEC30]  }
0x247: {  	v39 =	vld [tilespmem:s31+$0x30];
	v40 =	vshll.u32 v28, $0x10;
	v12 =	vand.u32 $0xFFFF0000, v28;
	v42 =	vshll.u32 v31, $0x10  }
0x248: {  	v13 =	vand.u32 $0xFFFF0000, v31;
	v49 =	vshll.u32 v41, $0x10;
	v51 =	vand.u32 $0xFFFF0000, v41  }
0x249: {  	v45 =	vld [tilespmem:s31+$0x1430];
	v43 =	vshll.u32 v34, $0x10;
	v1 =	vand.u32 $0xFFFF0000, v34;
	v18 =	vshll.u32 v37, $0x10  }
0x24a: {  	v0 =	vand.u32 $0xFFFF0000, v37;
	v11 =	vadd.f32 v42, v40;
	v12 =	vadd.f32 v13, v12  }
0x24b: {  	[tilespmem:s19+$0xFFFFFF30] =	vst v6;
	v52 =	vshll.u32 v44, $0x10;
	v53 =	vand.u32 $0xFFFF0000, v44;
	v46 =	vshll.u32 v38, $0x10  }
0x24c: {  	[tilespmem:s19+$0xFFFFFF70] =	vst v2;
	v10 =	vand.u32 $0xFFFF0000, v38;
	v47 =	vadd.f32 v18, v43;
	v48 =	vshll.u32 v39, $0x10  }
0x24d: {  	[tilespmem:s19+$0xFFFFFFB0] =	vst v3;
	v9 =	vand.u32 $0xFFFF0000, v39;
	v0 =	vadd.f32 v0, v1;
	v2 =	vadd.f32 v49, v11  }
0x24e: {  	[tilespmem:s19+$0xFFFFFFF0] =	vst v5;
	v54 =	vshll.u32 v45, $0x10;
	v56 =	vand.u32 $0xFFFF0000, v45;
	v3 =	vadd.f32 v51, v12  }
0x24f: {  	[tilespmem:s19+$0x30] =	vst v4;
	v50 =	vadd.f32 v48, v46;
	v5 =	vadd.f32 v52, v47;
	v55 =	vmul.f32 $2.000000030e-01, v2  }
0x250: {  	[tilespmem:s19+$0x70] =	vst v7;
	v9 =	vadd.f32 v9, v10;
	v0 =	vadd.f32 v53, v0;
	v57 =	vmul.f32 $2.000000030e-01, v3  }
0x251: {  	[tilespmem:s0+$0xB0] =	vst v8;
	v1 =	vadd.f32 v54, v50;
	v58 =	vmul.f32 $2.000000030e-01, v5;
	v2 =	vmax.f32 v2, v55  }
0x252: {  	v59 =	vadd.f32 v56, v9;
	v60 =	vmul.f32 $2.000000030e-01, v0;
	v3 =	vmax.f32 v3, v57;
	[tilespmem:s0+$0xFFFFFF30] =	vst v2  }
0x253: {  	v61 =	vmul.f32 $2.000000030e-01, v1;
	v4 =	vmax.f32 v5, v58;
	[tilespmem:s0+$0xFFFFFF70] =	vst v3  }
.Ltmp2:
0x254: {  	s1 =	sadd.s32 s17, s13;
	v62 =	vmul.f32 $2.000000030e-01, v59;
	v0 =	vmax.f32 v0, v60;
	[tilespmem:s0+$0xFFFFFFB0] =	vst v4;
	(pc) =	sbr.rel @p0 .LBB2_8-.Ltmp2, $4  }
0x255: {  	s1 =	sshll.u32 s1, $0x4;
	v1 =	vmax.f32 v1, v61;
	[tilespmem:s0+$0xFFFFFFF0] =	vst v0  }
0x256: {  	s1 =	sand.u32 $0x1FFFFF00, s1;
	v63 =	vmax.f32 v59, v62;
	[tilespmem:s0+$0x30] =	vst v1  }
0x257: {  	s19 =	sadd.s32 s2, s1;
	s31 =	simm.s32 $0xA1E0;
	[tilespmem:s0+$0x70] =	vst v63  }
0x258: {  	[hbm4b:s19+s3] =	stream.linear.scatter [tilespmem:s31], [sflag:$0x6], $0x2800, $0x38;
	[tilespmem:$0xC9E0] =	vst v63  }
0x259: {  	_ =	swait.ge [sflag:s30], $0x50  }
0x25a: {  	[sflag:s30] =	ssyncset.done $0x0  }
0x25b: {  	[sflag:s30] =	ssyncadd.s32 $0xFFFFFFB0  }
0x25c: {  	_ =	swait.ge [sflag:s30], $0x50  }
0x25d: {  	[sflag:s30] =	ssyncset.done $0x0  }
0x25e: {  	[sflag:s30] =	ssyncadd.s32 $0xFFFFFFB0  }
0x25f: {  	_ =	swait.ge [sflag:s30], $0x50  }
0x260: {  	[sflag:s30] =	ssyncset.done $0x0  }
0x261: {  	s0 =	simm.s32 $0x3DE0;
	[sflag:s30] =	ssyncadd.s32 $0xFFFFFFB0  }
0x262: {  	[tilespmem:s0], [sflag:$0x4] =	stream.indirect.gather [hbm4b:s4+s20], $0x40, s26, s20, $0xb8;
	[tilespmem:$0xC9E0] =	vst v63  }
.Ltmp3:
0x263: {  	_ = 	snop;
	(pc) =	sbr.rel .LBB2_2-.Ltmp3, $4  }
0x264: {  	s19 =	simm.s32 $0x51E0  }
0x265: {  	[tilespmem:s19], [sflag:$0x4] =	stream.indirect.gather [hbm4b:s5+s20], $0x40, s28, s20, $0xb8;
	[tilespmem:$0xC9E0] =	vst v63  }
0x266: {  	s31 =	simm.s32 $0x65E0;
	s10 =	sadd.s32 $0x1, s10  }
0x267: {  	[tilespmem:s31], [sflag:$0x4] =	stream.indirect.gather [hbm4b:s7+s20], $0x40, s29, s20, $0xb8;
	[tilespmem:$0xC9E0] =	vst v63  }
.LBB2_8:
0x268: {  	_ =	swait.ge [sflag:s11], $0x1400  }
0x269: {  	[sflag:s11] =	ssyncset.done $0x0  }
0x26a: {  	[sflag:s11] =	ssyncadd.s32 $0xFFFFEC00  }
0x26b: {  	_ =	swait.ge [sflag:s11], $0x1400  }
0x26c: {  	[sflag:s11] =	ssyncset.done $0x0  }
0x26d: {  	[sflag:s11] =	ssyncadd.s32 $0xFFFFEC00  }
0x26e: {  	_ =	swait.ge [sflag:s11], $0x1400  }
0x26f: {  	[sflag:s11] =	ssyncset.done $0x0  }
0x270: {  	s19 =	simm.s32 $0x5;
	[sflag:s11] =	ssyncadd.s32 $0xFFFFEC00  }
0x271: {  	_ =	swait.ge [sflag:s19], $0x2800  }
0x272: {  	[sflag:s19] =	ssyncset.done $0x0  }
0x273: {  	s1 =	simm.s32 $0x1660;
	[sflag:s19] =	ssyncadd.s32 $0xFFFFD800  }
0x274: {  	v0 =	vld [tilespmem:s1+$0xFFFFEC40]  }
0x275: {  	v1 =	vld [tilespmem:s1+$0x40];
	_ =	sdelay $0x1  }
0x276: {  	v2 =	vld [tilespmem:s1+$0x1440];
	_ =	sdelay $0x2  }
0x277: {  	v3 =	vshll.u32 v0, $0x10;
	v4 =	vshll.u32 v1, $0x10  }
0x278: {  	v0 =	vand.u32 $0xFFFF0000, v0;
	v1 =	vand.u32 $0xFFFF0000, v1;
	v3 =	vadd.f32 v4, v3  }
0x279: {  	v5 =	vld [tilespmem:s1+$0xFFFFEBC0];
	v0 =	vadd.f32 v1, v0;
	v1 =	vshll.u32 v2, $0x10  }
0x27a: {  	v7 =	vld [tilespmem:s1+$0x0];
	v2 =	vand.u32 $0xFFFF0000, v2;
	v1 =	vadd.f32 v1, v3  }
0x27b: {  	v9 =	vld [tilespmem:s1+$0xFFFFEB80];
	v0 =	vadd.f32 v2, v0  }
0x27c: {  	v4 =	vld [tilespmem:s1+$0xFFFFFF80];
	v6 =	vmul.f32 $2.000000030e-01, v1  }
0x27d: {  	v3 =	vld [tilespmem:s1+$0xFFFFFFC0];
	v8 =	vmul.f32 $2.000000030e-01, v0  }
0x27e: {  	s10 =	simm.s32 $0x7AE0;
	v2 =	vld [tilespmem:s1+$0xFFFFEC00];
	v1 =	vmax.f32 v1, v6  }
0x27f: {  	v6 =	vld [tilespmem:s1+$0x1380];
	v0 =	vmax.f32 v0, v8;
	[tilespmem:s10+$0x80] =	vst v1  }
0x280: {  	v14 =	vshll.u32 v9, $0x10;
	v9 =	vand.u32 $0xFFFF0000, v9;
	v8 =	vld [tilespmem:s1+$0x13C0];
	[tilespmem:s10+$0xC0] =	vst v0  }
0x281: {  	v15 =	vshll.u32 v7, $0x10;
	v7 =	vand.u32 $0xFFFF0000, v7;
	v1 =	vshll.u32 v4, $0x10;
	v11 =	vld [tilespmem:s1+$0xFFFFEC50]  }
0x282: {  	v4 =	vand.u32 $0xFFFF0000, v4;
	v0 =	vshll.u32 v5, $0x10;
	v5 =	vand.u32 $0xFFFF0000, v5;
	v13 =	vld [tilespmem:s1+$0x50]  }
0x283: {  	v10 =	vshll.u32 v3, $0x10;
	v3 =	vand.u32 $0xFFFF0000, v3;
	v1 =	vadd.f32 v1, v14  }
0x284: {  	v12 =	vshll.u32 v2, $0x10;
	v4 =	vadd.f32 v4, v9;
	v9 =	vld [tilespmem:s1+$0x1450];
	v0 =	vadd.f32 v10, v0  }
0x285: {  	v2 =	vand.u32 $0xFFFF0000, v2;
	v3 =	vadd.f32 v3, v5;
	v10 =	vadd.f32 v15, v12  }
0x286: {  	v14 =	vshll.u32 v6, $0x10;
	v6 =	vand.u32 $0xFFFF0000, v6;
	v5 =	vshll.u32 v8, $0x10  }
0x287: {  	v1 =	vadd.f32 v14, v1;
	v12 =	vshll.u32 v11, $0x10;
	v14 =	vshll.u32 v13, $0x10  }
0x288: {  	v11 =	vand.u32 $0xFFFF0000, v11;
	v13 =	vand.u32 $0xFFFF0000, v13;
	v12 =	vadd.f32 v14, v12  }
0x289: {  	v4 =	vadd.f32 v6, v4;
	v6 =	vadd.f32 v13, v11;
	v11 =	vshll.u32 v9, $0x10  }
0x28a: {  	v13 =	vld [tilespmem:s1+$0x1400];
	v14 =	vmul.f32 $2.000000030e-01, v1;
	v9 =	vand.u32 $0xFFFF0000, v9;
	v11 =	vadd.f32 v11, v12  }
0x28b: {  	v8 =	vand.u32 $0xFFFF0000, v8;
	v12 =	vmul.f32 $2.000000030e-01, v4;
	v6 =	vadd.f32 v9, v6  }
0x28c: {  	v0 =	vadd.f32 v5, v0;
	v1 =	vmax.f32 v1, v14;
	v5 =	vmul.f32 $2.000000030e-01, v11  }
0x28d: {  	v3 =	vadd.f32 v8, v3;
	[tilespmem:s10+$0xFFFFFF00] =	vst v1;
	v4 =	vmax.f32 v4, v12;
	v1 =	vmul.f32 $2.000000030e-01, v6  }
0x28e: {  	v2 =	vadd.f32 v7, v2;
	v7 =	vmul.f32 $2.000000030e-01, v0;
	[tilespmem:s10+$0xFFFFFF40] =	vst v4;
	v4 =	vmax.f32 v11, v5  }
0x28f: {  	v8 =	vmul.f32 $2.000000030e-01, v3;
	v5 =	vshll.u32 v13, $0x10;
	v9 =	vld [tilespmem:s1+$0xFFFFEB90];
	v1 =	vmax.f32 v6, v1;
	[tilespmem:s10+$0x90] =	vst v4  }
0x290: {  	v0 =	vmax.f32 v0, v7;
	v6 =	vld [tilespmem:s1+$0xFFFFFF90];
	v4 =	vand.u32 $0xFFFF0000, v13;
	v5 =	vadd.f32 v5, v10;
	[tilespmem:s10+$0xD0] =	vst v1  }
0x291: {  	[tilespmem:s10+$0xFFFFFF80] =	vst v0;
	v1 =	vadd.f32 v4, v2;
	v2 =	vmax.f32 v3, v8;
	v0 =	vld [tilespmem:s1+$0xFFFFEC60]  }
0x292: {  	v3 =	vmul.f32 $2.000000030e-01, v5;
	[tilespmem:s10+$0xFFFFFFC0] =	vst v2;
	v2 =	vld [tilespmem:s1+$0x60]  }
0x293: {  	v4 =	vmul.f32 $2.000000030e-01, v1;
	v7 =	vld [tilespmem:s1+$0xFFFFEBD0]  }
0x294: {  	v3 =	vmax.f32 v5, v3;
	v5 =	vld [tilespmem:s1+$0x1460]  }
0x295: {  	v1 =	vmax.f32 v1, v4;
	[tilespmem:s10+$0x0] =	vst v3;
	v3 =	vshll.u32 v9, $0x10;
	v4 =	vshll.u32 v6, $0x10  }
0x296: {  	v8 =	vand.u32 $0xFFFF0000, v9;
	[tilespmem:s10+$0x40] =	vst v1;
	v1 =	vand.u32 $0xFFFF0000, v6;
	v6 =	vld [tilespmem:s1+$0xFFFFFFD0];
	v3 =	vadd.f32 v4, v3  }
0x297: {  	v1 =	vadd.f32 v1, v8;
	v4 =	vld [tilespmem:s1+$0xFFFFEC10];
	v8 =	vshll.u32 v0, $0x10;
	v9 =	vshll.u32 v2, $0x10  }
0x298: {  	v10 =	vld [tilespmem:s1+$0x10];
	v0 =	vand.u32 $0xFFFF0000, v0;
	v2 =	vand.u32 $0xFFFF0000, v2;
	v8 =	vadd.f32 v9, v8  }
0x299: {  	v9 =	vshll.u32 v7, $0x10;
	v0 =	vadd.f32 v2, v0;
	v2 =	vshll.u32 v5, $0x10  }
0x29a: {  	v11 =	vld [tilespmem:s1+$0x1390];
	v7 =	vand.u32 $0xFFFF0000, v7;
	v5 =	vand.u32 $0xFFFF0000, v5;
	v2 =	vadd.f32 v2, v8  }
0x29b: {  	v0 =	vadd.f32 v5, v0;
	v8 =	vshll.u32 v6, $0x10;
	v6 =	vand.u32 $0xFFFF0000, v6  }
0x29c: {  	v5 =	vld [tilespmem:s1+$0x13D0];
	v12 =	vshll.u32 v4, $0x10;
	v4 =	vand.u32 $0xFFFF0000, v4;
	v13 =	vmul.f32 $2.000000030e-01, v2  }
0x29d: {  	v14 =	vld [tilespmem:s1+$0x1410];
	v15 =	vshll.u32 v10, $0x10;
	v10 =	vand.u32 $0xFFFF0000, v10;
	v16 =	vmul.f32 $2.000000030e-01, v0  }
0x29e: {  	v8 =	vadd.f32 v8, v9;
	v6 =	vadd.f32 v6, v7;
	v2 =	vmax.f32 v2, v13  }
0x29f: {  	v9 =	vshll.u32 v11, $0x10;
	v7 =	vadd.f32 v15, v12;
	v0 =	vmax.f32 v0, v16;
	[tilespmem:s10+$0xA0] =	vst v2  }
0x2a0: {  	v4 =	vadd.f32 v10, v4;
	v3 =	vadd.f32 v9, v3;
	v2 =	vand.u32 $0xFFFF0000, v11;
	[tilespmem:s10+$0xE0] =	vst v0  }
0x2a1: {  	v9 =	vshll.u32 v5, $0x10;
	v0 =	vand.u32 $0xFFFF0000, v5;
	v1 =	vadd.f32 v2, v1;
	v5 =	vld [tilespmem:s1+$0xFFFFEC70]  }
0x2a2: {  	v10 =	vand.u32 $0xFFFF0000, v14;
	v8 =	vadd.f32 v9, v8;
	v9 =	vmul.f32 $2.000000030e-01, v3;
	v11 =	vld [tilespmem:s1+$0x70]  }
0x2a3: {  	v2 =	vshll.u32 v14, $0x10;
	v0 =	vadd.f32 v0, v6;
	v6 =	vmul.f32 $2.000000030e-01, v1  }
0x2a4: {  	s17 =	simm.s32 $0x1760;
	v2 =	vadd.f32 v2, v7;
	v7 =	vmul.f32 $2.000000030e-01, v8;
	v3 =	vmax.f32 v3, v9;
	v9 =	vld [tilespmem:s1+$0x1470]  }
0x2a5: {  	v17 =	vld [tilespmem:s17+$0xFFFFEC00];
	v4 =	vadd.f32 v10, v4;
	v10 =	vmul.f32 $2.000000030e-01, v0;
	[tilespmem:s10+$0xFFFFFF10] =	vst v3;
	v1 =	vmax.f32 v1, v6  }
0x2a6: {  	v3 =	vmul.f32 $2.000000030e-01, v2;
	v6 =	vmax.f32 v8, v7;
	[tilespmem:s10+$0xFFFFFF50] =	vst v1  }
0x2a7: {  	v0 =	vmax.f32 v0, v10;
	[tilespmem:s10+$0xFFFFFF90] =	vst v6;
	v6 =	vand.u32 $0xFFFF0000, v5;
	v8 =	vand.u32 $0xFFFF0000, v11;
	v7 =	vld [tilespmem:s1+$0xFFFFEBA0]  }
0x2a8: {  	v1 =	vmul.f32 $2.000000030e-01, v4;
	v2 =	vmax.f32 v2, v3;
	[tilespmem:s10+$0xFFFFFFD0] =	vst v0;
	v3 =	vld [tilespmem:s1+$0xFFFFFFA0];
	v0 =	vadd.f32 v8, v6  }
0x2a9: {  	[tilespmem:s10+$0x10] =	vst v2;
	v6 =	vld [tilespmem:s1+$0xFFFFFFE0];
	v2 =	vand.u32 $0xFFFF0000, v9  }
0x2aa: {  	v21 =	vshll.u32 v17, $0x10;
	v1 =	vmax.f32 v4, v1;
	v4 =	vld [tilespmem:s1+$0xFFFFEBE0];
	v0 =	vadd.f32 v2, v0  }
0x2ab: {  	v17 =	vand.u32 $0xFFFF0000, v17;
	[tilespmem:s10+$0x50] =	vst v1;
	v1 =	vshll.u32 v5, $0x10;
	v2 =	vshll.u32 v11, $0x10;
	v11 =	vld [tilespmem:s1+$0x13A0]  }
0x2ac: {  	v8 =	vshll.u32 v9, $0x10;
	v5 =	vld [tilespmem:s1+$0xFFFFEC20];
	v1 =	vadd.f32 v2, v1;
	v9 =	vmul.f32 $2.000000030e-01, v0  }
0x2ad: {  	v2 =	vld [tilespmem:s1+$0x20];
	v10 =	vshll.u32 v7, $0x10;
	v12 =	vshll.u32 v3, $0x10;
	v7 =	vand.u32 $0xFFFF0000, v7  }
0x2ae: {  	v3 =	vand.u32 $0xFFFF0000, v3;
	v14 =	vshll.u32 v6, $0x10;
	v6 =	vand.u32 $0xFFFF0000, v6  }
0x2af: {  	v1 =	vadd.f32 v8, v1;
	v10 =	vadd.f32 v12, v10;
	v12 =	vld [tilespmem:s1+$0x13E0];
	v13 =	vshll.u32 v4, $0x10  }
0x2b0: {  	v4 =	vand.u32 $0xFFFF0000, v4;
	v3 =	vadd.f32 v3, v7;
	v7 =	vld [tilespmem:s1+$0x1420];
	v13 =	vadd.f32 v14, v13  }
0x2b1: {  	v4 =	vadd.f32 v6, v4;
	v15 =	vshll.u32 v11, $0x10;
	v14 =	vshll.u32 v5, $0x10  }
0x2b2: {  	v5 =	vand.u32 $0xFFFF0000, v5;
	v6 =	vshll.u32 v2, $0x10;
	v2 =	vand.u32 $0xFFFF0000, v2  }
0x2b3: {  	v10 =	vadd.f32 v15, v10;
	v2 =	vadd.f32 v2, v5;
	v5 =	vand.u32 $0xFFFF0000, v11  }
0x2b4: {  	v6 =	vadd.f32 v6, v14;
	v3 =	vadd.f32 v5, v3;
	v11 =	vshll.u32 v12, $0x10  }
0x2b5: {  	v12 =	vand.u32 $0xFFFF0000, v12;
	v14 =	vshll.u32 v7, $0x10;
	v7 =	vand.u32 $0xFFFF0000, v7  }
0x2b6: {  	v5 =	vadd.f32 v11, v13;
	v11 =	vmul.f32 $2.000000030e-01, v10;
	v4 =	vadd.f32 v12, v4;
	v12 =	vld [tilespmem:s17+$0xFFFFEC40]  }
0x2b7: {  	v6 =	vadd.f32 v14, v6;
	v13 =	vmul.f32 $2.000000030e-01, v3;
	v2 =	vadd.f32 v7, v2;
	v7 =	vld [tilespmem:s17+$0x40]  }
0x2b8: {  	v16 =	vld [tilespmem:s17+$0x1440];
	v0 =	vmax.f32 v0, v9;
	v9 =	vmul.f32 $2.000000030e-01, v5;
	v14 =	vmul.f32 $2.000000030e-01, v4  }
0x2b9: {  	v8 =	vmul.f32 $2.000000030e-01, v6;
	v15 =	vmul.f32 $2.000000030e-01, v2;
	v3 =	vmax.f32 v3, v13;
	v13 =	vld [tilespmem:s17+$0xFFFFFFC0]  }
0x2ba: {  	v10 =	vmax.f32 v10, v11;
	v11 =	vmul.f32 $2.000000030e-01, v1;
	v5 =	vmax.f32 v5, v9;
	v9 =	vld [tilespmem:s17+$0xFFFFFF80]  }
0x2bb: {  	v4 =	vmax.f32 v4, v14;
	v6 =	vmax.f32 v6, v8;
	v2 =	vmax.f32 v2, v15;
	v8 =	vld [tilespmem:s17+$0xFFFFEBC0]  }
0x2bc: {  	v1 =	vmax.f32 v1, v11;
	v11 =	vld [tilespmem:s17+$0xFFFFEB80];
	v14 =	vshll.u32 v12, $0x10;
	v15 =	vshll.u32 v7, $0x10  }
0x2bd: {  	v12 =	vand.u32 $0xFFFF0000, v12;
	v7 =	vand.u32 $0xFFFF0000, v7;
	v14 =	vadd.f32 v15, v14  }
0x2be: {  	v7 =	vadd.f32 v7, v12;
	v12 =	vshll.u32 v16, $0x10;
	v16 =	vand.u32 $0xFFFF0000, v16  }
0x2bf: {  	[tilespmem:s10+$0xFFFFFF20] =	vst v10;
	v10 =	vld [tilespmem:s17+$0x13C0];
	v19 =	vshll.u32 v13, $0x10;
	v13 =	vand.u32 $0xFFFF0000, v13;
	v12 =	vadd.f32 v12, v14  }
0x2c0: {  	v15 =	vld [tilespmem:s17+$0x0];
	v7 =	vadd.f32 v16, v7;
	v18 =	vshll.u32 v9, $0x10;
	v9 =	vand.u32 $0xFFFF0000, v9  }
0x2c1: {  	[tilespmem:s10+$0xFFFFFF60] =	vst v3;
	v3 =	vld [tilespmem:s17+$0x1400];
	v14 =	vshll.u32 v8, $0x10;
	v8 =	vand.u32 $0xFFFF0000, v8;
	v23 =	vshll.u32 v11, $0x10  }
0x2c2: {  	v16 =	vld [tilespmem:s17+$0x1380];
	v11 =	vand.u32 $0xFFFF0000, v11;
	v20 =	vmul.f32 $2.000000030e-01, v12;
	v18 =	vadd.f32 v18, v23  }
0x2c3: {  	v22 =	vmul.f32 $2.000000030e-01, v7;
	v9 =	vadd.f32 v9, v11;
	v14 =	vadd.f32 v19, v14  }
0x2c4: {  	s0 =	simm.s32 $0x7CE0;
	v8 =	vadd.f32 v13, v8;
	v13 =	vshll.u32 v10, $0x10;
	v12 =	vmax.f32 v12, v20  }
0x2c5: {  	v37 =	vshll.u32 v15, $0x10;
	v15 =	vand.u32 $0xFFFF0000, v15;
	v7 =	vmax.f32 v7, v22;
	[tilespmem:s0+$0x80] =	vst v12  }
0x2c6: {  	v10 =	vand.u32 $0xFFFF0000, v10;
	v19 =	vadd.f32 v37, v21;
	v15 =	vadd.f32 v15, v17;
	v12 =	vld [tilespmem:s1+$0xFFFFEBB0];
	[tilespmem:s0+$0xC0] =	vst v7  }
0x2c7: {  	v17 =	vshll.u32 v3, $0x10;
	v7 =	vshll.u32 v16, $0x10;
	v11 =	vand.u32 $0xFFFF0000, v16;
	v16 =	vld [tilespmem:s17+$0xFFFFEC50]  }
0x2c8: {  	v3 =	vand.u32 $0xFFFF0000, v3;
	v13 =	vadd.f32 v13, v14;
	v8 =	vadd.f32 v10, v8;
	v38 =	vld [tilespmem:s17+$0x50]  }
0x2c9: {  	v7 =	vadd.f32 v7, v18;
	v3 =	vadd.f32 v3, v15  }
0x2ca: {  	[tilespmem:s10+$0xFFFFFFA0] =	vst v5;
	v9 =	vadd.f32 v11, v9;
	v11 =	vld [tilespmem:s17+$0x1450];
	v14 =	vadd.f32 v17, v19  }
0x2cb: {  	[tilespmem:s10+$0x20] =	vst v6;
	v19 =	vmul.f32 $2.000000030e-01, v13;
	v40 =	vmul.f32 $2.000000030e-01, v3;
	v18 =	vshll.u32 v12, $0x10  }
0x2cc: {  	[tilespmem:s10+$0x60] =	vst v2;
	v10 =	vand.u32 $0xFFFF0000, v12;
	v12 =	vmul.f32 $2.000000030e-01, v7;
	v15 =	vshll.u32 v16, $0x10  }
0x2cd: {  	[tilespmem:s10+$0xFFFFFFE0] =	vst v4;
	v41 =	vld [tilespmem:s1+$0x30];
	v17 =	vshll.u32 v38, $0x10;
	v5 =	vand.u32 $0xFFFF0000, v16;
	v16 =	vand.u32 $0xFFFF0000, v38  }
0x2ce: {  	v47 =	vld [tilespmem:s1+$0x13F0];
	v3 =	vmax.f32 v3, v40;
	v15 =	vadd.f32 v17, v15;
	v5 =	vadd.f32 v16, v5  }
0x2cf: {  	v4 =	vld [tilespmem:s1+$0xFFFFFFB0];
	v17 =	vmul.f32 $2.000000030e-01, v9;
	v16 =	vshll.u32 v11, $0x10;
	v11 =	vand.u32 $0xFFFF0000, v11  }
0x2d0: {  	v2 =	vld [tilespmem:s1+$0xFFFFFFF0];
	[tilespmem:s0+$0x40] =	vst v3;
	v7 =	vmax.f32 v7, v12;
	v15 =	vadd.f32 v16, v15;
	v5 =	vadd.f32 v11, v5  }
0x2d1: {  	v6 =	vld [tilespmem:s1+$0xFFFFEBF0];
	v39 =	vmul.f32 $2.000000030e-01, v14;
	[tilespmem:s0+$0xFFFFFF00] =	vst v7;
	v7 =	vmax.f32 v13, v19;
	v16 =	vmul.f32 $2.000000030e-01, v8  }
0x2d2: {  	v11 =	vld [tilespmem:s1+$0xFFFFEC30];
	v9 =	vmax.f32 v9, v17;
	[tilespmem:s0+$0xFFFFFF80] =	vst v7;
	v12 =	vmul.f32 $2.000000030e-01, v15;
	v13 =	vmul.f32 $2.000000030e-01, v5  }
0x2d3: {  	v50 =	vshll.u32 v47, $0x10;
	v17 =	vld [tilespmem:s1+$0x13B0];
	v7 =	vand.u32 $0xFFFF0000, v41;
	[tilespmem:s0+$0xFFFFFF40] =	vst v9;
	v8 =	vmax.f32 v8, v16  }
0x2d4: {  	v9 =	vmax.f32 v14, v39;
	v14 =	vld [tilespmem:s17+$0xFFFFEB90];
	[tilespmem:s0+$0xFFFFFFC0] =	vst v8;
	v12 =	vmax.f32 v15, v12;
	v5 =	vmax.f32 v5, v13  }
0x2d5: {  	v13 =	vld [tilespmem:s17+$0xFFFFFF90];
	v15 =	vshll.u32 v2, $0x10;
	v2 =	vand.u32 $0xFFFF0000, v2;
	[tilespmem:s0+$0x90] =	vst v12;
	v12 =	vshll.u32 v4, $0x10  }
0x2d6: {  	v3 =	vld [tilespmem:s17+$0xFFFFFFD0];
	v4 =	vand.u32 $0xFFFF0000, v4;
	[tilespmem:s0+$0xD0] =	vst v5;
	v5 =	vshll.u32 v6, $0x10;
	v6 =	vand.u32 $0xFFFF0000, v6  }
0x2d7: {  	v19 =	vshll.u32 v11, $0x10;
	v11 =	vand.u32 $0xFFFF0000, v11;
	v16 =	vld [tilespmem:s17+$0xFFFFEC60];
	v12 =	vadd.f32 v12, v18  }
0x2d8: {  	v42 =	vld [tilespmem:s17+$0x60];
	v18 =	vshll.u32 v41, $0x10;
	v4 =	vadd.f32 v4, v10;
	v5 =	vadd.f32 v15, v5  }
0x2d9: {  	v15 =	vadd.f32 v2, v6;
	v2 =	vld [tilespmem:s17+$0xFFFFEBD0];
	v7 =	vadd.f32 v7, v11;
	v8 =	vshll.u32 v14, $0x10  }
0x2da: {  	[tilespmem:s0+$0x0] =	vst v9;
	v10 =	vand.u32 $0xFFFF0000, v14;
	v14 =	vld [tilespmem:s17+$0x1460];
	v6 =	vshll.u32 v13, $0x10;
	v9 =	vand.u32 $0xFFFF0000, v13  }
0x2db: {  	v13 =	vadd.f32 v18, v19;
	v18 =	vshll.u32 v17, $0x10;
	v45 =	vshll.u32 v3, $0x10  }
0x2dc: {  	v43 =	vld [tilespmem:s17+$0x1390];
	v3 =	vand.u32 $0xFFFF0000, v3;
	v6 =	vadd.f32 v6, v8;
	v8 =	vadd.f32 v9, v10  }
0x2dd: {  	v10 =	vand.u32 $0xFFFF0000, v17;
	v17 =	vshll.u32 v16, $0x10;
	v19 =	vshll.u32 v42, $0x10  }
0x2de: {  	v9 =	vld [tilespmem:s17+$0xFFFFEC10];
	v16 =	vand.u32 $0xFFFF0000, v16;
	v20 =	vand.u32 $0xFFFF0000, v42;
	v17 =	vadd.f32 v19, v17  }
0x2df: {  	v44 =	vshll.u32 v2, $0x10;
	v19 =	vld [tilespmem:s17+$0x10];
	v11 =	vadd.f32 v20, v16;
	v16 =	vshll.u32 v14, $0x10  }
0x2e0: {  	v2 =	vand.u32 $0xFFFF0000, v2;
	v14 =	vand.u32 $0xFFFF0000, v14;
	v16 =	vadd.f32 v16, v17  }
0x2e1: {  	v21 =	vadd.f32 v45, v44;
	v20 =	vand.u32 $0xFFFF0000, v43;
	v17 =	vld [tilespmem:s17+$0x13D0];
	v11 =	vadd.f32 v14, v11  }
0x2e2: {  	v2 =	vadd.f32 v3, v2;
	v8 =	vadd.f32 v20, v8;
	v14 =	vld [tilespmem:s17+$0x1410];
	v24 =	vmul.f32 $2.000000030e-01, v16  }
0x2e3: {  	v46 =	vshll.u32 v9, $0x10;
	v9 =	vand.u32 $0xFFFF0000, v9;
	v25 =	vmul.f32 $2.000000030e-01, v11  }
0x2e4: {  	v26 =	vshll.u32 v19, $0x10;
	v19 =	vand.u32 $0xFFFF0000, v19;
	v16 =	vmax.f32 v16, v24  }
0x2e5: {  	v3 =	vadd.f32 v26, v46;
	v11 =	vmax.f32 v11, v25;
	v9 =	vadd.f32 v19, v9;
	[tilespmem:s0+$0xA0] =	vst v16  }
0x2e6: {  	v19 =	vshll.u32 v43, $0x10;
	v16 =	vld [tilespmem:s1+$0x1430];
	[tilespmem:s0+$0xE0] =	vst v11;
	v11 =	vshll.u32 v17, $0x10;
	v17 =	vand.u32 $0xFFFF0000, v17  }
0x2e7: {  	v48 =	vshll.u32 v14, $0x10;
	v14 =	vand.u32 $0xFFFF0000, v14;
	v6 =	vadd.f32 v19, v6;
	v49 =	vld [tilespmem:s17+$0xFFFFEC70]  }
0x2e8: {  	v19 =	vld [tilespmem:s17+$0x70];
	v11 =	vadd.f32 v11, v21;
	v2 =	vadd.f32 v17, v2;
	v17 =	vand.u32 $0xFFFF0000, v47  }
0x2e9: {  	v9 =	vadd.f32 v14, v9;
	v14 =	vmul.f32 $2.000000030e-01, v8;
	v51 =	vmul.f32 $2.000000030e-01, v6  }
0x2ea: {  	v3 =	vadd.f32 v48, v3;
	v53 =	vmul.f32 $2.000000030e-01, v11;
	v55 =	vmul.f32 $2.000000030e-01, v2  }
0x2eb: {  	v52 =	vld [tilespmem:s17+$0x1470];
	v8 =	vmax.f32 v8, v14;
	v57 =	vmul.f32 $2.000000030e-01, v9;
	v6 =	vmax.f32 v6, v51  }
0x2ec: {  	v54 =	vshll.u32 v16, $0x10;
	[tilespmem:s0+$0xFFFFFF10] =	vst v6;
	v6 =	vmul.f32 $2.000000030e-01, v3;
	v11 =	vmax.f32 v11, v53  }
0x2ed: {  	[tilespmem:s0+$0xFFFFFF50] =	vst v8;
	v2 =	vmax.f32 v2, v55;
	v56 =	vand.u32 $0xFFFF0000, v49;
	v14 =	vand.u32 $0xFFFF0000, v19  }
0x2ee: {  	v58 =	vld [tilespmem:s17+$0xFFFFEBA0];
	[tilespmem:s0+$0xFFFFFFD0] =	vst v2;
	v2 =	vshll.u32 v19, $0x10;
	v3 =	vmax.f32 v3, v6;
	v6 =	vshll.u32 v49, $0x10  }
0x2ef: {  	v9 =	vmax.f32 v9, v57;
	[tilespmem:s0+$0xFFFFFF90] =	vst v11;
	v11 =	vld [tilespmem:s17+$0xFFFFFFA0];
	v14 =	vadd.f32 v14, v56;
	v59 =	vadd.f32 v2, v6  }
0x2f0: {  	v8 =	vand.u32 $0xFFFF0000, v52;
	[tilespmem:s0+$0x50] =	vst v9;
	v19 =	vld [tilespmem:s17+$0xFFFFEBE0];
	v6 =	vadd.f32 v18, v12;
	v2 =	vadd.f32 v10, v4  }
0x2f1: {  	[tilespmem:s0+$0x10] =	vst v3;
	v12 =	vand.u32 $0xFFFF0000, v16;
	v16 =	vld [tilespmem:s17+$0xFFFFFFE0];
	v3 =	vadd.f32 v50, v5;
	v8 =	vadd.f32 v8, v14  }
0x2f2: {  	v5 =	vadd.f32 v17, v15;
	v4 =	vadd.f32 v54, v13;
	v9 =	vld [tilespmem:s17+$0xFFFFEC20]  }
0x2f3: {  	v14 =	vshll.u32 v52, $0x10;
	v15 =	vld [tilespmem:s17+$0x20];
	v7 =	vadd.f32 v12, v7;
	v60 =	vmul.f32 $2.000000030e-01, v8  }
0x2f4: {  	v12 =	vld [tilespmem:s17+$0x13A0];
	v10 =	vshll.u32 v58, $0x10;
	v13 =	vand.u32 $0xFFFF0000, v58;
	v17 =	vshll.u32 v11, $0x10  }
0x2f5: {  	v61 =	vld [tilespmem:s17+$0x1420];
	v11 =	vand.u32 $0xFFFF0000, v11;
	v10 =	vadd.f32 v17, v10;
	v17 =	vshll.u32 v19, $0x10  }
0x2f6: {  	v19 =	vand.u32 $0xFFFF0000, v19;
	v11 =	vadd.f32 v11, v13;
	v18 =	vmax.f32 v8, v60  }
0x2f7: {  	v8 =	vadd.f32 v14, v59;
	v14 =	vld [tilespmem:s17+$0x13E0];
	v13 =	vshll.u32 v16, $0x10;
	v16 =	vand.u32 $0xFFFF0000, v16  }
0x2f8: {  	v13 =	vadd.f32 v13, v17;
	v17 =	vshll.u32 v9, $0x10;
	v9 =	vand.u32 $0xFFFF0000, v9  }
0x2f9: {  	v16 =	vadd.f32 v16, v19;
	v19 =	vshll.u32 v15, $0x10;
	v15 =	vand.u32 $0xFFFF0000, v15  }
0x2fa: {  	v62 =	vshll.u32 v12, $0x10;
	v20 =	vand.u32 $0xFFFF0000, v61;
	v17 =	vadd.f32 v19, v17  }
0x2fb: {  	v19 =	vadd.f32 v15, v9;
	v9 =	vand.u32 $0xFFFF0000, v12;
	v21 =	vadd.f32 v62, v10  }
0x2fc: {  	v10 =	vshll.u32 v61, $0x10;
	v11 =	vadd.f32 v9, v11;
	v12 =	vshll.u32 v14, $0x10  }
0x2fd: {  	v9 =	vmul.f32 $2.000000030e-01, v6;
	v14 =	vand.u32 $0xFFFF0000, v14;
	v12 =	vadd.f32 v12, v13  }
0x2fe: {  	[tilespmem:s10+$0xF0] =	vst v0;
	v63 =	vmul.f32 $2.000000030e-01, v21;
	v10 =	vadd.f32 v10, v17;
	v13 =	vadd.f32 v14, v16  }
0x2ff: {  	[tilespmem:s10+$0xB0] =	vst v1;
	v0 =	vadd.f32 v20, v19;
	v14 =	vmul.f32 $2.000000030e-01, v11;
	v15 =	vmul.f32 $2.000000030e-01, v12  }
0x300: {  	s16 =	simm.s32 $0x1860;
	s1 =	simm.s32 $0x4;
	[tilespmem:s0+$0xF0] =	vst v18;
	v17 =	vmax.f32 v21, v63;
	v1 =	vmul.f32 $2.000000030e-01, v10;
	v16 =	vmul.f32 $2.000000030e-01, v13  }
.LBB2_9:
0x301: {  	v18 =	vld [tilespmem:s16+$0xFFFFEC40];
	[tilespmem:s0+$0xFFFFFF20] =	vst v17;
	v11 =	vmax.f32 v11, v14;
	v12 =	vmax.f32 v12, v15;
	v14 =	vmul.f32 $2.000000030e-01, v0  }
0x302: {  	v15 =	vld [tilespmem:s16+$0x40];
	[tilespmem:s0+$0xFFFFFF60] =	vst v11;
	v11 =	vmax.f32 v13, v16;
	v1 =	vmax.f32 v10, v1;
	v10 =	vmul.f32 $2.000000030e-01, v2  }
0x303: {  	v13 =	vld [tilespmem:s16+$0xFFFFFF80];
	[tilespmem:s0+$0xFFFFFFA0] =	vst v12;
	v0 =	vmax.f32 v0, v14;
	v12 =	vmul.f32 $2.000000030e-01, v3;
	v14 =	vmul.f32 $2.000000030e-01, v5  }
0x304: {  	v6 =	vmax.f32 v6, v9;
	v9 =	vmul.f32 $2.000000030e-01, v4;
	v16 =	vld [tilespmem:s16+$0x1440];
	[tilespmem:s0+$0xFFFFFFE0] =	vst v11;
	v11 =	vmul.f32 $2.000000030e-01, v7  }
0x305: {  	v2 =	vmax.f32 v2, v10;
	v17 =	vld [tilespmem:s16+$0xFFFFEBC0];
	[tilespmem:s0+$0x20] =	vst v1;
	v1 =	vmul.f32 $2.000000030e-01, v8;
	v3 =	vmax.f32 v3, v12  }
0x306: {  	v4 =	vmax.f32 v4, v9;
	v10 =	vld [tilespmem:s16+$0xFFFFFFC0];
	[tilespmem:s0+$0x60] =	vst v0;
	v0 =	vmax.f32 v5, v14;
	v5 =	vmax.f32 v7, v11  }
0x307: {  	v9 =	vshll.u32 v18, $0x10;
	v7 =	vld [tilespmem:s16+$0xFFFFEC00];
	v11 =	vshll.u32 v15, $0x10;
	v1 =	vmax.f32 v8, v1;
	[tilespmem:s10+$0xFFFFFF30] =	vst v6  }
0x308: {  	s1 =	sadd.s32 $0x4, s1;
	v8 =	vand.u32 $0xFFFF0000, v18;
	v12 =	vand.u32 $0xFFFF0000, v15;
	v6 =	vld [tilespmem:s16+$0x0];
	v9 =	vadd.f32 v11, v9;
	[tilespmem:s10+$0xFFFFFF70] =	vst v2  }
0x309: {  	p0 =	slt.u32 s1, $0x4C;
	v11 =	vshll.u32 v13, $0x10;
	v8 =	vadd.f32 v12, v8;
	v2 =	vld [tilespmem:s16+$0xFFFFEB80];
	v12 =	vshll.u32 v16, $0x10;
	[tilespmem:s10+$0xFFFFFFB0] =	vst v3  }
0x30a: {  	v13 =	vand.u32 $0xFFFF0000, v13;
	v14 =	vand.u32 $0xFFFF0000, v16;
	v3 =	vld [tilespmem:s16+$0x1380];
	v9 =	vadd.f32 v12, v9;
	[tilespmem:s10+$0xFFFFFFF0] =	vst v0  }
0x30b: {  	v12 =	vshll.u32 v17, $0x10;
	v15 =	vand.u32 $0xFFFF0000, v17;
	v8 =	vadd.f32 v14, v8;
	v0 =	vld [tilespmem:s16+$0x13C0];
	[tilespmem:s10+$0x30] =	vst v4  }
0x30c: {  	v4 =	vshll.u32 v10, $0x10;
	v10 =	vand.u32 $0xFFFF0000, v10;
	v14 =	vld [tilespmem:s16+$0x1400];
	v16 =	vmul.f32 $2.000000030e-01, v9;
	[tilespmem:s10+$0x70] =	vst v5;
	s10 =	smov.u32 s0  }
0x30d: {  	v5 =	vshll.u32 v7, $0x10;
	v7 =	vand.u32 $0xFFFF0000, v7;
	v17 =	vmul.f32 $2.000000030e-01, v8;
	v18 =	vld [tilespmem:s17+$0xFFFFEBB0];
	[tilespmem:s0+$0xB0] =	vst v1  }
0x30e: {  	s0 =	sadd.s32 $0x200, s0;
	v1 =	vshll.u32 v2, $0x10;
	v2 =	vand.u32 $0xFFFF0000, v2;
	v9 =	vmax.f32 v9, v16;
	v16 =	vld [tilespmem:s17+$0xFFFFFFB0]  }
0x30f: {  	v19 =	vshll.u32 v6, $0x10;
	v6 =	vand.u32 $0xFFFF0000, v6;
	v8 =	vmax.f32 v8, v17;
	[tilespmem:s0+$0x80] =	vst v9;
	v9 =	vld [tilespmem:s17+$0xFFFFEBF0]  }
0x310: {  	v1 =	vadd.f32 v11, v1;
	v2 =	vadd.f32 v13, v2;
	v11 =	vshll.u32 v3, $0x10;
	[tilespmem:s0+$0xC0] =	vst v8;
	v8 =	vld [tilespmem:s17+$0xFFFFFFF0]  }
0x311: {  	v4 =	vadd.f32 v4, v12;
	v10 =	vadd.f32 v10, v15;
	v3 =	vand.u32 $0xFFFF0000, v3;
	v12 =	vld [tilespmem:s16+$0xFFFFEC50]  }
0x312: {  	v5 =	vadd.f32 v19, v5;
	v6 =	vadd.f32 v6, v7;
	v13 =	vshll.u32 v0, $0x10;
	v7 =	vld [tilespmem:s16+$0x50]  }
0x313: {  	v0 =	vand.u32 $0xFFFF0000, v0;
	v15 =	vshll.u32 v14, $0x10;
	v14 =	vand.u32 $0xFFFF0000, v14;
	v17 =	vld [tilespmem:s17+$0xFFFFEC30]  }
0x314: {  	v11 =	vadd.f32 v11, v1;
	v2 =	vadd.f32 v3, v2;
	v19 =	vshll.u32 v18, $0x10;
	v3 =	vld [tilespmem:s16+$0x1450]  }
0x315: {  	v4 =	vadd.f32 v13, v4;
	v10 =	vadd.f32 v0, v10;
	v13 =	vand.u32 $0xFFFF0000, v18;
	v18 =	vld [tilespmem:s17+$0x30]  }
0x316: {  	v5 =	vadd.f32 v15, v5;
	v6 =	vadd.f32 v14, v6;
	v20 =	vmul.f32 $2.000000030e-01, v11;
	v14 =	vld [tilespmem:s17+$0x13B0]  }
0x317: {  	v15 =	vmul.f32 $2.000000030e-01, v2;
	v0 =	vshll.u32 v12, $0x10;
	v21 =	vshll.u32 v7, $0x10;
	v1 =	vld [tilespmem:s17+$0x13F0]  }
0x318: {  	v12 =	vand.u32 $0xFFFF0000, v12;
	v7 =	vand.u32 $0xFFFF0000, v7;
	v21 =	vadd.f32 v21, v0;
	v0 =	vld [tilespmem:s17+$0x1430];
	s17 =	smov.u32 s16  }
0x319: {  	v22 =	vmul.f32 $2.000000030e-01, v4;
	v7 =	vadd.f32 v7, v12;
	v12 =	vshll.u32 v3, $0x10  }
0x31a: {  	v23 =	vmul.f32 $2.000000030e-01, v10;
	v3 =	vand.u32 $0xFFFF0000, v3;
	v12 =	vadd.f32 v12, v21  }
0x31b: {  	v24 =	vmul.f32 $2.000000030e-01, v6;
	v21 =	vmul.f32 $2.000000030e-01, v5;
	v3 =	vadd.f32 v3, v7  }
0x31c: {  	v2 =	vmax.f32 v2, v15;
	v7 =	vmax.f32 v11, v20;
	v11 =	vmul.f32 $2.000000030e-01, v12  }
0x31d: {  	v4 =	vmax.f32 v4, v22;
	[tilespmem:s0+$0xFFFFFF00] =	vst v7;
	v7 =	vmax.f32 v10, v23;
	v10 =	vmul.f32 $2.000000030e-01, v3  }
0x31e: {  	v6 =	vmax.f32 v6, v24;
	v5 =	vmax.f32 v5, v21;
	[tilespmem:s0+$0xFFFFFF40] =	vst v2;
	v2 =	vmax.f32 v12, v11  }
0x31f: {  	v11 =	vld [tilespmem:s16+$0xFFFFEB90];
	[tilespmem:s0+$0x90] =	vst v2;
	v2 =	vmax.f32 v3, v10;
	v3 =	vshll.u32 v16, $0x10;
	v10 =	vand.u32 $0xFFFF0000, v16  }
0x320: {  	v15 =	vshll.u32 v9, $0x10;
	v9 =	vand.u32 $0xFFFF0000, v9;
	v16 =	vshll.u32 v8, $0x10;
	v12 =	vld [tilespmem:s16+$0xFFFFFF90];
	[tilespmem:s0+$0xD0] =	vst v2  }
0x321: {  	v20 =	vshll.u32 v17, $0x10;
	v17 =	vand.u32 $0xFFFF0000, v17;
	v8 =	vand.u32 $0xFFFF0000, v8;
	[tilespmem:s0+$0xFFFFFF80] =	vst v4;
	v4 =	vld [tilespmem:s16+$0xFFFFEC60]  }
0x322: {  	v2 =	vadd.f32 v3, v19;
	v3 =	vshll.u32 v18, $0x10;
	v18 =	vand.u32 $0xFFFF0000, v18;
	[tilespmem:s0+$0xFFFFFFC0] =	vst v7;
	v7 =	vld [tilespmem:s16+$0x60]  }
0x323: {  	v19 =	vld [tilespmem:s16+$0xFFFFEBD0];
	[tilespmem:s0+$0x0] =	vst v5;
	v5 =	vadd.f32 v10, v13;
	v10 =	vshll.u32 v14, $0x10;
	v13 =	vadd.f32 v16, v15  }
0x324: {  	v8 =	vadd.f32 v8, v9;
	v15 =	vshll.u32 v11, $0x10;
	v11 =	vand.u32 $0xFFFF0000, v11;
	[tilespmem:s0+$0x40] =	vst v6;
	v6 =	vld [tilespmem:s16+$0x1460]  }
0x325: {  	v20 =	vadd.f32 v3, v20;
	v9 =	vshll.u32 v12, $0x10;
	v12 =	vand.u32 $0xFFFF0000, v12;
	v16 =	vld [tilespmem:s16+$0xFFFFFFD0]  }
0x326: {  	v3 =	vadd.f32 v9, v15;
	v9 =	vadd.f32 v12, v11;
	v11 =	vld [tilespmem:s16+$0xFFFFEC10];
	v12 =	vand.u32 $0xFFFF0000, v14  }
0x327: {  	v17 =	vadd.f32 v18, v17;
	v15 =	vshll.u32 v4, $0x10;
	v14 =	vld [tilespmem:s16+$0x10];
	v21 =	vshll.u32 v7, $0x10  }
0x328: {  	v4 =	vand.u32 $0xFFFF0000, v4;
	v7 =	vand.u32 $0xFFFF0000, v7;
	v18 =	vld [tilespmem:s16+$0x1390];
	v15 =	vadd.f32 v21, v15  }
0x329: {  	v22 =	vshll.u32 v19, $0x10;
	v4 =	vadd.f32 v7, v4;
	v21 =	vld [tilespmem:s16+$0x13D0];
	v7 =	vshll.u32 v6, $0x10  }
0x32a: {  	v19 =	vand.u32 $0xFFFF0000, v19;
	v6 =	vand.u32 $0xFFFF0000, v6;
	v23 =	vld [tilespmem:s16+$0x1410];
	v7 =	vadd.f32 v7, v15  }
0x32b: {  	v15 =	vshll.u32 v16, $0x10;
	v16 =	vand.u32 $0xFFFF0000, v16;
	v4 =	vadd.f32 v6, v4  }
0x32c: {  	v6 =	vshll.u32 v11, $0x10;
	v11 =	vand.u32 $0xFFFF0000, v11;
	v24 =	vmul.f32 $2.000000030e-01, v7  }
0x32d: {  	v25 =	vshll.u32 v14, $0x10;
	v14 =	vand.u32 $0xFFFF0000, v14;
	v26 =	vmul.f32 $2.000000030e-01, v4  }
0x32e: {  	v15 =	vadd.f32 v15, v22;
	v16 =	vadd.f32 v16, v19;
	v7 =	vmax.f32 v7, v24  }
0x32f: {  	v6 =	vadd.f32 v25, v6;
	v11 =	vadd.f32 v14, v11;
	v4 =	vmax.f32 v4, v26;
	[tilespmem:s0+$0xA0] =	vst v7  }
0x330: {  	v14 =	vand.u32 $0xFFFF0000, v18;
	v7 =	vshll.u32 v18, $0x10;
	v18 =	vshll.u32 v21, $0x10;
	[tilespmem:s0+$0xE0] =	vst v4  }
0x331: {  	v19 =	vshll.u32 v23, $0x10;
	v4 =	vand.u32 $0xFFFF0000, v21;
	v21 =	vand.u32 $0xFFFF0000, v23;
	v22 =	vld [tilespmem:s16+$0xFFFFEC70]  }
0x332: {  	v3 =	vadd.f32 v7, v3;
	v7 =	vadd.f32 v14, v9;
	v14 =	vshll.u32 v1, $0x10;
	v9 =	vld [tilespmem:s16+$0x70]  }
0x333: {  	v15 =	vadd.f32 v18, v15;
	v1 =	vand.u32 $0xFFFF0000, v1;
	v4 =	vadd.f32 v4, v16  }
0x334: {  	v6 =	vadd.f32 v19, v6;
	v11 =	vadd.f32 v21, v11;
	v16 =	vmul.f32 $2.000000030e-01, v3;
	v18 =	vld [tilespmem:s16+$0x1470]  }
0x335: {  	v23 =	vshll.u32 v0, $0x10;
	v19 =	vmul.f32 $2.000000030e-01, v7;
	v21 =	vmul.f32 $2.000000030e-01, v15  }
0x336: {  	v24 =	vmul.f32 $2.000000030e-01, v6;
	v3 =	vmax.f32 v3, v16;
	v16 =	vmul.f32 $2.000000030e-01, v4  }
0x337: {  	v25 =	vand.u32 $0xFFFF0000, v22;
	[tilespmem:s0+$0xFFFFFF10] =	vst v3;
	v3 =	vmul.f32 $2.000000030e-01, v11;
	v26 =	vand.u32 $0xFFFF0000, v9  }
0x338: {  	v7 =	vmax.f32 v7, v19;
	v15 =	vmax.f32 v15, v21;
	v19 =	vadd.f32 v26, v25  }
0x339: {  	v6 =	vmax.f32 v6, v24;
	v4 =	vmax.f32 v4, v16;
	[tilespmem:s0+$0xFFFFFF50] =	vst v7;
	v7 =	vand.u32 $0xFFFF0000, v18  }
0x33a: {  	v3 =	vmax.f32 v11, v3;
	v11 =	vshll.u32 v22, $0x10;
	v16 =	vld [tilespmem:s16+$0xFFFFEBA0];
	[tilespmem:s0+$0xFFFFFF90] =	vst v15;
	v7 =	vadd.f32 v7, v19  }
0x33b: {  	v0 =	vand.u32 $0xFFFF0000, v0;
	v15 =	vld [tilespmem:s16+$0xFFFFFFA0];
	[tilespmem:s0+$0xFFFFFFD0] =	vst v4;
	v4 =	vshll.u32 v9, $0x10;
	v9 =	vshll.u32 v18, $0x10  }
0x33c: {  	v18 =	vld [tilespmem:s16+$0xFFFFEBE0];
	[tilespmem:s0+$0x10] =	vst v6;
	v11 =	vadd.f32 v4, v11;
	v4 =	vmul.f32 $2.000000030e-01, v7;
	v6 =	vadd.f32 v10, v2  }
0x33d: {  	v2 =	vadd.f32 v12, v5;
	v10 =	vld [tilespmem:s16+$0xFFFFFFE0];
	[tilespmem:s0+$0x50] =	vst v3;
	v3 =	vadd.f32 v14, v13  }
0x33e: {  	v5 =	vadd.f32 v1, v8;
	v12 =	vld [tilespmem:s16+$0xFFFFEC20];
	v7 =	vmax.f32 v7, v4;
	v4 =	vadd.f32 v23, v20  }
0x33f: {  	v1 =	vshll.u32 v16, $0x10;
	v13 =	vand.u32 $0xFFFF0000, v16;
	v14 =	vld [tilespmem:s16+$0x20];
	[tilespmem:s0+$0xF0] =	vst v7;
	v7 =	vadd.f32 v0, v17  }
0x340: {  	v8 =	vadd.f32 v9, v11;
	v0 =	vld [tilespmem:s16+$0x13A0];
	v16 =	vshll.u32 v15, $0x10;
	v15 =	vand.u32 $0xFFFF0000, v15  }
0x341: {  	v1 =	vadd.f32 v16, v1;
	v9 =	vld [tilespmem:s16+$0x13E0];
	v11 =	vshll.u32 v18, $0x10;
	v16 =	vand.u32 $0xFFFF0000, v18  }
0x342: {  	v13 =	vadd.f32 v15, v13;
	v15 =	vshll.u32 v10, $0x10;
	v10 =	vand.u32 $0xFFFF0000, v10;
	v17 =	vld [tilespmem:s16+$0x1420]  }
0x343: {  	v15 =	vadd.f32 v15, v11;
	v11 =	vshll.u32 v12, $0x10;
	v12 =	vand.u32 $0xFFFF0000, v12  }
0x344: {  	v10 =	vadd.f32 v10, v16;
	v16 =	vshll.u32 v14, $0x10;
	v14 =	vand.u32 $0xFFFF0000, v14  }
0x345: {  	v18 =	vshll.u32 v0, $0x10;
	v16 =	vadd.f32 v16, v11;
	v19 =	vadd.f32 v14, v12  }
0x346: {  	v0 =	vand.u32 $0xFFFF0000, v0;
	v12 =	vshll.u32 v9, $0x10;
	v14 =	vand.u32 $0xFFFF0000, v9  }
.Ltmp4:
0x347: {  	v1 =	vadd.f32 v18, v1;
	v18 =	vshll.u32 v17, $0x10;
	v17 =	vand.u32 $0xFFFF0000, v17;
	(pc) =	sbr.rel @p0 .LBB2_9-.Ltmp4, $4  }
0x348: {  	v11 =	vadd.f32 v0, v13;
	v9 =	vmul.f32 $2.000000030e-01, v6;
	v12 =	vadd.f32 v12, v15  }
0x349: {  	v13 =	vadd.f32 v14, v10;
	v20 =	vmul.f32 $2.000000030e-01, v1;
	v10 =	vadd.f32 v18, v16  }
0x34a: {  	v14 =	vmul.f32 $2.000000030e-01, v11;
	v0 =	vadd.f32 v17, v19;
	v15 =	vmul.f32 $2.000000030e-01, v12  }
0x34b: {  	s16 =	sadd.s32 $0x100, s16;
	v16 =	vmul.f32 $2.000000030e-01, v13;
	v17 =	vmax.f32 v1, v20;
	v1 =	vmul.f32 $2.000000030e-01, v10  }
0x34c: {  	[tilespmem:s0+$0xFFFFFF20] =	vst v17;
	v11 =	vmax.f32 v11, v14  }
0x34d: {  	[tilespmem:s0+$0xFFFFFF60] =	vst v11  }
0x34e: {  	v12 =	vmax.f32 v12, v15;
	v28 =	vld [tilespmem:s17+$0xFFFFEBB0]  }
0x34f: {  	v27 =	vmul.f32 $2.000000030e-01, v0;
	v29 =	vmul.f32 $2.000000030e-01, v2;
	v13 =	vmax.f32 v13, v16;
	[tilespmem:s0+$0xFFFFFFA0] =	vst v12;
	v31 =	vld [tilespmem:s17+$0xFFFFFFB0]  }
0x350: {  	v30 =	vmul.f32 $2.000000030e-01, v3;
	v32 =	vmul.f32 $2.000000030e-01, v5;
	[tilespmem:s0+$0xFFFFFFE0] =	vst v13;
	v41 =	vld [tilespmem:s17+$0x13B0]  }
0x351: {  	v33 =	vmul.f32 $2.000000030e-01, v4;
	v6 =	vmax.f32 v6, v9;
	v1 =	vmax.f32 v10, v1;
	v34 =	vld [tilespmem:s17+$0xFFFFEBF0]  }
0x352: {  	v35 =	vmul.f32 $2.000000030e-01, v7;
	v36 =	vmul.f32 $2.000000030e-01, v8;
	v0 =	vmax.f32 v0, v27;
	[tilespmem:s0+$0x20] =	vst v1;
	v37 =	vld [tilespmem:s17+$0xFFFFFFF0]  }
0x353: {  	v2 =	vmax.f32 v2, v29;
	v3 =	vmax.f32 v3, v30;
	v5 =	vmax.f32 v5, v32;
	[tilespmem:s0+$0x60] =	vst v0;
	v44 =	vld [tilespmem:s17+$0x13F0]  }
0x354: {  	v4 =	vmax.f32 v4, v33;
	v7 =	vmax.f32 v7, v35;
	v8 =	vmax.f32 v8, v36;
	v38 =	vld [tilespmem:s17+$0xFFFFEC30]  }
0x355: {  	v39 =	vld [tilespmem:s17+$0x30];
	v40 =	vshll.u32 v28, $0x10;
	v12 =	vand.u32 $0xFFFF0000, v28;
	v42 =	vshll.u32 v31, $0x10  }
0x356: {  	v13 =	vand.u32 $0xFFFF0000, v31;
	v49 =	vshll.u32 v41, $0x10;
	v51 =	vand.u32 $0xFFFF0000, v41  }
0x357: {  	v45 =	vld [tilespmem:s17+$0x1430];
	v43 =	vshll.u32 v34, $0x10;
	v1 =	vand.u32 $0xFFFF0000, v34;
	v18 =	vshll.u32 v37, $0x10  }
0x358: {  	v0 =	vand.u32 $0xFFFF0000, v37;
	v11 =	vadd.f32 v42, v40;
	v12 =	vadd.f32 v13, v12  }
0x359: {  	[tilespmem:s10+$0xFFFFFF30] =	vst v6;
	v52 =	vshll.u32 v44, $0x10;
	v53 =	vand.u32 $0xFFFF0000, v44;
	v46 =	vshll.u32 v38, $0x10  }
0x35a: {  	[tilespmem:s10+$0xFFFFFF70] =	vst v2;
	v10 =	vand.u32 $0xFFFF0000, v38;
	v47 =	vadd.f32 v18, v43;
	v48 =	vshll.u32 v39, $0x10  }
0x35b: {  	[tilespmem:s10+$0xFFFFFFB0] =	vst v3;
	v9 =	vand.u32 $0xFFFF0000, v39;
	v0 =	vadd.f32 v0, v1;
	v2 =	vadd.f32 v49, v11  }
0x35c: {  	[tilespmem:s10+$0xFFFFFFF0] =	vst v5;
	v54 =	vshll.u32 v45, $0x10;
	v56 =	vand.u32 $0xFFFF0000, v45;
	v3 =	vadd.f32 v51, v12  }
0x35d: {  	[tilespmem:s10+$0x30] =	vst v4;
	v50 =	vadd.f32 v48, v46;
	v5 =	vadd.f32 v52, v47;
	v55 =	vmul.f32 $2.000000030e-01, v2  }
0x35e: {  	[tilespmem:s10+$0x70] =	vst v7;
	v9 =	vadd.f32 v9, v10;
	v0 =	vadd.f32 v53, v0;
	v57 =	vmul.f32 $2.000000030e-01, v3  }
0x35f: {  	[tilespmem:s0+$0xB0] =	vst v8;
	v1 =	vadd.f32 v54, v50;
	v58 =	vmul.f32 $2.000000030e-01, v5;
	v2 =	vmax.f32 v2, v55  }
0x360: {  	v59 =	vadd.f32 v56, v9;
	v60 =	vmul.f32 $2.000000030e-01, v0;
	v3 =	vmax.f32 v3, v57;
	[tilespmem:s0+$0xFFFFFF30] =	vst v2  }
0x361: {  	v61 =	vmul.f32 $2.000000030e-01, v1;
	v4 =	vmax.f32 v5, v58;
	[tilespmem:s0+$0xFFFFFF70] =	vst v3  }
0x362: {  	v62 =	vmul.f32 $2.000000030e-01, v59;
	v0 =	vmax.f32 v0, v60;
	[tilespmem:s0+$0xFFFFFFB0] =	vst v4  }
0x363: {  	v1 =	vmax.f32 v1, v61;
	[tilespmem:s0+$0xFFFFFFF0] =	vst v0  }
0x364: {  	v63 =	vmax.f32 v59, v62;
	[tilespmem:s0+$0x30] =	vst v1  }
0x365: {  	[tilespmem:s0+$0x70] =	vst v63  }
0x366: {  	s0 =	rddreg [dreg:$0x9]  }
0x367: {  	[hbm4b:s0+s3] =	stream.linear.scatter [tilespmem:s14], [sflag:$0x5], $0x2800, $0x38;
	[tilespmem:$0xC9E0] =	vst v63  }
0x368: {  	_ =	swait.ge [sflag:s19], $0x2800  }
0x369: {  	[sflag:s19] =	ssyncset.done $0x0  }
0x36a: {  	[sflag:s19] =	ssyncadd.s32 $0xFFFFD800  }
0x36b: {  	_ =	swait.ge [sflag:s18], $0x2800  }
0x36c: {  	s1 =	rddreg [dreg:$0xb]  }
0x36d: {  	s31 =	rddreg [dreg:$0xa];
	s1 =	sadd.s32 $0x1, s1  }
0x36e: {  	p0 =	sne.s32 s1, s31  }
.Ltmp5:
0x36f: {  	_ = 	snop;
	(pc) =	sbr.rel @p0 .LBB2_1-.Ltmp5, $3  }
0x370: {  	_ =	sdelay $0x1  }
0x371: {  	[sflag:s18] =	ssyncset.done $0x0  }
0x372: {  	[sflag:s18] =	ssyncadd.s32 $0xFFFFD800  }
0x373: {  	_ =	sfence.sel $0x180000  }
0x374: {  	[bflag:$0x0] =	sbarrier.arrive $0xFFFF  }
0x375: {  	_ =	strace $0x90000047  }
0x376: {  	s0 =	stileid.u32;
	[bflag:$0x2] =	sbarrier.arrive $0xFFFF  }
0x377: {  	p0 =	sne.s32 s0, $0x0;
	s0 =	rddreg [dreg:$0x2]  }
0x378: {  	s0 =	sadd.s32 @!p0 $0x100000, s0  }
0x379: {  	[sflag:s0] =	ssyncadd.tile.s32 @!p0 $0x1;
	_ =	shalt  }
.Lfunc_end2:
_tile_overlayer_lowered:
.L_overlay_start_2:
0x37a: {  	(tag) =	ssettag $0x2  }
0x37b: {  	s0 =	rddreg [dreg:$0x0];
	s2 =	stileid.u32  }
0x37c: {  	s1 =	rddreg [dreg:$0x1];
	p0 =	sne.s32 s2, $0x0  }
0x37d: {  	s3 =	rddreg [dreg:$0x2];
	[bflag:$0x3] =	sbarrier.arrive $0xFFFF;
	s2 =	simm.s32 @!p0 $0x1C07  }
0x37e: {  	[timem:s3], [sflag:s2] =	dma.local @!p0 [hbm:s0], s1  }
0x37f: {  	s0 =	simm.s32 @!p0 $0x7  }
0x380: {  	_ =	swait.ge @!p0 [sflag:s0], s1  }
0x381: {  	s1 =	ssub.s32 @!p0 $0x0, s1;
	[sflag:s0] =	ssyncset.done @!p0 $0x0  }
0x382: {  	[sflag:s0] =	ssyncadd.s32 @!p0 s1  }
0x383: {  	[bflag:$0x3] =	sbarrier.arrive $0xFFFF  }
0x384: {  	_ =	shalt  }

</sc_bundles>
